<compile_context>
chip_gen: v7x
topology: tpu7x:2x2x1
jax: 0.10.2.dev20260603
libtpu: 0.0.44.dev20260713+nightly
codegen_flags: <defaults>
</compile_context>

<pallas_src>
import functools

import jax
import jax.numpy as jnp
from jax import lax
from jax.experimental import pallas as pl
from jax.experimental.pallas import tpu as pltpu
from jax.experimental.pallas import tpu_sc as plsc

N = 10000
D = 128
NP = 10240
ETOT = 330000
NTILES = 32
CHUNK = 128
EPW = 10368
EPAD = EPW * NTILES
NCHUNKS = EPW // CHUNK
CHUNK3 = 32
NCHUNKS3 = EPW // CHUNK3
_RPS = NP // 16
_ZR = 32

_HI = jax.lax.Precision.HIGHEST


def _dot(a, b):
    return jnp.dot(a, b, precision=_HI, preferred_element_type=jnp.float32)


def _prep_body(xb, pb, lin_W, lin_src_W, lin_dst_W, pos_Wp, a1_W, pos_b2, a1_b2,
               u1c_o, v1_o, wm_o, p_o):
    i = pl.program_id(0)
    x = xb[...]
    p = _dot(pb[...], pos_Wp[...])
    c1 = _dot(pos_b2[...], a1_W[...]) + a1_b2[...]
    u1c = _dot(_dot(x, lin_dst_W[...]) + p, a1_W[...]) + c1
    rows = lax.broadcasted_iota(jnp.int32, u1c.shape, 0) + i * u1c.shape[0]
    u1c_o[...] = jnp.where(rows < N, u1c, 0.0)
    v1_o[...] = _dot(_dot(x, lin_src_W[...]) + p, a1_W[...])
    wm_o[...] = _dot(x, lin_W[...]) - p
    p_o[...] = p


def _tc_prep(xp, posp, lin_W, lin_src_W, lin_dst_W, pos_Wp, a1_W, pos_b2, a1_b2):
    B = 2560
    grid = (NP // B,)
    row = pl.BlockSpec((B, D), lambda i: (i, 0))
    full = pl.BlockSpec((D, D), lambda i: (0, 0))
    vec = pl.BlockSpec((1, D), lambda i: (0, 0))
    out = jax.ShapeDtypeStruct((NP, D), jnp.float32)
    return pl.pallas_call(
        _prep_body,
        grid=grid,
        in_specs=[row, row, full, full, full, full, full, vec, vec],
        out_specs=[row, row, row, row],
        out_shape=[out, out, out, out],
    )(xp, posp, lin_W, lin_src_W, lin_dst_W, pos_Wp, a1_W, pos_b2, a1_b2)


def _stats_body(h1b, stats_o):
    j = pl.program_id(0)
    h = h1b[...]
    s = jnp.sum(h, axis=0)
    q = jnp.sum(h * h, axis=0)
    val = jnp.concatenate([s[None], q[None], jnp.zeros((6, D), jnp.float32)], 0)

    @pl.when(j == 0)
    def _():
        stats_o[...] = val

    @pl.when(j > 0)
    def _():
        stats_o[...] = stats_o[...] + val


def _tc_stats(h1):
    B = 4096
    return pl.pallas_call(
        _stats_body,
        grid=(EPAD // B,),
        in_specs=[pl.BlockSpec((B, D), lambda j: (j, 0))],
        out_specs=pl.BlockSpec((8, D), lambda j: (0, 0)),
        out_shape=jax.ShapeDtypeStruct((8, D), jnp.float32),
    )(h1)


def _xform_body(h1b, stats, a2_W, bn_g2, bn_b2, a2_b2, e1_o):
    st = stats[...]
    mu = st[0:1] / ETOT
    var = st[1:2] / ETOT - mu * mu
    rstd = lax.rsqrt(var + 1e-5)
    hn = (h1b[...] - mu) * (rstd * bn_g2[...]) + bn_b2[...]
    r = jnp.maximum(hn, 0.0)
    h2 = _dot(r, a2_W[...]) + a2_b2[...]
    e1_o[...] = jnp.exp(h2)


def _tc_xform(h1, stats, a2_W, bn_g2, bn_b2, a2_b2):
    B = 4096
    row = pl.BlockSpec((B, D), lambda j: (j, 0))
    full = pl.BlockSpec((D, D), lambda j: (0, 0))
    vec = pl.BlockSpec((1, D), lambda j: (0, 0))
    return pl.pallas_call(
        _xform_body,
        grid=(EPAD // B,),
        in_specs=[row, pl.BlockSpec((8, D), lambda j: (0, 0)), full, vec, vec, vec],
        out_specs=row,
        out_shape=jax.ShapeDtypeStruct((EPAD, D), jnp.float32),
    )(h1, stats, a2_W, bn_g2, bn_b2, a2_b2)


def _recip_body(sp, s_o, r_o):
    s = sp[0] + sp[1]
    s_o[...] = s
    r_o[...] = 1.0 / (s + 1e-16)


def _tc_recip2(sp):
    B = 2560
    row = pl.BlockSpec((B, D), lambda i: (i, 0))
    pair = pl.BlockSpec((2, B, D), lambda i: (0, i, 0))
    out = jax.ShapeDtypeStruct((NP, D), jnp.float32)
    return pl.pallas_call(
        _recip_body,
        grid=(NP // B,),
        in_specs=[pair],
        out_specs=[row, row],
        out_shape=[out, out],
    )(sp)


def _final_body(mp, s, p, xb, pos_b2, up_W, up_b2, o):
    m = mp[0] + mp[1]
    t = s[...] / (s[...] + 1e-16)
    out = m + t * (p[...] + pos_b2[...])
    o[...] = _dot(out, up_W[...]) + up_b2[...] + xb[...]


def _tc_final(mp, s, p, xp, pos_b2, up_W, up_b2):
    B = 2560
    row = pl.BlockSpec((B, D), lambda i: (i, 0))
    pair = pl.BlockSpec((2, B, D), lambda i: (0, i, 0))
    full = pl.BlockSpec((D, D), lambda i: (0, 0))
    vec = pl.BlockSpec((1, D), lambda i: (0, 0))
    return pl.pallas_call(
        _final_body,
        grid=(NP // B,),
        in_specs=[pair, row, row, row, vec, full, vec],
        out_specs=row,
        out_shape=jax.ShapeDtypeStruct((NP, D), jnp.float32),
    )(mp, s, p, xp, pos_b2, up_W, up_b2)


def _sc_mesh():
    return plsc.VectorSubcoreMesh(core_axis_name="c", subcore_axis_name="s",
                                  num_cores=2, num_subcores=16)


def _zero_shared(z_v, ssh, sid):
    @pl.loop(0, _ZR)
    def _zr(r):
        for kk in range(D // 16):
            z_v[r, pl.ds(kk * 16, 16)] = jnp.zeros((16,), jnp.float32)

    @pl.loop(0, _RPS // _ZR)
    def _zs(t):
        pltpu.sync_copy(z_v, ssh.at[pl.ds(sid * _RPS + t * _ZR, _ZR)])


def _read_shared(ssh, out_h, cid, sid):
    @pl.loop(0, _RPS // _ZR)
    def _os(t):
        r0 = sid * _RPS + t * _ZR
        pltpu.sync_copy(ssh.at[pl.ds(r0, _ZR)], out_h.at[cid, pl.ds(r0, _ZR)])


def _sc_gather_h1(u1c, v1, srcp, dstp):
    @functools.partial(
        pl.kernel,
        out_type=jax.ShapeDtypeStruct((EPAD, D), jnp.float32),
        mesh=_sc_mesh(),
        scratch_types=[
            pltpu.VMEM((EPW,), jnp.int32),
            pltpu.VMEM((EPW,), jnp.int32),
            pltpu.VMEM((CHUNK, D), jnp.float32),
            pltpu.VMEM((CHUNK, D), jnp.float32),
            pltpu.VMEM((CHUNK, D), jnp.float32),
            pltpu.VMEM((CHUNK, D), jnp.float32),
            pltpu.SemaphoreType.DMA,
            pltpu.SemaphoreType.DMA,
            pltpu.SemaphoreType.DMA,
            pltpu.SemaphoreType.DMA,
            pltpu.SemaphoreType.DMA,
            pltpu.SemaphoreType.DMA,
        ],
    )
    def k(u1c_h, v1_h, srcp_h, dstp_h, h1_h, didx_a, sidx_a, u_v0, u_v1, v_v0,
          v_v1, semu0, semu1, semv0, semv1, semst0, semst1):
        wid = lax.axis_index("c") * 16 + lax.axis_index("s")
        base0 = wid * EPW
        pltpu.sync_copy(dstp_h.at[pl.ds(base0, EPW)], didx_a)
        pltpu.sync_copy(srcp_h.at[pl.ds(base0, EPW)], sidx_a)
        bufs = ((u_v0, v_v0, semu0, semv0, semst0),
                (u_v1, v_v1, semu1, semv1, semst1))

        def start_gather(t, b):
            u_v, v_v, semu, semv, _ = bufs[b]
            pltpu.async_copy(u1c_h.at[didx_a.at[pl.ds(t * CHUNK, CHUNK)]], u_v, semu)
            pltpu.async_copy(v1_h.at[sidx_a.at[pl.ds(t * CHUNK, CHUNK)]], v_v, semv)

        start_gather(0, 0)

        @pl.loop(0, NCHUNKS)
        def _chunk(t):
            b = lax.rem(t, 2)
            for bb in range(2):
                @pl.when(b == bb)
                def _():
                    u_v, v_v, semu, semv, semst = bufs[bb]
                    u_o, v_o, semu_o, semv_o, semst_o = bufs[1 - bb]

                    @pl.when(t >= 1)
                    def _():
                        pltpu.make_async_copy(
                            v_o, h1_h.at[pl.ds(base0, CHUNK)], semst_o).wait()

                    @pl.when(t + 1 < NCHUNKS)
                    def _():
                        pltpu.async_copy(
                            u1c_h.at[didx_a.at[pl.ds((t + 1) * CHUNK, CHUNK)]],
                            u_o, semu_o)
                        pltpu.async_copy(
                            v1_h.at[sidx_a.at[pl.ds((t + 1) * CHUNK, CHUNK)]],
                            v_o, semv_o)

                    pltpu.make_async_copy(u1c_h.at[didx_a.at[pl.ds(0, CHUNK)]],
                                          u_v, semu).wait()
                    pltpu.make_async_copy(u1c_h.at[didx_a.at[pl.ds(0, CHUNK)]],
                                          v_v, semv).wait()

                    @pl.loop(0, CHUNK)
                    def _row(r):
                        for kk in range(D // 16):
                            sl = pl.ds(kk * 16, 16)
                            v_v[r, sl] = u_v[r, sl] - v_v[r, sl]

                    pltpu.async_copy(
                        v_v, h1_h.at[pl.ds(base0 + t * CHUNK, CHUNK)], semst)

        blast = lax.rem(NCHUNKS - 1, 2)
        for bb in range(2):
            @pl.when(blast == bb)
            def _():
                v_v, semst = bufs[bb][1], bufs[bb][4]
                pltpu.make_async_copy(
                    v_v, h1_h.at[pl.ds(base0, CHUNK)], semst).wait()

    return k(u1c, v1, srcp, dstp)


def _sc_segsum(e1, dstp):
    @functools.partial(
        pl.kernel,
        out_type=jax.ShapeDtypeStruct((2, NP, D), jnp.float32),
        mesh=_sc_mesh(),
        scratch_types=[
            pltpu.VMEM((EPW,), jnp.int32),
            pltpu.VMEM((CHUNK,), jnp.int32),
            pltpu.VMEM((CHUNK,), jnp.int32),
            pltpu.VMEM((CHUNK, D), jnp.float32),
            pltpu.VMEM((CHUNK, D), jnp.float32),
            pltpu.VMEM((_ZR, D), jnp.float32),
            pltpu.VMEM_SHARED((NP, D), jnp.float32),
            pltpu.SemaphoreType.DMA,
            pltpu.SemaphoreType.DMA,
            pltpu.SemaphoreType.DMA,
            pltpu.SemaphoreType.DMA,
        ],
    )
    def k(e1_h, dstp_h, sp_h, didx_a, lidx_v0, lidx_v1, e_v0, e_v1, z_v, ssh,
          seme0, seme1, semsc0, semsc1):
        cid = lax.axis_index("c")
        sid = lax.axis_index("s")
        _zero_shared(z_v, ssh, sid)
        plsc.subcore_barrier()
        base0 = (cid * 16 + sid) * EPW
        pltpu.sync_copy(dstp_h.at[pl.ds(base0, EPW)], didx_a)
        bufs = ((e_v0, lidx_v0, seme0, semsc0), (e_v1, lidx_v1, seme1, semsc1))
        pltpu.async_copy(e1_h.at[pl.ds(base0, CHUNK)], e_v0, seme0)

        @pl.loop(0, NCHUNKS)
        def _chunk(t):
            b = lax.rem(t, 2)
            for bb in range(2):
                @pl.when(b == bb)
                def _():
                    e_v, lidx_v, seme, semsc = bufs[bb]
                    e_o, lidx_o, seme_o, semsc_o = bufs[1 - bb]
                    pltpu.make_async_copy(e1_h.at[pl.ds(0, CHUNK)], e_v,
                                          seme).wait()

                    @pl.when(t >= 1)
                    def _():
                        pltpu.make_async_copy(e_o, ssh.at[lidx_o],
                                              semsc_o).wait()

                    @pl.when(t + 1 < NCHUNKS)
                    def _():
                        pltpu.async_copy(
                            e1_h.at[pl.ds(base0 + (t + 1) * CHUNK, CHUNK)],
                            e_o, seme_o)

                    @pl.loop(0, CHUNK // 16)
                    def _lc(kk):
                        lidx_v[pl.ds(kk * 16, 16)] = didx_a[
                            pl.ds(t * CHUNK + kk * 16, 16)]

                    pltpu.async_copy(e_v, ssh.at[lidx_v], semsc, add=True)

        blast = lax.rem(NCHUNKS - 1, 2)
        for bb in range(2):
            @pl.when(blast == bb)
            def _():
                e_v, lidx_v, _, semsc = bufs[bb]
                pltpu.make_async_copy(e_v, ssh.at[lidx_v], semsc).wait()

        plsc.subcore_barrier()
        _read_shared(ssh, sp_h, cid, sid)

    return k(e1, dstp)


def _sc_msg(e1, rinv, wm, srcp, dstp):
    @functools.partial(
        pl.kernel,
        out_type=jax.ShapeDtypeStruct((2, NP, D), jnp.float32),
        mesh=_sc_mesh(),
        scratch_types=[
            pltpu.VMEM((EPW,), jnp.int32),
            pltpu.VMEM((CHUNK3,), jnp.int32),
            pltpu.VMEM((CHUNK3,), jnp.int32),
            pltpu.VMEM((CHUNK3,), jnp.int32),
            pltpu.VMEM((CHUNK3,), jnp.int32),
            pltpu.VMEM((CHUNK3, D), jnp.float32),
            pltpu.VMEM((CHUNK3, D), jnp.float32),
            pltpu.VMEM((CHUNK3, D), jnp.float32),
            pltpu.VMEM((CHUNK3, D), jnp.float32),
            pltpu.VMEM((CHUNK3, D), jnp.float32),
            pltpu.VMEM((CHUNK3, D), jnp.float32),
            pltpu.VMEM((_ZR, D), jnp.float32),
            pltpu.VMEM_SHARED((NP, D), jnp.float32),
            pltpu.SemaphoreType.DMA,
            pltpu.SemaphoreType.DMA,
            pltpu.SemaphoreType.DMA,
            pltpu.SemaphoreType.DMA,
            pltpu.SemaphoreType.DMA,
            pltpu.SemaphoreType.DMA,
            pltpu.SemaphoreType.DMA,
            pltpu.SemaphoreType.DMA,
            pltpu.SemaphoreType.DMA,
            pltpu.SemaphoreType.DMA,
        ],
    )
    def k(e1_h, rinv_h, wm_h, srcp_h, dstp_h, mp_h, didx_a, lidx_v0, lidx_v1,
          sidx_v0, sidx_v1, e_v0, e_v1, s_v0, s_v1, w_v0, w_v1, z_v, msh,
          seme0, seme1, sems0, sems1, semw0, semw1, semsi0, semsi1, semsc0,
          semsc1):
        cid = lax.axis_index("c")
        sid = lax.axis_index("s")
        _zero_shared(z_v, msh, sid)
        plsc.subcore_barrier()
        base0 = (cid * 16 + sid) * EPW
        pltpu.sync_copy(dstp_h.at[pl.ds(base0, EPW)], didx_a)
        bufs = ((e_v0, s_v0, w_v0, sidx_v0, lidx_v0, seme0, sems0, semw0,
                 semsi0, semsc0),
                (e_v1, s_v1, w_v1, sidx_v1, lidx_v1, seme1, sems1, semw1,
                 semsi1, semsc1))
        pltpu.sync_copy(srcp_h.at[pl.ds(base0, CHUNK3)], sidx_v0)
        pltpu.async_copy(srcp_h.at[pl.ds(base0 + CHUNK3, CHUNK3)], sidx_v1, semsi1)
        pltpu.async_copy(rinv_h.at[didx_a.at[pl.ds(0, CHUNK3)]], s_v0, sems0)
        pltpu.async_copy(wm_h.at[sidx_v0], w_v0, semw0)
        pltpu.async_copy(e1_h.at[pl.ds(base0, CHUNK3)], e_v0, seme0)

        @pl.loop(0, NCHUNKS3)
        def _chunk(t):
            b = lax.rem(t, 2)
            for bb in range(2):
                @pl.when(b == bb)
                def _():
                    (e_v, s_v, w_v, sidx_v, lidx_v, seme, sems, semw, semsi,
                     semsc) = bufs[bb]
                    (e_o, s_o, w_o, sidx_o, lidx_o, seme_o, sems_o, semw_o,
                     semsi_o, semsc_o) = bufs[1 - bb]
                    pltpu.make_async_copy(e1_h.at[pl.ds(0, CHUNK3)], e_v,
                                          seme).wait()
                    pltpu.make_async_copy(e1_h.at[pl.ds(0, CHUNK3)], s_v,
                                          sems).wait()
                    pltpu.make_async_copy(e1_h.at[pl.ds(0, CHUNK3)], w_v,
                                          semw).wait()

                    @pl.when(t + 2 < NCHUNKS3)
                    def _():
                        pltpu.async_copy(
                            srcp_h.at[pl.ds(base0 + (t + 2) * CHUNK3, CHUNK3)],
                            sidx_v, semsi)

                    @pl.when(t >= 1)
                    def _():
                        pltpu.make_async_copy(e_o, msh.at[lidx_o],
                                              semsc_o).wait()

                    @pl.when(t + 1 < NCHUNKS3)
                    def _():
                        pltpu.make_async_copy(
                            srcp_h.at[pl.ds(base0, CHUNK3)], sidx_o,
                            semsi_o).wait()
                        pltpu.async_copy(
                            rinv_h.at[didx_a.at[pl.ds((t + 1) * CHUNK3, CHUNK3)]],
                            s_o, sems_o)
                        pltpu.async_copy(wm_h.at[sidx_o], w_o, semw_o)
                        pltpu.async_copy(
                            e1_h.at[pl.ds(base0 + (t + 1) * CHUNK3, CHUNK3)],
                            e_o, seme_o)

                    @pl.loop(0, CHUNK3 // 16)
                    def _lc(kk):
                        lidx_v[pl.ds(kk * 16, 16)] = didx_a[
                            pl.ds(t * CHUNK3 + kk * 16, 16)]

                    @pl.loop(0, CHUNK3)
                    def _row(r):
                        for kk in range(D // 16):
                            sl = pl.ds(kk * 16, 16)
                            e_v[r, sl] = e_v[r, sl] * s_v[r, sl] * w_v[r, sl]

                    pltpu.async_copy(e_v, msh.at[lidx_v], semsc, add=True)

        blast3 = lax.rem(NCHUNKS3 - 1, 2)
        for bb in range(2):
            @pl.when(blast3 == bb)
            def _():
                e_v, lidx_v, semsc = bufs[bb][0], bufs[bb][4], bufs[bb][9]
                pltpu.make_async_copy(e_v, msh.at[lidx_v], semsc).wait()

        plsc.subcore_barrier()
        _read_shared(msh, mp_h, cid, sid)

    return k(e1, rinv, wm, srcp, dstp)


def kernel(x, pos, edge_index, lin_W, lin_src_W, lin_dst_W, pos_W, pos_b, a1_W,
           a1_b, bn_g, bn_b, a2_W, a2_b, up_W, up_b):
    x = x.astype(jnp.float32)
    pos = pos.astype(jnp.float32)
    xp = jnp.pad(x, ((0, NP - N), (0, 0)))
    posp = jnp.pad(pos, ((0, NP - N), (0, D - 3)))
    pos_Wp = jnp.pad(pos_W.astype(jnp.float32), ((0, D - 3), (0, 0)))
    loops = jnp.arange(N, dtype=jnp.int32)
    npad = EPAD - ETOT
    srcp = jnp.concatenate([edge_index[0].astype(jnp.int32), loops,
                            jnp.full((npad,), N, jnp.int32)])
    dstp = jnp.concatenate([edge_index[1].astype(jnp.int32), loops,
                            jnp.full((npad,), N + 1, jnp.int32)])
    pos_b2 = pos_b.reshape(1, D)
    a1_b2 = a1_b.reshape(1, D)
    bn_g2 = bn_g.reshape(1, D)
    bn_b2 = bn_b.reshape(1, D)
    a2_b2 = a2_b.reshape(1, D)
    up_b2 = up_b.reshape(1, D)

    u1c, v1, wm, p = _tc_prep(xp, posp, lin_W, lin_src_W, lin_dst_W, pos_Wp,
                              a1_W, pos_b2, a1_b2)
    h1 = _sc_gather_h1(u1c, v1, srcp, dstp)
    stats = _tc_stats(h1)
    e1 = _tc_xform(h1, stats, a2_W, bn_g2, bn_b2, a2_b2)
    sp = _sc_segsum(e1, dstp)
    s, rinv = _tc_recip2(sp)
    mp = _sc_msg(e1, rinv, wm, srcp, dstp)
    out = _tc_final(mp, s, p, xp, pos_b2, up_W, up_b2)
    return out[:N]

# --- scband reference (transcript-rebuilt; emitter-appended) ---
"""Pipeline reference for scband-point-trans-layer-33182917329083 (READ-ONLY COPY).

The authoritative reference and input builder live on the scoring server;
editing this copy changes nothing except your own understanding.
"""

import jax, jax.numpy as jnp
import numpy as np

N = 10000
E = 320000
D = 128

def setup_inputs(seed: int = 0):
    key = jax.random.key(seed)
    ks = jax.random.split(key, 20)
    x = jax.random.normal(ks[0], (N, D), dtype=jnp.float32)
    pos = jax.random.uniform(ks[1], (N, 3), dtype=jnp.float32) * 10.0
    src = jax.random.randint(ks[2], (E,), 0, N)
    dst = jax.random.randint(ks[3], (E,), 0, N)
    dst = jnp.where(dst == src, (dst + 1) % N, dst)  # no self loops; PyG removes them anyway
    edge_index = jnp.stack([src, dst], axis=0)
    s = 1.0 / np.sqrt(D)
    sp = 1.0 / np.sqrt(3.0)
    lin_W = jax.random.uniform(ks[4], (D, D), minval=-s, maxval=s, dtype=jnp.float32)
    lin_src_W = jax.random.uniform(ks[5], (D, D), minval=-s, maxval=s, dtype=jnp.float32)
    lin_dst_W = jax.random.uniform(ks[6], (D, D), minval=-s, maxval=s, dtype=jnp.float32)
    pos_W = jax.random.uniform(ks[7], (3, D), minval=-sp, maxval=sp, dtype=jnp.float32)
    pos_b = jax.random.uniform(ks[8], (D,), minval=-sp, maxval=sp, dtype=jnp.float32)
    a1_W = jax.random.uniform(ks[9], (D, D), minval=-s, maxval=s, dtype=jnp.float32)
    a1_b = jax.random.uniform(ks[10], (D,), minval=-s, maxval=s, dtype=jnp.float32)
    bn_g = jnp.ones((D,), dtype=jnp.float32)
    bn_b = jnp.zeros((D,), dtype=jnp.float32)
    a2_W = jax.random.uniform(ks[11], (D, D), minval=-s, maxval=s, dtype=jnp.float32)
    a2_b = jax.random.uniform(ks[12], (D,), minval=-s, maxval=s, dtype=jnp.float32)
    up_W = jax.random.uniform(ks[13], (D, D), minval=-s, maxval=s, dtype=jnp.float32)
    up_b = jax.random.uniform(ks[14], (D,), minval=-s, maxval=s, dtype=jnp.float32)
    return {"x": x, "pos": pos, "edge_index": edge_index, "lin_W": lin_W, "lin_src_W": lin_src_W, "lin_dst_W": lin_dst_W, "pos_W": pos_W, "pos_b": pos_b, "a1_W": a1_W, "a1_b": a1_b, "bn_g": bn_g, "bn_b": bn_b, "a2_W": a2_W, "a2_b": a2_b, "up_W": up_W, "up_b": up_b}

def reference(x, pos, edge_index, lin_W, lin_src_W, lin_dst_W, pos_W, pos_b, a1_W, a1_b, bn_g, bn_b, a2_W, a2_b, up_W, up_b):
    n = x.shape[0]
    x = x.astype(jnp.float32)
    pos = pos.astype(jnp.float32)
    # PointTransformerConv: remove_self_loops (inputs have none) + add_self_loops
    loops = jnp.arange(n, dtype=edge_index.dtype)
    ei = jnp.concatenate([edge_index, jnp.stack([loops, loops], axis=0)], axis=1)
    src = ei[0]  # j (source)
    dst = ei[1]  # i (target)
    alpha_src = x @ lin_src_W  # lin_src(x), gathered at j
    alpha_dst = x @ lin_dst_W  # lin_dst(x), gathered at i
    xv = x @ lin_W             # value transform (bias=False)
    # pos_nn: MLP num_layers=1 -> single Linear(3, D)
    delta = (pos[dst] - pos[src]) @ pos_W + pos_b
    a = alpha_dst[dst] - alpha_src[src] + delta
    # attn_nn: MLP num_layers=2 -> Linear -> BatchNorm(train stats) -> ReLU -> Linear
    h = a @ a1_W + a1_b
    mu = jnp.mean(h, axis=0)
    var = jnp.var(h, axis=0)
    h = (h - mu) / jnp.sqrt(var + 1e-5) * bn_g + bn_b
    h = jax.nn.relu(h)
    h = h @ a2_W + a2_b
    # softmax over incoming edges of each dst node (PyG softmax with 1e-16 eps)
    mx = jax.ops.segment_max(h, dst, num_segments=n)
    e = jnp.exp(h - mx[dst])
    ssum = jax.ops.segment_sum(e, dst, num_segments=n)
    attn = e / (ssum[dst] + 1e-16)
    msg = attn * (xv[src] + delta)
    out = jax.ops.segment_sum(msg, dst, num_segments=n)
    out = out @ up_W + up_b  # linear_up
    return out + x           # residual: data.x = out + data.x

if __name__ == "__main__":
    import jax
    _d = setup_inputs()
    print(jax.jit(kernel)(*tuple(_d.values())))

</pallas_src>

<mosaic_0001>
#map = affine_map<(d0, d1) -> (0, 0)>
#map1 = affine_map<(d0, d1) -> (0)>
module attributes {stable_mosaic.version = 14 : i64} {
  func.func @k(%arg0: i32, %arg1: i32, %arg2: memref<10240x128xf32, #tpu.memory_space<hbm>>, %arg3: memref<10240x128xf32, #tpu.memory_space<hbm>>, %arg4: memref<331776xi32, #tpu.memory_space<hbm>>, %arg5: memref<331776xi32, #tpu.memory_space<hbm>>, %arg6: memref<331776x128xf32, #tpu.memory_space<hbm>>, %arg7: memref<10368xi32, #tpu.memory_space<vmem>>, %arg8: memref<10368xi32, #tpu.memory_space<vmem>>, %arg9: memref<128x128xf32, #tpu.memory_space<vmem>>, %arg10: memref<128x128xf32, #tpu.memory_space<vmem>>, %arg11: memref<128x128xf32, #tpu.memory_space<vmem>>, %arg12: memref<128x128xf32, #tpu.memory_space<vmem>>, %arg13: memref<!tpu.dma_semaphore, #tpu.memory_space<semaphore_mem>>, %arg14: memref<!tpu.dma_semaphore, #tpu.memory_space<semaphore_mem>>, %arg15: memref<!tpu.dma_semaphore, #tpu.memory_space<semaphore_mem>>, %arg16: memref<!tpu.dma_semaphore, #tpu.memory_space<semaphore_mem>>, %arg17: memref<!tpu.dma_semaphore, #tpu.memory_space<semaphore_mem>>, %arg18: memref<!tpu.dma_semaphore, #tpu.memory_space<semaphore_mem>>) attributes {dimension_semantics = [#tpu.dimension_semantics<core_parallel>, #tpu.dimension_semantics<subcore_parallel>], iteration_bounds = array<i64: 2, 16>, scalar_prefetch = 0 : i64, scratch_operands = 12 : i64, tpu.core_type = #tpu.core_type<sc_vector_subcore>, window_params = [{transform_indices = #map}, {transform_indices = #map}, {transform_indices = #map1}, {transform_indices = #map1}, {transform_indices = #map}]} {
    %mul3A = arith.constant 16 : i32
    %mul3A_0 = arith.muli %arg0, %mul3A : i32
    %add3A = arith.addi %mul3A_0, %arg1 : i32
    %mul3A_1 = arith.constant 10368 : i32
    %mul3A_2 = arith.muli %add3A, %mul3A_1 : i32
    "tpu.region"() ({
      %run_scoped3A = tpu.sem_alloc : memref<!tpu.dma_semaphore, #tpu.memory_space<semaphore_mem>>
      %dma_start3A_25 = tpu.memref_slice %arg5[%mul3A_2] : memref<331776xi32, #tpu.memory_space<hbm>> -> memref<10368xi32, #tpu.memory_space<hbm>>
      %dma_start3A_26 = tpu.memref_slice %arg5[%mul3A_2] : memref<331776xi32, #tpu.memory_space<hbm>> -> memref<10368xi32, #tpu.memory_space<hbm>>
      tpu.enqueue_dma source(%dma_start3A_26 : memref<10368xi32, #tpu.memory_space<hbm>>) target(%arg7 : memref<10368xi32, #tpu.memory_space<vmem>>) target_semaphore(%run_scoped3A : memref<!tpu.dma_semaphore, #tpu.memory_space<semaphore_mem>>)
      %dma_wait3A = tpu.memref_slice %arg5[%mul3A_2] : memref<331776xi32, #tpu.memory_space<hbm>> -> memref<10368xi32, #tpu.memory_space<hbm>>
      %dma_wait3A_27 = tpu.memref_slice %arg5[%mul3A_2] : memref<331776xi32, #tpu.memory_space<hbm>> -> memref<10368xi32, #tpu.memory_space<hbm>>
      tpu.wait_dma2 semaphore(%run_scoped3A : memref<!tpu.dma_semaphore, #tpu.memory_space<semaphore_mem>>) src(%dma_wait3A_27 : memref<10368xi32, #tpu.memory_space<hbm>>) dst(%arg7 : memref<10368xi32, #tpu.memory_space<vmem>>)
      tpu.yield
    }) : () -> ()
    "tpu.region"() ({
      %run_scoped3A = tpu.sem_alloc : memref<!tpu.dma_semaphore, #tpu.memory_space<semaphore_mem>>
      %dma_start3A_25 = tpu.memref_slice %arg4[%mul3A_2] : memref<331776xi32, #tpu.memory_space<hbm>> -> memref<10368xi32, #tpu.memory_space<hbm>>
      %dma_start3A_26 = tpu.memref_slice %arg4[%mul3A_2] : memref<331776xi32, #tpu.memory_space<hbm>> -> memref<10368xi32, #tpu.memory_space<hbm>>
      tpu.enqueue_dma source(%dma_start3A_26 : memref<10368xi32, #tpu.memory_space<hbm>>) target(%arg8 : memref<10368xi32, #tpu.memory_space<vmem>>) target_semaphore(%run_scoped3A : memref<!tpu.dma_semaphore, #tpu.memory_space<semaphore_mem>>)
      %dma_wait3A = tpu.memref_slice %arg4[%mul3A_2] : memref<331776xi32, #tpu.memory_space<hbm>> -> memref<10368xi32, #tpu.memory_space<hbm>>
      %dma_wait3A_27 = tpu.memref_slice %arg4[%mul3A_2] : memref<331776xi32, #tpu.memory_space<hbm>> -> memref<10368xi32, #tpu.memory_space<hbm>>
      tpu.wait_dma2 semaphore(%run_scoped3A : memref<!tpu.dma_semaphore, #tpu.memory_space<semaphore_mem>>) src(%dma_wait3A_27 : memref<10368xi32, #tpu.memory_space<hbm>>) dst(%arg8 : memref<10368xi32, #tpu.memory_space<vmem>>)
      tpu.yield
    }) : () -> ()
    %dma_start3A = arith.constant 0 : i32
    %dma_start3A_3 = tpu.memref_slice %arg7[%dma_start3A] : memref<10368xi32, #tpu.memory_space<vmem>> -> memref<128xi32, #tpu.memory_space<vmem>>
    %dma_start3A_4 = arith.constant 0 : i32
    %dma_start3A_5 = arith.constant 0 : i32
    %dma_start3A_6 = tpu.memref_slice %arg2[%dma_start3A_4, %dma_start3A_5] : memref<10240x128xf32, #tpu.memory_space<hbm>> -> memref<10240x128xf32, #tpu.memory_space<hbm>>
    tpu.enqueue_indirect_dma source(%dma_start3A_6 : memref<10240x128xf32, #tpu.memory_space<hbm>>) target(%arg9 : memref<128x128xf32, #tpu.memory_space<vmem>>) offsets(%dma_start3A_3 : memref<128xi32, #tpu.memory_space<vmem>>) semaphore(%arg13 : memref<!tpu.dma_semaphore, #tpu.memory_space<semaphore_mem>>)
    %dma_start3A_7 = arith.constant 0 : i32
    %dma_start3A_8 = tpu.memref_slice %arg8[%dma_start3A_7] : memref<10368xi32, #tpu.memory_space<vmem>> -> memref<128xi32, #tpu.memory_space<vmem>>
    %dma_start3A_9 = arith.constant 0 : i32
    %dma_start3A_10 = arith.constant 0 : i32
    %dma_start3A_11 = tpu.memref_slice %arg3[%dma_start3A_9, %dma_start3A_10] : memref<10240x128xf32, #tpu.memory_space<hbm>> -> memref<10240x128xf32, #tpu.memory_space<hbm>>
    tpu.enqueue_indirect_dma source(%dma_start3A_11 : memref<10240x128xf32, #tpu.memory_space<hbm>>) target(%arg11 : memref<128x128xf32, #tpu.memory_space<vmem>>) offsets(%dma_start3A_8 : memref<128xi32, #tpu.memory_space<vmem>>) semaphore(%arg15 : memref<!tpu.dma_semaphore, #tpu.memory_space<semaphore_mem>>)
    %scan3A = arith.constant 0 : i32
    %scan3A_12 = arith.constant 81 : i32
    %scan3A_13 = arith.addi %scan3A, %scan3A_12 : i32
    %scan3A_14 = arith.constant 1 : i32
    scf.for %scan3A_25 = %scan3A to %scan3A_13 step %scan3A_14  : i32 {
      %mul3A_26 = arith.constant 1 : i32
      %mul3A_27 = arith.muli %scan3A_25, %mul3A_26 : i32
      %add3A_28 = arith.constant 0 : i32
      %add3A_29 = arith.addi %add3A_28, %mul3A_27 : i32
      %rem3A_30 = arith.constant 2 : i32
      %rem3A_31 = arith.remsi %add3A_29, %rem3A_30 : i32
      %eq3A_32 = arith.constant 0 : i32
      %eq3A_33 = arith.cmpi eq, %rem3A_31, %eq3A_32 : i32
      %convert_element_type3A_34 = arith.extui %eq3A_33 : i1 to i32
      %cond3A_35 = arith.constant 0 : i32
      %cond3A_36 = arith.cmpi ne, %convert_element_type3A_34, %cond3A_35 : i32
      scf.if %cond3A_36 {
        %ge3A = arith.constant 1 : i32
        %ge3A_42 = arith.cmpi sge, %add3A_29, %ge3A : i32
        %convert_element_type3A_43 = arith.extui %ge3A_42 : i1 to i32
        %cond3A_44 = arith.constant 0 : i32
        %cond3A_45 = arith.cmpi ne, %convert_element_type3A_43, %cond3A_44 : i32
        scf.if %cond3A_45 {
          %dma_wait3A_73 = arith.constant 0 : i32
          %dma_wait3A_74 = tpu.memref_slice %arg6[%mul3A_2, %dma_wait3A_73] : memref<331776x128xf32, #tpu.memory_space<hbm>> -> memref<128x128xf32, #tpu.memory_space<hbm>>
          %dma_wait3A_75 = arith.constant 0 : i32
          %dma_wait3A_76 = tpu.memref_slice %arg6[%mul3A_2, %dma_wait3A_75] : memref<331776x128xf32, #tpu.memory_space<hbm>> -> memref<128x128xf32, #tpu.memory_space<hbm>>
          tpu.wait_dma2 semaphore(%arg18 : memref<!tpu.dma_semaphore, #tpu.memory_space<semaphore_mem>>) src(%arg12 : memref<128x128xf32, #tpu.memory_space<vmem>>) dst(%dma_wait3A_76 : memref<128x128xf32, #tpu.memory_space<hbm>>)
        } else {
        }
        %add3A_46 = arith.constant 1 : i32
        %add3A_47 = arith.addi %add3A_29, %add3A_46 : i32
        %lt3A = arith.constant 81 : i32
        %lt3A_48 = arith.cmpi slt, %add3A_47, %lt3A : i32
        %convert_element_type3A_49 = arith.extui %lt3A_48 : i1 to i32
        %cond3A_50 = arith.constant 0 : i32
        %cond3A_51 = arith.cmpi ne, %convert_element_type3A_49, %cond3A_50 : i32
        scf.if %cond3A_51 {
          %add3A_73 = arith.constant 1 : i32
          %add3A_74 = arith.addi %add3A_29, %add3A_73 : i32
          %mul3A_75 = arith.constant 128 : i32
          %mul3A_76 = arith.muli %add3A_74, %mul3A_75 : i32
          %dma_start3A_77 = tpu.memref_slice %arg7[%mul3A_76] : memref<10368xi32, #tpu.memory_space<vmem>> -> memref<128xi32, #tpu.memory_space<vmem>>
          %dma_start3A_78 = arith.constant 0 : i32
          %dma_start3A_79 = arith.constant 0 : i32
          %dma_start3A_80 = tpu.memref_slice %arg2[%dma_start3A_78, %dma_start3A_79] : memref<10240x128xf32, #tpu.memory_space<hbm>> -> memref<10240x128xf32, #tpu.memory_space<hbm>>
          tpu.enqueue_indirect_dma source(%dma_start3A_80 : memref<10240x128xf32, #tpu.memory_space<hbm>>) target(%arg10 : memref<128x128xf32, #tpu.memory_space<vmem>>) offsets(%dma_start3A_77 : memref<128xi32, #tpu.memory_space<vmem>>) semaphore(%arg14 : memref<!tpu.dma_semaphore, #tpu.memory_space<semaphore_mem>>)
          %add3A_81 = arith.constant 1 : i32
          %add3A_82 = arith.addi %add3A_29, %add3A_81 : i32
          %mul3A_83 = arith.constant 128 : i32
          %mul3A_84 = arith.muli %add3A_82, %mul3A_83 : i32
          %dma_start3A_85 = tpu.memref_slice %arg8[%mul3A_84] : memref<10368xi32, #tpu.memory_space<vmem>> -> memref<128xi32, #tpu.memory_space<vmem>>
          %dma_start3A_86 = arith.constant 0 : i32
          %dma_start3A_87 = arith.constant 0 : i32
          %dma_start3A_88 = tpu.memref_slice %arg3[%dma_start3A_86, %dma_start3A_87] : memref<10240x128xf32, #tpu.memory_space<hbm>> -> memref<10240x128xf32, #tpu.memory_space<hbm>>
          tpu.enqueue_indirect_dma source(%dma_start3A_88 : memref<10240x128xf32, #tpu.memory_space<hbm>>) target(%arg12 : memref<128x128xf32, #tpu.memory_space<vmem>>) offsets(%dma_start3A_85 : memref<128xi32, #tpu.memory_space<vmem>>) semaphore(%arg16 : memref<!tpu.dma_semaphore, #tpu.memory_space<semaphore_mem>>)
        } else {
        }
        %dma_wait3A = arith.constant 0 : i32
        %dma_wait3A_52 = tpu.memref_slice %arg7[%dma_wait3A] : memref<10368xi32, #tpu.memory_space<vmem>> -> memref<128xi32, #tpu.memory_space<vmem>>
        %dma_wait3A_53 = arith.constant 0 : i32
        %dma_wait3A_54 = arith.constant 0 : i32
        %dma_wait3A_55 = tpu.memref_slice %arg2[%dma_wait3A_53, %dma_wait3A_54] : memref<10240x128xf32, #tpu.memory_space<hbm>> -> memref<10240x128xf32, #tpu.memory_space<hbm>>
        tpu.wait_indirect_dma semaphore(%arg13 : memref<!tpu.dma_semaphore, #tpu.memory_space<semaphore_mem>>) src(%dma_wait3A_55 : memref<10240x128xf32, #tpu.memory_space<hbm>>) dst(%arg9 : memref<128x128xf32, #tpu.memory_space<vmem>>)
        %dma_wait3A_56 = arith.constant 0 : i32
        %dma_wait3A_57 = tpu.memref_slice %arg7[%dma_wait3A_56] : memref<10368xi32, #tpu.memory_space<vmem>> -> memref<128xi32, #tpu.memory_space<vmem>>
        %dma_wait3A_58 = arith.constant 0 : i32
        %dma_wait3A_59 = arith.constant 0 : i32
        %dma_wait3A_60 = tpu.memref_slice %arg2[%dma_wait3A_58, %dma_wait3A_59] : memref<10240x128xf32, #tpu.memory_space<hbm>> -> memref<10240x128xf32, #tpu.memory_space<hbm>>
        tpu.wait_indirect_dma semaphore(%arg15 : memref<!tpu.dma_semaphore, #tpu.memory_space<semaphore_mem>>) src(%dma_wait3A_60 : memref<10240x128xf32, #tpu.memory_space<hbm>>) dst(%arg11 : memref<128x128xf32, #tpu.memory_space<vmem>>)
        %scan3A_61 = arith.constant 0 : i32
        %scan3A_62 = arith.constant 128 : i32
        %scan3A_63 = arith.addi %scan3A_61, %scan3A_62 : i32
        %scan3A_64 = arith.constant 1 : i32
        scf.for %scan3A_73 = %scan3A_61 to %scan3A_63 step %scan3A_64  : i32 {
          %mul3A_74 = arith.constant 1 : i32
          %mul3A_75 = arith.muli %scan3A_73, %mul3A_74 : i32
          %add3A_76 = arith.constant 0 : i32
          %add3A_77 = arith.addi %add3A_76, %mul3A_75 : i32
          %get3A = arith.index_cast %add3A_77 : i32 to index
          %get3A_78 = arith.constant 0 : index
          %get3A_79 = tpu.vector_load %arg9[%get3A, %get3A_78] {strides = array<i32>} : memref<128x128xf32, #tpu.memory_space<vmem>>, vector<1x16xf32>,
          %get3A_80 = vector.shape_cast %get3A_79 : vector<1x16xf32> to vector<16xf32>
          %get3A_81 = arith.index_cast %add3A_77 : i32 to index
          %get3A_82 = arith.constant 0 : index
          %get3A_83 = tpu.vector_load %arg11[%get3A_81, %get3A_82] {strides = array<i32>} : memref<128x128xf32, #tpu.memory_space<vmem>>, vector<1x16xf32>,
          %get3A_84 = vector.shape_cast %get3A_83 : vector<1x16xf32> to vector<16xf32>
          %sub3A = arith.subf %get3A_80, %get3A_84 : vector<16xf32>
          %swap3A = arith.index_cast %add3A_77 : i32 to index
          %swap3A_85 = arith.constant 0 : index
          %swap3A_86 = tpu.vector_load %arg11[%swap3A, %swap3A_85] {strides = array<i32>} : memref<128x128xf32, #tpu.memory_space<vmem>>, vector<1x16xf32>,
          %swap3A_87 = vector.shape_cast %swap3A_86 : vector<1x16xf32> to vector<16xf32>
          %swap3A_88 = vector.shape_cast %sub3A : vector<16xf32> to vector<1x16xf32>
          tpu.vector_store %arg11[%swap3A, %swap3A_85], %swap3A_88 {strides = array<i32>} : memref<128x128xf32, #tpu.memory_space<vmem>>, vector<1x16xf32>,
          %get3A_89 = arith.index_cast %add3A_77 : i32 to index
          %get3A_90 = arith.constant 16 : index
          %get3A_91 = tpu.vector_load %arg9[%get3A_89, %get3A_90] {strides = array<i32>} : memref<128x128xf32, #tpu.memory_space<vmem>>, vector<1x16xf32>,
          %get3A_92 = vector.shape_cast %get3A_91 : vector<1x16xf32> to vector<16xf32>
          %get3A_93 = arith.index_cast %add3A_77 : i32 to index
          %get3A_94 = arith.constant 16 : index
          %get3A_95 = tpu.vector_load %arg11[%get3A_93, %get3A_94] {strides = array<i32>} : memref<128x128xf32, #tpu.memory_space<vmem>>, vector<1x16xf32>,
          %get3A_96 = vector.shape_cast %get3A_95 : vector<1x16xf32> to vector<16xf32>
          %sub3A_97 = arith.subf %get3A_92, %get3A_96 : vector<16xf32>
          %swap3A_98 = arith.index_cast %add3A_77 : i32 to index
          %swap3A_99 = arith.constant 16 : index
          %swap3A_100 = tpu.vector_load %arg11[%swap3A_98, %swap3A_99] {strides = array<i32>} : memref<128x128xf32, #tpu.memory_space<vmem>>, vector<1x16xf32>,
          %swap3A_101 = vector.shape_cast %swap3A_100 : vector<1x16xf32> to vector<16xf32>
          %swap3A_102 = vector.shape_cast %sub3A_97 : vector<16xf32> to vector<1x16xf32>
          tpu.vector_store %arg11[%swap3A_98, %swap3A_99], %swap3A_102 {strides = array<i32>} : memref<128x128xf32, #tpu.memory_space<vmem>>, vector<1x16xf32>,
          %get3A_103 = arith.index_cast %add3A_77 : i32 to index
          %get3A_104 = arith.constant 32 : index
          %get3A_105 = tpu.vector_load %arg9[%get3A_103, %get3A_104] {strides = array<i32>} : memref<128x128xf32, #tpu.memory_space<vmem>>, vector<1x16xf32>,
          %get3A_106 = vector.shape_cast %get3A_105 : vector<1x16xf32> to vector<16xf32>
          %get3A_107 = arith.index_cast %add3A_77 : i32 to index
          %get3A_108 = arith.constant 32 : index
          %get3A_109 = tpu.vector_load %arg11[%get3A_107, %get3A_108] {strides = array<i32>} : memref<128x128xf32, #tpu.memory_space<vmem>>, vector<1x16xf32>,
          %get3A_110 = vector.shape_cast %get3A_109 : vector<1x16xf32> to vector<16xf32>
          %sub3A_111 = arith.subf %get3A_106, %get3A_110 : vector<16xf32>
          %swap3A_112 = arith.index_cast %add3A_77 : i32 to index
          %swap3A_113 = arith.constant 32 : index
          %swap3A_114 = tpu.vector_load %arg11[%swap3A_112, %swap3A_113] {strides = array<i32>} : memref<128x128xf32, #tpu.memory_space<vmem>>, vector<1x16xf32>,
          %swap3A_115 = vector.shape_cast %swap3A_114 : vector<1x16xf32> to vector<16xf32>
          %swap3A_116 = vector.shape_cast %sub3A_111 : vector<16xf32> to vector<1x16xf32>
          tpu.vector_store %arg11[%swap3A_112, %swap3A_113], %swap3A_116 {strides = array<i32>} : memref<128x128xf32, #tpu.memory_space<vmem>>, vector<1x16xf32>,
          %get3A_117 = arith.index_cast %add3A_77 : i32 to index
          %get3A_118 = arith.constant 48 : index
          %get3A_119 = tpu.vector_load %arg9[%get3A_117, %get3A_118] {strides = array<i32>} : memref<128x128xf32, #tpu.memory_space<vmem>>, vector<1x16xf32>,
          %get3A_120 = vector.shape_cast %get3A_119 : vector<1x16xf32> to vector<16xf32>
          %get3A_121 = arith.index_cast %add3A_77 : i32 to index
          %get3A_122 = arith.constant 48 : index
          %get3A_123 = tpu.vector_load %arg11[%get3A_121, %get3A_122] {strides = array<i32>} : memref<128x128xf32, #tpu.memory_space<vmem>>, vector<1x16xf32>,
          %get3A_124 = vector.shape_cast %get3A_123 : vector<1x16xf32> to vector<16xf32>
          %sub3A_125 = arith.subf %get3A_120, %get3A_124 : vector<16xf32>
          %swap3A_126 = arith.index_cast %add3A_77 : i32 to index
          %swap3A_127 = arith.constant 48 : index
          %swap3A_128 = tpu.vector_load %arg11[%swap3A_126, %swap3A_127] {strides = array<i32>} : memref<128x128xf32, #tpu.memory_space<vmem>>, vector<1x16xf32>,
          %swap3A_129 = vector.shape_cast %swap3A_128 : vector<1x16xf32> to vector<16xf32>
          %swap3A_130 = vector.shape_cast %sub3A_125 : vector<16xf32> to vector<1x16xf32>
          tpu.vector_store %arg11[%swap3A_126, %swap3A_127], %swap3A_130 {strides = array<i32>} : memref<128x128xf32, #tpu.memory_space<vmem>>, vector<1x16xf32>,
          %get3A_131 = arith.index_cast %add3A_77 : i32 to index
          %get3A_132 = arith.constant 64 : index
          %get3A_133 = tpu.vector_load %arg9[%get3A_131, %get3A_132] {strides = array<i32>} : memref<128x128xf32, #tpu.memory_space<vmem>>, vector<1x16xf32>,
          %get3A_134 = vector.shape_cast %get3A_133 : vector<1x16xf32> to vector<16xf32>
          %get3A_135 = arith.index_cast %add3A_77 : i32 to index
          %get3A_136 = arith.constant 64 : index
          %get3A_137 = tpu.vector_load %arg11[%get3A_135, %get3A_136] {strides = array<i32>} : memref<128x128xf32, #tpu.memory_space<vmem>>, vector<1x16xf32>,
          %get3A_138 = vector.shape_cast %get3A_137 : vector<1x16xf32> to vector<16xf32>
          %sub3A_139 = arith.subf %get3A_134, %get3A_138 : vector<16xf32>
          %swap3A_140 = arith.index_cast %add3A_77 : i32 to index
          %swap3A_141 = arith.constant 64 : index
          %swap3A_142 = tpu.vector_load %arg11[%swap3A_140, %swap3A_141] {strides = array<i32>} : memref<128x128xf32, #tpu.memory_space<vmem>>, vector<1x16xf32>,
          %swap3A_143 = vector.shape_cast %swap3A_142 : vector<1x16xf32> to vector<16xf32>
          %swap3A_144 = vector.shape_cast %sub3A_139 : vector<16xf32> to vector<1x16xf32>
          tpu.vector_store %arg11[%swap3A_140, %swap3A_141], %swap3A_144 {strides = array<i32>} : memref<128x128xf32, #tpu.memory_space<vmem>>, vector<1x16xf32>,
          %get3A_145 = arith.index_cast %add3A_77 : i32 to index
          %get3A_146 = arith.constant 80 : index
          %get3A_147 = tpu.vector_load %arg9[%get3A_145, %get3A_146] {strides = array<i32>} : memref<128x128xf32, #tpu.memory_space<vmem>>, vector<1x16xf32>,
          %get3A_148 = vector.shape_cast %get3A_147 : vector<1x16xf32> to vector<16xf32>
          %get3A_149 = arith.index_cast %add3A_77 : i32 to index
          %get3A_150 = arith.constant 80 : index
          %get3A_151 = tpu.vector_load %arg11[%get3A_149, %get3A_150] {strides = array<i32>} : memref<128x128xf32, #tpu.memory_space<vmem>>, vector<1x16xf32>,
          %get3A_152 = vector.shape_cast %get3A_151 : vector<1x16xf32> to vector<16xf32>
          %sub3A_153 = arith.subf %get3A_148, %get3A_152 : vector<16xf32>
          %swap3A_154 = arith.index_cast %add3A_77 : i32 to index
          %swap3A_155 = arith.constant 80 : index
          %swap3A_156 = tpu.vector_load %arg11[%swap3A_154, %swap3A_155] {strides = array<i32>} : memref<128x128xf32, #tpu.memory_space<vmem>>, vector<1x16xf32>,
          %swap3A_157 = vector.shape_cast %swap3A_156 : vector<1x16xf32> to vector<16xf32>
          %swap3A_158 = vector.shape_cast %sub3A_153 : vector<16xf32> to vector<1x16xf32>
          tpu.vector_store %arg11[%swap3A_154, %swap3A_155], %swap3A_158 {strides = array<i32>} : memref<128x128xf32, #tpu.memory_space<vmem>>, vector<1x16xf32>,
          %get3A_159 = arith.index_cast %add3A_77 : i32 to index
          %get3A_160 = arith.constant 96 : index
          %get3A_161 = tpu.vector_load %arg9[%get3A_159, %get3A_160] {strides = array<i32>} : memref<128x128xf32, #tpu.memory_space<vmem>>, vector<1x16xf32>,
          %get3A_162 = vector.shape_cast %get3A_161 : vector<1x16xf32> to vector<16xf32>
          %get3A_163 = arith.index_cast %add3A_77 : i32 to index
          %get3A_164 = arith.constant 96 : index
          %get3A_165 = tpu.vector_load %arg11[%get3A_163, %get3A_164] {strides = array<i32>} : memref<128x128xf32, #tpu.memory_space<vmem>>, vector<1x16xf32>,
          %get3A_166 = vector.shape_cast %get3A_165 : vector<1x16xf32> to vector<16xf32>
          %sub3A_167 = arith.subf %get3A_162, %get3A_166 : vector<16xf32>
          %swap3A_168 = arith.index_cast %add3A_77 : i32 to index
          %swap3A_169 = arith.constant 96 : index
          %swap3A_170 = tpu.vector_load %arg11[%swap3A_168, %swap3A_169] {strides = array<i32>} : memref<128x128xf32, #tpu.memory_space<vmem>>, vector<1x16xf32>,
          %swap3A_171 = vector.shape_cast %swap3A_170 : vector<1x16xf32> to vector<16xf32>
          %swap3A_172 = vector.shape_cast %sub3A_167 : vector<16xf32> to vector<1x16xf32>
          tpu.vector_store %arg11[%swap3A_168, %swap3A_169], %swap3A_172 {strides = array<i32>} : memref<128x128xf32, #tpu.memory_space<vmem>>, vector<1x16xf32>,
          %get3A_173 = arith.index_cast %add3A_77 : i32 to index
          %get3A_174 = arith.constant 112 : index
          %get3A_175 = tpu.vector_load %arg9[%get3A_173, %get3A_174] {strides = array<i32>} : memref<128x128xf32, #tpu.memory_space<vmem>>, vector<1x16xf32>,
          %get3A_176 = vector.shape_cast %get3A_175 : vector<1x16xf32> to vector<16xf32>
          %get3A_177 = arith.index_cast %add3A_77 : i32 to index
          %get3A_178 = arith.constant 112 : index
          %get3A_179 = tpu.vector_load %arg11[%get3A_177, %get3A_178] {strides = array<i32>} : memref<128x128xf32, #tpu.memory_space<vmem>>, vector<1x16xf32>,
          %get3A_180 = vector.shape_cast %get3A_179 : vector<1x16xf32> to vector<16xf32>
          %sub3A_181 = arith.subf %get3A_176, %get3A_180 : vector<16xf32>
          %swap3A_182 = arith.index_cast %add3A_77 : i32 to index
          %swap3A_183 = arith.constant 112 : index
          %swap3A_184 = tpu.vector_load %arg11[%swap3A_182, %swap3A_183] {strides = array<i32>} : memref<128x128xf32, #tpu.memory_space<vmem>>, vector<1x16xf32>,
          %swap3A_185 = vector.shape_cast %swap3A_184 : vector<1x16xf32> to vector<16xf32>
          %swap3A_186 = vector.shape_cast %sub3A_181 : vector<16xf32> to vector<1x16xf32>
          tpu.vector_store %arg11[%swap3A_182, %swap3A_183], %swap3A_186 {strides = array<i32>} : memref<128x128xf32, #tpu.memory_space<vmem>>, vector<1x16xf32>,
        }
        %scan3A_65 = arith.constant 128 : i32
        %mul3A_66 = arith.constant 128 : i32
        %mul3A_67 = arith.muli %add3A_29, %mul3A_66 : i32
        %add3A_68 = arith.addi %mul3A_2, %mul3A_67 : i32
        %dma_start3A_69 = arith.constant 0 : i32
        %dma_start3A_70 = tpu.memref_slice %arg6[%add3A_68, %dma_start3A_69] : memref<331776x128xf32, #tpu.memory_space<hbm>> -> memref<128x128xf32, #tpu.memory_space<hbm>>
        %dma_start3A_71 = arith.constant 0 : i32
        %dma_start3A_72 = tpu.memref_slice %arg6[%add3A_68, %dma_start3A_71] : memref<331776x128xf32, #tpu.memory_space<hbm>> -> memref<128x128xf32, #tpu.memory_space<hbm>>
        tpu.enqueue_dma source(%arg11 : memref<128x128xf32, #tpu.memory_space<vmem>>) target(%dma_start3A_72 : memref<128x128xf32, #tpu.memory_space<hbm>>) target_semaphore(%arg17 : memref<!tpu.dma_semaphore, #tpu.memory_space<semaphore_mem>>)
      } else {
      }
      %eq3A_37 = arith.constant 1 : i32
      %eq3A_38 = arith.cmpi eq, %rem3A_31, %eq3A_37 : i32
      %convert_element_type3A_39 = arith.extui %eq3A_38 : i1 to i32
      %cond3A_40 = arith.constant 0 : i32
      %cond3A_41 = arith.cmpi ne, %convert_element_type3A_39, %cond3A_40 : i32
      scf.if %cond3A_41 {
        %ge3A = arith.constant 1 : i32
        %ge3A_42 = arith.cmpi sge, %add3A_29, %ge3A : i32
        %convert_element_type3A_43 = arith.extui %ge3A_42 : i1 to i32
        %cond3A_44 = arith.constant 0 : i32
        %cond3A_45 = arith.cmpi ne, %convert_element_type3A_43, %cond3A_44 : i32
        scf.if %cond3A_45 {
          %dma_wait3A_73 = arith.constant 0 : i32
          %dma_wait3A_74 = tpu.memref_slice %arg6[%mul3A_2, %dma_wait3A_73] : memref<331776x128xf32, #tpu.memory_space<hbm>> -> memref<128x128xf32, #tpu.memory_space<hbm>>
          %dma_wait3A_75 = arith.constant 0 : i32
          %dma_wait3A_76 = tpu.memref_slice %arg6[%mul3A_2, %dma_wait3A_75] : memref<331776x128xf32, #tpu.memory_space<hbm>> -> memref<128x128xf32, #tpu.memory_space<hbm>>
          tpu.wait_dma2 semaphore(%arg17 : memref<!tpu.dma_semaphore, #tpu.memory_space<semaphore_mem>>) src(%arg11 : memref<128x128xf32, #tpu.memory_space<vmem>>) dst(%dma_wait3A_76 : memref<128x128xf32, #tpu.memory_space<hbm>>)
        } else {
        }
        %add3A_46 = arith.constant 1 : i32
        %add3A_47 = arith.addi %add3A_29, %add3A_46 : i32
        %lt3A = arith.constant 81 : i32
        %lt3A_48 = arith.cmpi slt, %add3A_47, %lt3A : i32
        %convert_element_type3A_49 = arith.extui %lt3A_48 : i1 to i32
        %cond3A_50 = arith.constant 0 : i32
        %cond3A_51 = arith.cmpi ne, %convert_element_type3A_49, %cond3A_50 : i32
        scf.if %cond3A_51 {
          %add3A_73 = arith.constant 1 : i32
          %add3A_74 = arith.addi %add3A_29, %add3A_73 : i32
          %mul3A_75 = arith.constant 128 : i32
          %mul3A_76 = arith.muli %add3A_74, %mul3A_75 : i32
          %dma_start3A_77 = tpu.memref_slice %arg7[%mul3A_76] : memref<10368xi32, #tpu.memory_space<vmem>> -> memref<128xi32, #tpu.memory_space<vmem>>
          %dma_start3A_78 = arith.constant 0 : i32
          %dma_start3A_79 = arith.constant 0 : i32
          %dma_start3A_80 = tpu.memref_slice %arg2[%dma_start3A_78, %dma_start3A_79] : memref<10240x128xf32, #tpu.memory_space<hbm>> -> memref<10240x128xf32, #tpu.memory_space<hbm>>
          tpu.enqueue_indirect_dma source(%dma_start3A_80 : memref<10240x128xf32, #tpu.memory_space<hbm>>) target(%arg9 : memref<128x128xf32, #tpu.memory_space<vmem>>) offsets(%dma_start3A_77 : memref<128xi32, #tpu.memory_space<vmem>>) semaphore(%arg13 : memref<!tpu.dma_semaphore, #tpu.memory_space<semaphore_mem>>)
          %add3A_81 = arith.constant 1 : i32
          %add3A_82 = arith.addi %add3A_29, %add3A_81 : i32
          %mul3A_83 = arith.constant 128 : i32
          %mul3A_84 = arith.muli %add3A_82, %mul3A_83 : i32
          %dma_start3A_85 = tpu.memref_slice %arg8[%mul3A_84] : memref<10368xi32, #tpu.memory_space<vmem>> -> memref<128xi32, #tpu.memory_space<vmem>>
          %dma_start3A_86 = arith.constant 0 : i32
          %dma_start3A_87 = arith.constant 0 : i32
          %dma_start3A_88 = tpu.memref_slice %arg3[%dma_start3A_86, %dma_start3A_87] : memref<10240x128xf32, #tpu.memory_space<hbm>> -> memref<10240x128xf32, #tpu.memory_space<hbm>>
          tpu.enqueue_indirect_dma source(%dma_start3A_88 : memref<10240x128xf32, #tpu.memory_space<hbm>>) target(%arg11 : memref<128x128xf32, #tpu.memory_space<vmem>>) offsets(%dma_start3A_85 : memref<128xi32, #tpu.memory_space<vmem>>) semaphore(%arg15 : memref<!tpu.dma_semaphore, #tpu.memory_space<semaphore_mem>>)
        } else {
        }
        %dma_wait3A = arith.constant 0 : i32
        %dma_wait3A_52 = tpu.memref_slice %arg7[%dma_wait3A] : memref<10368xi32, #tpu.memory_space<vmem>> -> memref<128xi32, #tpu.memory_space<vmem>>
        %dma_wait3A_53 = arith.constant 0 : i32
        %dma_wait3A_54 = arith.constant 0 : i32
        %dma_wait3A_55 = tpu.memref_slice %arg2[%dma_wait3A_53, %dma_wait3A_54] : memref<10240x128xf32, #tpu.memory_space<hbm>> -> memref<10240x128xf32, #tpu.memory_space<hbm>>
        tpu.wait_indirect_dma semaphore(%arg14 : memref<!tpu.dma_semaphore, #tpu.memory_space<semaphore_mem>>) src(%dma_wait3A_55 : memref<10240x128xf32, #tpu.memory_space<hbm>>) dst(%arg10 : memref<128x128xf32, #tpu.memory_space<vmem>>)
        %dma_wait3A_56 = arith.constant 0 : i32
        %dma_wait3A_57 = tpu.memref_slice %arg7[%dma_wait3A_56] : memref<10368xi32, #tpu.memory_space<vmem>> -> memref<128xi32, #tpu.memory_space<vmem>>
        %dma_wait3A_58 = arith.constant 0 : i32
        %dma_wait3A_59 = arith.constant 0 : i32
        %dma_wait3A_60 = tpu.memref_slice %arg2[%dma_wait3A_58, %dma_wait3A_59] : memref<10240x128xf32, #tpu.memory_space<hbm>> -> memref<10240x128xf32, #tpu.memory_space<hbm>>
        tpu.wait_indirect_dma semaphore(%arg16 : memref<!tpu.dma_semaphore, #tpu.memory_space<semaphore_mem>>) src(%dma_wait3A_60 : memref<10240x128xf32, #tpu.memory_space<hbm>>) dst(%arg12 : memref<128x128xf32, #tpu.memory_space<vmem>>)
        %scan3A_61 = arith.constant 0 : i32
        %scan3A_62 = arith.constant 128 : i32
        %scan3A_63 = arith.addi %scan3A_61, %scan3A_62 : i32
        %scan3A_64 = arith.constant 1 : i32
        scf.for %scan3A_73 = %scan3A_61 to %scan3A_63 step %scan3A_64  : i32 {
          %mul3A_74 = arith.constant 1 : i32
          %mul3A_75 = arith.muli %scan3A_73, %mul3A_74 : i32
          %add3A_76 = arith.constant 0 : i32
          %add3A_77 = arith.addi %add3A_76, %mul3A_75 : i32
          %get3A = arith.index_cast %add3A_77 : i32 to index
          %get3A_78 = arith.constant 0 : index
          %get3A_79 = tpu.vector_load %arg10[%get3A, %get3A_78] {strides = array<i32>} : memref<128x128xf32, #tpu.memory_space<vmem>>, vector<1x16xf32>,
          %get3A_80 = vector.shape_cast %get3A_79 : vector<1x16xf32> to vector<16xf32>
          %get3A_81 = arith.index_cast %add3A_77 : i32 to index
          %get3A_82 = arith.constant 0 : index
          %get3A_83 = tpu.vector_load %arg12[%get3A_81, %get3A_82] {strides = array<i32>} : memref<128x128xf32, #tpu.memory_space<vmem>>, vector<1x16xf32>,
          %get3A_84 = vector.shape_cast %get3A_83 : vector<1x16xf32> to vector<16xf32>
          %sub3A = arith.subf %get3A_80, %get3A_84 : vector<16xf32>
          %swap3A = arith.index_cast %add3A_77 : i32 to index
          %swap3A_85 = arith.constant 0 : index
          %swap3A_86 = tpu.vector_load %arg12[%swap3A, %swap3A_85] {strides = array<i32>} : memref<128x128xf32, #tpu.memory_space<vmem>>, vector<1x16xf32>,
          %swap3A_87 = vector.shape_cast %swap3A_86 : vector<1x16xf32> to vector<16xf32>
          %swap3A_88 = vector.shape_cast %sub3A : vector<16xf32> to vector<1x16xf32>
          tpu.vector_store %arg12[%swap3A, %swap3A_85], %swap3A_88 {strides = array<i32>} : memref<128x128xf32, #tpu.memory_space<vmem>>, vector<1x16xf32>,
          %get3A_89 = arith.index_cast %add3A_77 : i32 to index
          %get3A_90 = arith.constant 16 : index
          %get3A_91 = tpu.vector_load %arg10[%get3A_89, %get3A_90] {strides = array<i32>} : memref<128x128xf32, #tpu.memory_space<vmem>>, vector<1x16xf32>,
          %get3A_92 = vector.shape_cast %get3A_91 : vector<1x16xf32> to vector<16xf32>
          %get3A_93 = arith.index_cast %add3A_77 : i32 to index
          %get3A_94 = arith.constant 16 : index
          %get3A_95 = tpu.vector_load %arg12[%get3A_93, %get3A_94] {strides = array<i32>} : memref<128x128xf32, #tpu.memory_space<vmem>>, vector<1x16xf32>,
          %get3A_96 = vector.shape_cast %get3A_95 : vector<1x16xf32> to vector<16xf32>
          %sub3A_97 = arith.subf %get3A_92, %get3A_96 : vector<16xf32>
          %swap3A_98 = arith.index_cast %add3A_77 : i32 to index
          %swap3A_99 = arith.constant 16 : index
          %swap3A_100 = tpu.vector_load %arg12[%swap3A_98, %swap3A_99] {strides = array<i32>} : memref<128x128xf32, #tpu.memory_space<vmem>>, vector<1x16xf32>,
          %swap3A_101 = vector.shape_cast %swap3A_100 : vector<1x16xf32> to vector<16xf32>
          %swap3A_102 = vector.shape_cast %sub3A_97 : vector<16xf32> to vector<1x16xf32>
          tpu.vector_store %arg12[%swap3A_98, %swap3A_99], %swap3A_102 {strides = array<i32>} : memref<128x128xf32, #tpu.memory_space<vmem>>, vector<1x16xf32>,
          %get3A_103 = arith.index_cast %add3A_77 : i32 to index
          %get3A_104 = arith.constant 32 : index
          %get3A_105 = tpu.vector_load %arg10[%get3A_103, %get3A_104] {strides = array<i32>} : memref<128x128xf32, #tpu.memory_space<vmem>>, vector<1x16xf32>,
          %get3A_106 = vector.shape_cast %get3A_105 : vector<1x16xf32> to vector<16xf32>
          %get3A_107 = arith.index_cast %add3A_77 : i32 to index
          %get3A_108 = arith.constant 32 : index
          %get3A_109 = tpu.vector_load %arg12[%get3A_107, %get3A_108] {strides = array<i32>} : memref<128x128xf32, #tpu.memory_space<vmem>>, vector<1x16xf32>,
          %get3A_110 = vector.shape_cast %get3A_109 : vector<1x16xf32> to vector<16xf32>
          %sub3A_111 = arith.subf %get3A_106, %get3A_110 : vector<16xf32>
          %swap3A_112 = arith.index_cast %add3A_77 : i32 to index
          %swap3A_113 = arith.constant 32 : index
          %swap3A_114 = tpu.vector_load %arg12[%swap3A_112, %swap3A_113] {strides = array<i32>} : memref<128x128xf32, #tpu.memory_space<vmem>>, vector<1x16xf32>,
          %swap3A_115 = vector.shape_cast %swap3A_114 : vector<1x16xf32> to vector<16xf32>
          %swap3A_116 = vector.shape_cast %sub3A_111 : vector<16xf32> to vector<1x16xf32>
          tpu.vector_store %arg12[%swap3A_112, %swap3A_113], %swap3A_116 {strides = array<i32>} : memref<128x128xf32, #tpu.memory_space<vmem>>, vector<1x16xf32>,
          %get3A_117 = arith.index_cast %add3A_77 : i32 to index
          %get3A_118 = arith.constant 48 : index
          %get3A_119 = tpu.vector_load %arg10[%get3A_117, %get3A_118] {strides = array<i32>} : memref<128x128xf32, #tpu.memory_space<vmem>>, vector<1x16xf32>,
          %get3A_120 = vector.shape_cast %get3A_119 : vector<1x16xf32> to vector<16xf32>
          %get3A_121 = arith.index_cast %add3A_77 : i32 to index
          %get3A_122 = arith.constant 48 : index
          %get3A_123 = tpu.vector_load %arg12[%get3A_121, %get3A_122] {strides = array<i32>} : memref<128x128xf32, #tpu.memory_space<vmem>>, vector<1x16xf32>,
          %get3A_124 = vector.shape_cast %get3A_123 : vector<1x16xf32> to vector<16xf32>
          %sub3A_125 = arith.subf %get3A_120, %get3A_124 : vector<16xf32>
          %swap3A_126 = arith.index_cast %add3A_77 : i32 to index
          %swap3A_127 = arith.constant 48 : index
          %swap3A_128 = tpu.vector_load %arg12[%swap3A_126, %swap3A_127] {strides = array<i32>} : memref<128x128xf32, #tpu.memory_space<vmem>>, vector<1x16xf32>,
          %swap3A_129 = vector.shape_cast %swap3A_128 : vector<1x16xf32> to vector<16xf32>
          %swap3A_130 = vector.shape_cast %sub3A_125 : vector<16xf32> to vector<1x16xf32>
          tpu.vector_store %arg12[%swap3A_126, %swap3A_127], %swap3A_130 {strides = array<i32>} : memref<128x128xf32, #tpu.memory_space<vmem>>, vector<1x16xf32>,
          %get3A_131 = arith.index_cast %add3A_77 : i32 to index
          %get3A_132 = arith.constant 64 : index
          %get3A_133 = tpu.vector_load %arg10[%get3A_131, %get3A_132] {strides = array<i32>} : memref<128x128xf32, #tpu.memory_space<vmem>>, vector<1x16xf32>,
          %get3A_134 = vector.shape_cast %get3A_133 : vector<1x16xf32> to vector<16xf32>
          %get3A_135 = arith.index_cast %add3A_77 : i32 to index
          %get3A_136 = arith.constant 64 : index
          %get3A_137 = tpu.vector_load %arg12[%get3A_135, %get3A_136] {strides = array<i32>} : memref<128x128xf32, #tpu.memory_space<vmem>>, vector<1x16xf32>,
          %get3A_138 = vector.shape_cast %get3A_137 : vector<1x16xf32> to vector<16xf32>
          %sub3A_139 = arith.subf %get3A_134, %get3A_138 : vector<16xf32>
          %swap3A_140 = arith.index_cast %add3A_77 : i32 to index
          %swap3A_141 = arith.constant 64 : index
          %swap3A_142 = tpu.vector_load %arg12[%swap3A_140, %swap3A_141] {strides = array<i32>} : memref<128x128xf32, #tpu.memory_space<vmem>>, vector<1x16xf32>,
          %swap3A_143 = vector.shape_cast %swap3A_142 : vector<1x16xf32> to vector<16xf32>
          %swap3A_144 = vector.shape_cast %sub3A_139 : vector<16xf32> to vector<1x16xf32>
          tpu.vector_store %arg12[%swap3A_140, %swap3A_141], %swap3A_144 {strides = array<i32>} : memref<128x128xf32, #tpu.memory_space<vmem>>, vector<1x16xf32>,
          %get3A_145 = arith.index_cast %add3A_77 : i32 to index
          %get3A_146 = arith.constant 80 : index
          %get3A_147 = tpu.vector_load %arg10[%get3A_145, %get3A_146] {strides = array<i32>} : memref<128x128xf32, #tpu.memory_space<vmem>>, vector<1x16xf32>,
          %get3A_148 = vector.shape_cast %get3A_147 : vector<1x16xf32> to vector<16xf32>
          %get3A_149 = arith.index_cast %add3A_77 : i32 to index
          %get3A_150 = arith.constant 80 : index
          %get3A_151 = tpu.vector_load %arg12[%get3A_149, %get3A_150] {strides = array<i32>} : memref<128x128xf32, #tpu.memory_space<vmem>>, vector<1x16xf32>,
          %get3A_152 = vector.shape_cast %get3A_151 : vector<1x16xf32> to vector<16xf32>
          %sub3A_153 = arith.subf %get3A_148, %get3A_152 : vector<16xf32>
          %swap3A_154 = arith.index_cast %add3A_77 : i32 to index
          %swap3A_155 = arith.constant 80 : index
          %swap3A_156 = tpu.vector_load %arg12[%swap3A_154, %swap3A_155] {strides = array<i32>} : memref<128x128xf32, #tpu.memory_space<vmem>>, vector<1x16xf32>,
          %swap3A_157 = vector.shape_cast %swap3A_156 : vector<1x16xf32> to vector<16xf32>
          %swap3A_158 = vector.shape_cast %sub3A_153 : vector<16xf32> to vector<1x16xf32>
          tpu.vector_store %arg12[%swap3A_154, %swap3A_155], %swap3A_158 {strides = array<i32>} : memref<128x128xf32, #tpu.memory_space<vmem>>, vector<1x16xf32>,
          %get3A_159 = arith.index_cast %add3A_77 : i32 to index
          %get3A_160 = arith.constant 96 : index
          %get3A_161 = tpu.vector_load %arg10[%get3A_159, %get3A_160] {strides = array<i32>} : memref<128x128xf32, #tpu.memory_space<vmem>>, vector<1x16xf32>,
          %get3A_162 = vector.shape_cast %get3A_161 : vector<1x16xf32> to vector<16xf32>
          %get3A_163 = arith.index_cast %add3A_77 : i32 to index
          %get3A_164 = arith.constant 96 : index
          %get3A_165 = tpu.vector_load %arg12[%get3A_163, %get3A_164] {strides = array<i32>} : memref<128x128xf32, #tpu.memory_space<vmem>>, vector<1x16xf32>,
          %get3A_166 = vector.shape_cast %get3A_165 : vector<1x16xf32> to vector<16xf32>
          %sub3A_167 = arith.subf %get3A_162, %get3A_166 : vector<16xf32>
          %swap3A_168 = arith.index_cast %add3A_77 : i32 to index
          %swap3A_169 = arith.constant 96 : index
          %swap3A_170 = tpu.vector_load %arg12[%swap3A_168, %swap3A_169] {strides = array<i32>} : memref<128x128xf32, #tpu.memory_space<vmem>>, vector<1x16xf32>,
          %swap3A_171 = vector.shape_cast %swap3A_170 : vector<1x16xf32> to vector<16xf32>
          %swap3A_172 = vector.shape_cast %sub3A_167 : vector<16xf32> to vector<1x16xf32>
          tpu.vector_store %arg12[%swap3A_168, %swap3A_169], %swap3A_172 {strides = array<i32>} : memref<128x128xf32, #tpu.memory_space<vmem>>, vector<1x16xf32>,
          %get3A_173 = arith.index_cast %add3A_77 : i32 to index
          %get3A_174 = arith.constant 112 : index
          %get3A_175 = tpu.vector_load %arg10[%get3A_173, %get3A_174] {strides = array<i32>} : memref<128x128xf32, #tpu.memory_space<vmem>>, vector<1x16xf32>,
          %get3A_176 = vector.shape_cast %get3A_175 : vector<1x16xf32> to vector<16xf32>
          %get3A_177 = arith.index_cast %add3A_77 : i32 to index
          %get3A_178 = arith.constant 112 : index
          %get3A_179 = tpu.vector_load %arg12[%get3A_177, %get3A_178] {strides = array<i32>} : memref<128x128xf32, #tpu.memory_space<vmem>>, vector<1x16xf32>,
          %get3A_180 = vector.shape_cast %get3A_179 : vector<1x16xf32> to vector<16xf32>
          %sub3A_181 = arith.subf %get3A_176, %get3A_180 : vector<16xf32>
          %swap3A_182 = arith.index_cast %add3A_77 : i32 to index
          %swap3A_183 = arith.constant 112 : index
          %swap3A_184 = tpu.vector_load %arg12[%swap3A_182, %swap3A_183] {strides = array<i32>} : memref<128x128xf32, #tpu.memory_space<vmem>>, vector<1x16xf32>,
          %swap3A_185 = vector.shape_cast %swap3A_184 : vector<1x16xf32> to vector<16xf32>
          %swap3A_186 = vector.shape_cast %sub3A_181 : vector<16xf32> to vector<1x16xf32>
          tpu.vector_store %arg12[%swap3A_182, %swap3A_183], %swap3A_186 {strides = array<i32>} : memref<128x128xf32, #tpu.memory_space<vmem>>, vector<1x16xf32>,
        }
        %scan3A_65 = arith.constant 128 : i32
        %mul3A_66 = arith.constant 128 : i32
        %mul3A_67 = arith.muli %add3A_29, %mul3A_66 : i32
        %add3A_68 = arith.addi %mul3A_2, %mul3A_67 : i32
        %dma_start3A_69 = arith.constant 0 : i32
        %dma_start3A_70 = tpu.memref_slice %arg6[%add3A_68, %dma_start3A_69] : memref<331776x128xf32, #tpu.memory_space<hbm>> -> memref<128x128xf32, #tpu.memory_space<hbm>>
        %dma_start3A_71 = arith.constant 0 : i32
        %dma_start3A_72 = tpu.memref_slice %arg6[%add3A_68, %dma_start3A_71] : memref<331776x128xf32, #tpu.memory_space<hbm>> -> memref<128x128xf32, #tpu.memory_space<hbm>>
        tpu.enqueue_dma source(%arg12 : memref<128x128xf32, #tpu.memory_space<vmem>>) target(%dma_start3A_72 : memref<128x128xf32, #tpu.memory_space<hbm>>) target_semaphore(%arg18 : memref<!tpu.dma_semaphore, #tpu.memory_space<semaphore_mem>>)
      } else {
      }
    }
    %scan3A_15 = arith.constant 81 : i32
    %rem3A = arith.constant 80 : i32
    %rem3A_16 = arith.constant 2 : i32
    %rem3A_17 = arith.remsi %rem3A, %rem3A_16 : i32
    %eq3A = arith.constant 0 : i32
    %eq3A_18 = arith.cmpi eq, %rem3A_17, %eq3A : i32
    %convert_element_type3A = arith.extui %eq3A_18 : i1 to i32
    %cond3A = arith.constant 0 : i32
    %cond3A_19 = arith.cmpi ne, %convert_element_type3A, %cond3A : i32
    scf.if %cond3A_19 {
      %dma_wait3A = arith.constant 0 : i32
      %dma_wait3A_25 = tpu.memref_slice %arg6[%mul3A_2, %dma_wait3A] : memref<331776x128xf32, #tpu.memory_space<hbm>> -> memref<128x128xf32, #tpu.memory_space<hbm>>
      %dma_wait3A_26 = arith.constant 0 : i32
      %dma_wait3A_27 = tpu.memref_slice %arg6[%mul3A_2, %dma_wait3A_26] : memref<331776x128xf32, #tpu.memory_space<hbm>> -> memref<128x128xf32, #tpu.memory_space<hbm>>
      tpu.wait_dma2 semaphore(%arg17 : memref<!tpu.dma_semaphore, #tpu.memory_space<semaphore_mem>>) src(%arg11 : memref<128x128xf32, #tpu.memory_space<vmem>>) dst(%dma_wait3A_27 : memref<128x128xf32, #tpu.memory_space<hbm>>)
    } else {
    }
    %eq3A_20 = arith.constant 1 : i32
    %eq3A_21 = arith.cmpi eq, %rem3A_17, %eq3A_20 : i32
    %convert_element_type3A_22 = arith.extui %eq3A_21 : i1 to i32
    %cond3A_23 = arith.constant 0 : i32
    %cond3A_24 = arith.cmpi ne, %convert_element_type3A_22, %cond3A_23 : i32
    scf.if %cond3A_24 {
      %dma_wait3A = arith.constant 0 : i32
      %dma_wait3A_25 = tpu.memref_slice %arg6[%mul3A_2, %dma_wait3A] : memref<331776x128xf32, #tpu.memory_space<hbm>> -> memref<128x128xf32, #tpu.memory_space<hbm>>
      %dma_wait3A_26 = arith.constant 0 : i32
      %dma_wait3A_27 = tpu.memref_slice %arg6[%mul3A_2, %dma_wait3A_26] : memref<331776x128xf32, #tpu.memory_space<hbm>> -> memref<128x128xf32, #tpu.memory_space<hbm>>
      tpu.wait_dma2 semaphore(%arg18 : memref<!tpu.dma_semaphore, #tpu.memory_space<semaphore_mem>>) src(%arg12 : memref<128x128xf32, #tpu.memory_space<vmem>>) dst(%dma_wait3A_27 : memref<128x128xf32, #tpu.memory_space<hbm>>)
    } else {
    }
    return
  }
}

#map = affine_map<(d0, d1) -> (0, 0)>
#map1 = affine_map<(d0, d1) -> (0)>
#map2 = affine_map<(d0, d1) -> (0, 0, 0)>
module attributes {stable_mosaic.version = 14 : i64} {
  func.func @k(%arg0: i32, %arg1: i32, %arg2: memref<331776x128xf32, #tpu.memory_space<hbm>>, %arg3: memref<10240x128xf32, #tpu.memory_space<hbm>>, %arg4: memref<10240x128xf32, #tpu.memory_space<hbm>>, %arg5: memref<331776xi32, #tpu.memory_space<hbm>>, %arg6: memref<331776xi32, #tpu.memory_space<hbm>>, %arg7: memref<2x10240x128xf32, #tpu.memory_space<hbm>>, %arg8: memref<10368xi32, #tpu.memory_space<vmem>>, %arg9: memref<32xi32, #tpu.memory_space<vmem>>, %arg10: memref<32xi32, #tpu.memory_space<vmem>>, %arg11: memref<32xi32, #tpu.memory_space<vmem>>, %arg12: memref<32xi32, #tpu.memory_space<vmem>>, %arg13: memref<32x128xf32, #tpu.memory_space<vmem>>, %arg14: memref<32x128xf32, #tpu.memory_space<vmem>>, %arg15: memref<32x128xf32, #tpu.memory_space<vmem>>, %arg16: memref<32x128xf32, #tpu.memory_space<vmem>>, %arg17: memref<32x128xf32, #tpu.memory_space<vmem>>, %arg18: memref<32x128xf32, #tpu.memory_space<vmem>>, %arg19: memref<32x128xf32, #tpu.memory_space<vmem>>, %arg20: memref<10240x128xf32, #tpu.memory_space<vmem_shared>>, %arg21: memref<!tpu.dma_semaphore, #tpu.memory_space<semaphore_mem>>, %arg22: memref<!tpu.dma_semaphore, #tpu.memory_space<semaphore_mem>>, %arg23: memref<!tpu.dma_semaphore, #tpu.memory_space<semaphore_mem>>, %arg24: memref<!tpu.dma_semaphore, #tpu.memory_space<semaphore_mem>>, %arg25: memref<!tpu.dma_semaphore, #tpu.memory_space<semaphore_mem>>, %arg26: memref<!tpu.dma_semaphore, #tpu.memory_space<semaphore_mem>>, %arg27: memref<!tpu.dma_semaphore, #tpu.memory_space<semaphore_mem>>, %arg28: memref<!tpu.dma_semaphore, #tpu.memory_space<semaphore_mem>>, %arg29: memref<!tpu.dma_semaphore, #tpu.memory_space<semaphore_mem>>, %arg30: memref<!tpu.dma_semaphore, #tpu.memory_space<semaphore_mem>>) attributes {dimension_semantics = [#tpu.dimension_semantics<core_parallel>, #tpu.dimension_semantics<subcore_parallel>], iteration_bounds = array<i64: 2, 16>, scalar_prefetch = 0 : i64, scratch_operands = 23 : i64, tpu.core_type = #tpu.core_type<sc_vector_subcore>, window_params = [{transform_indices = #map}, {transform_indices = #map}, {transform_indices = #map}, {transform_indices = #map1}, {transform_indices = #map1}, {transform_indices = #map2}]} {
    %scan3A = arith.constant 0 : i32
    %scan3A_0 = arith.constant 32 : i32
    %scan3A_1 = arith.addi %scan3A, %scan3A_0 : i32
    %scan3A_2 = arith.constant 1 : i32
    scf.for %scan3A_47 = %scan3A to %scan3A_1 step %scan3A_2  : i32 {
      %mul3A_48 = arith.constant 1 : i32
      %mul3A_49 = arith.muli %scan3A_47, %mul3A_48 : i32
      %add3A_50 = arith.constant 0 : i32
      %add3A_51 = arith.addi %add3A_50, %mul3A_49 : i32
      %broadcast_in_dim3A = arith.constant 0.000000e+00 : f32
      %broadcast_in_dim3A_52 = vector.broadcast %broadcast_in_dim3A : f32 to vector<16xf32>
      %swap3A = arith.index_cast %add3A_51 : i32 to index
      %swap3A_53 = arith.constant 0 : index
      %swap3A_54 = tpu.vector_load %arg19[%swap3A, %swap3A_53] {strides = array<i32>} : memref<32x128xf32, #tpu.memory_space<vmem>>, vector<1x16xf32>,
      %swap3A_55 = vector.shape_cast %swap3A_54 : vector<1x16xf32> to vector<16xf32>
      %swap3A_56 = vector.shape_cast %broadcast_in_dim3A_52 : vector<16xf32> to vector<1x16xf32>
      tpu.vector_store %arg19[%swap3A, %swap3A_53], %swap3A_56 {strides = array<i32>} : memref<32x128xf32, #tpu.memory_space<vmem>>, vector<1x16xf32>,
      %broadcast_in_dim3A_57 = arith.constant 0.000000e+00 : f32
      %broadcast_in_dim3A_58 = vector.broadcast %broadcast_in_dim3A_57 : f32 to vector<16xf32>
      %swap3A_59 = arith.index_cast %add3A_51 : i32 to index
      %swap3A_60 = arith.constant 16 : index
      %swap3A_61 = tpu.vector_load %arg19[%swap3A_59, %swap3A_60] {strides = array<i32>} : memref<32x128xf32, #tpu.memory_space<vmem>>, vector<1x16xf32>,
      %swap3A_62 = vector.shape_cast %swap3A_61 : vector<1x16xf32> to vector<16xf32>
      %swap3A_63 = vector.shape_cast %broadcast_in_dim3A_58 : vector<16xf32> to vector<1x16xf32>
      tpu.vector_store %arg19[%swap3A_59, %swap3A_60], %swap3A_63 {strides = array<i32>} : memref<32x128xf32, #tpu.memory_space<vmem>>, vector<1x16xf32>,
      %broadcast_in_dim3A_64 = arith.constant 0.000000e+00 : f32
      %broadcast_in_dim3A_65 = vector.broadcast %broadcast_in_dim3A_64 : f32 to vector<16xf32>
      %swap3A_66 = arith.index_cast %add3A_51 : i32 to index
      %swap3A_67 = arith.constant 32 : index
      %swap3A_68 = tpu.vector_load %arg19[%swap3A_66, %swap3A_67] {strides = array<i32>} : memref<32x128xf32, #tpu.memory_space<vmem>>, vector<1x16xf32>,
      %swap3A_69 = vector.shape_cast %swap3A_68 : vector<1x16xf32> to vector<16xf32>
      %swap3A_70 = vector.shape_cast %broadcast_in_dim3A_65 : vector<16xf32> to vector<1x16xf32>
      tpu.vector_store %arg19[%swap3A_66, %swap3A_67], %swap3A_70 {strides = array<i32>} : memref<32x128xf32, #tpu.memory_space<vmem>>, vector<1x16xf32>,
      %broadcast_in_dim3A_71 = arith.constant 0.000000e+00 : f32
      %broadcast_in_dim3A_72 = vector.broadcast %broadcast_in_dim3A_71 : f32 to vector<16xf32>
      %swap3A_73 = arith.index_cast %add3A_51 : i32 to index
      %swap3A_74 = arith.constant 48 : index
      %swap3A_75 = tpu.vector_load %arg19[%swap3A_73, %swap3A_74] {strides = array<i32>} : memref<32x128xf32, #tpu.memory_space<vmem>>, vector<1x16xf32>,
      %swap3A_76 = vector.shape_cast %swap3A_75 : vector<1x16xf32> to vector<16xf32>
      %swap3A_77 = vector.shape_cast %broadcast_in_dim3A_72 : vector<16xf32> to vector<1x16xf32>
      tpu.vector_store %arg19[%swap3A_73, %swap3A_74], %swap3A_77 {strides = array<i32>} : memref<32x128xf32, #tpu.memory_space<vmem>>, vector<1x16xf32>,
      %broadcast_in_dim3A_78 = arith.constant 0.000000e+00 : f32
      %broadcast_in_dim3A_79 = vector.broadcast %broadcast_in_dim3A_78 : f32 to vector<16xf32>
      %swap3A_80 = arith.index_cast %add3A_51 : i32 to index
      %swap3A_81 = arith.constant 64 : index
      %swap3A_82 = tpu.vector_load %arg19[%swap3A_80, %swap3A_81] {strides = array<i32>} : memref<32x128xf32, #tpu.memory_space<vmem>>, vector<1x16xf32>,
      %swap3A_83 = vector.shape_cast %swap3A_82 : vector<1x16xf32> to vector<16xf32>
      %swap3A_84 = vector.shape_cast %broadcast_in_dim3A_79 : vector<16xf32> to vector<1x16xf32>
      tpu.vector_store %arg19[%swap3A_80, %swap3A_81], %swap3A_84 {strides = array<i32>} : memref<32x128xf32, #tpu.memory_space<vmem>>, vector<1x16xf32>,
      %broadcast_in_dim3A_85 = arith.constant 0.000000e+00 : f32
      %broadcast_in_dim3A_86 = vector.broadcast %broadcast_in_dim3A_85 : f32 to vector<16xf32>
      %swap3A_87 = arith.index_cast %add3A_51 : i32 to index
      %swap3A_88 = arith.constant 80 : index
      %swap3A_89 = tpu.vector_load %arg19[%swap3A_87, %swap3A_88] {strides = array<i32>} : memref<32x128xf32, #tpu.memory_space<vmem>>, vector<1x16xf32>,
      %swap3A_90 = vector.shape_cast %swap3A_89 : vector<1x16xf32> to vector<16xf32>
      %swap3A_91 = vector.shape_cast %broadcast_in_dim3A_86 : vector<16xf32> to vector<1x16xf32>
      tpu.vector_store %arg19[%swap3A_87, %swap3A_88], %swap3A_91 {strides = array<i32>} : memref<32x128xf32, #tpu.memory_space<vmem>>, vector<1x16xf32>,
      %broadcast_in_dim3A_92 = arith.constant 0.000000e+00 : f32
      %broadcast_in_dim3A_93 = vector.broadcast %broadcast_in_dim3A_92 : f32 to vector<16xf32>
      %swap3A_94 = arith.index_cast %add3A_51 : i32 to index
      %swap3A_95 = arith.constant 96 : index
      %swap3A_96 = tpu.vector_load %arg19[%swap3A_94, %swap3A_95] {strides = array<i32>} : memref<32x128xf32, #tpu.memory_space<vmem>>, vector<1x16xf32>,
      %swap3A_97 = vector.shape_cast %swap3A_96 : vector<1x16xf32> to vector<16xf32>
      %swap3A_98 = vector.shape_cast %broadcast_in_dim3A_93 : vector<16xf32> to vector<1x16xf32>
      tpu.vector_store %arg19[%swap3A_94, %swap3A_95], %swap3A_98 {strides = array<i32>} : memref<32x128xf32, #tpu.memory_space<vmem>>, vector<1x16xf32>,
      %broadcast_in_dim3A_99 = arith.constant 0.000000e+00 : f32
      %broadcast_in_dim3A_100 = vector.broadcast %broadcast_in_dim3A_99 : f32 to vector<16xf32>
      %swap3A_101 = arith.index_cast %add3A_51 : i32 to index
      %swap3A_102 = arith.constant 112 : index
      %swap3A_103 = tpu.vector_load %arg19[%swap3A_101, %swap3A_102] {strides = array<i32>} : memref<32x128xf32, #tpu.memory_space<vmem>>, vector<1x16xf32>,
      %swap3A_104 = vector.shape_cast %swap3A_103 : vector<1x16xf32> to vector<16xf32>
      %swap3A_105 = vector.shape_cast %broadcast_in_dim3A_100 : vector<16xf32> to vector<1x16xf32>
      tpu.vector_store %arg19[%swap3A_101, %swap3A_102], %swap3A_105 {strides = array<i32>} : memref<32x128xf32, #tpu.memory_space<vmem>>, vector<1x16xf32>,
    }
    %scan3A_3 = arith.constant 32 : i32
    %scan3A_4 = arith.constant 0 : i32
    %scan3A_5 = arith.constant 20 : i32
    %scan3A_6 = arith.addi %scan3A_4, %scan3A_5 : i32
    %scan3A_7 = arith.constant 1 : i32
    scf.for %scan3A_47 = %scan3A_4 to %scan3A_6 step %scan3A_7  : i32 {
      %mul3A_48 = arith.constant 1 : i32
      %mul3A_49 = arith.muli %scan3A_47, %mul3A_48 : i32
      %add3A_50 = arith.constant 0 : i32
      %add3A_51 = arith.addi %add3A_50, %mul3A_49 : i32
      %mul3A_52 = arith.constant 640 : i32
      %mul3A_53 = arith.muli %arg1, %mul3A_52 : i32
      %mul3A_54 = arith.constant 32 : i32
      %mul3A_55 = arith.muli %add3A_51, %mul3A_54 : i32
      %add3A_56 = arith.addi %mul3A_53, %mul3A_55 : i32
      "tpu.region"() ({
        %run_scoped3A = tpu.sem_alloc : memref<!tpu.dma_semaphore, #tpu.memory_space<semaphore_mem>>
        %dma_start3A_57 = arith.constant 0 : i32
        %dma_start3A_58 = tpu.memref_slice %arg20[%add3A_56, %dma_start3A_57] : memref<10240x128xf32, #tpu.memory_space<vmem_shared>> -> memref<32x128xf32, #tpu.memory_space<vmem_shared>>
        %dma_start3A_59 = arith.constant 0 : i32
        %dma_start3A_60 = tpu.memref_slice %arg20[%add3A_56, %dma_start3A_59] : memref<10240x128xf32, #tpu.memory_space<vmem_shared>> -> memref<32x128xf32, #tpu.memory_space<vmem_shared>>
        tpu.enqueue_dma source(%arg19 : memref<32x128xf32, #tpu.memory_space<vmem>>) target(%dma_start3A_60 : memref<32x128xf32, #tpu.memory_space<vmem_shared>>) target_semaphore(%run_scoped3A : memref<!tpu.dma_semaphore, #tpu.memory_space<semaphore_mem>>)
        %dma_wait3A = arith.constant 0 : i32
        %dma_wait3A_61 = tpu.memref_slice %arg20[%add3A_56, %dma_wait3A] : memref<10240x128xf32, #tpu.memory_space<vmem_shared>> -> memref<32x128xf32, #tpu.memory_space<vmem_shared>>
        %dma_wait3A_62 = arith.constant 0 : i32
        %dma_wait3A_63 = tpu.memref_slice %arg20[%add3A_56, %dma_wait3A_62] : memref<10240x128xf32, #tpu.memory_space<vmem_shared>> -> memref<32x128xf32, #tpu.memory_space<vmem_shared>>
        tpu.wait_dma2 semaphore(%run_scoped3A : memref<!tpu.dma_semaphore, #tpu.memory_space<semaphore_mem>>) src(%arg19 : memref<32x128xf32, #tpu.memory_space<vmem>>) dst(%dma_wait3A_63 : memref<32x128xf32, #tpu.memory_space<vmem_shared>>)
        tpu.yield
      }) : () -> ()
    }
    %scan3A_8 = arith.constant 20 : i32
    %barrier3A = arith.constant 0 : index
    tpu.barrier barrier_id(%barrier3A)
    %mul3A = arith.constant 16 : i32
    %mul3A_9 = arith.muli %arg0, %mul3A : i32
    %add3A = arith.addi %mul3A_9, %arg1 : i32
    %mul3A_10 = arith.constant 10368 : i32
    %mul3A_11 = arith.muli %add3A, %mul3A_10 : i32
    "tpu.region"() ({
      %run_scoped3A = tpu.sem_alloc : memref<!tpu.dma_semaphore, #tpu.memory_space<semaphore_mem>>
      %dma_start3A_47 = tpu.memref_slice %arg6[%mul3A_11] : memref<331776xi32, #tpu.memory_space<hbm>> -> memref<10368xi32, #tpu.memory_space<hbm>>
      %dma_start3A_48 = tpu.memref_slice %arg6[%mul3A_11] : memref<331776xi32, #tpu.memory_space<hbm>> -> memref<10368xi32, #tpu.memory_space<hbm>>
      tpu.enqueue_dma source(%dma_start3A_48 : memref<10368xi32, #tpu.memory_space<hbm>>) target(%arg8 : memref<10368xi32, #tpu.memory_space<vmem>>) target_semaphore(%run_scoped3A : memref<!tpu.dma_semaphore, #tpu.memory_space<semaphore_mem>>)
      %dma_wait3A = tpu.memref_slice %arg6[%mul3A_11] : memref<331776xi32, #tpu.memory_space<hbm>> -> memref<10368xi32, #tpu.memory_space<hbm>>
      %dma_wait3A_49 = tpu.memref_slice %arg6[%mul3A_11] : memref<331776xi32, #tpu.memory_space<hbm>> -> memref<10368xi32, #tpu.memory_space<hbm>>
      tpu.wait_dma2 semaphore(%run_scoped3A : memref<!tpu.dma_semaphore, #tpu.memory_space<semaphore_mem>>) src(%dma_wait3A_49 : memref<10368xi32, #tpu.memory_space<hbm>>) dst(%arg8 : memref<10368xi32, #tpu.memory_space<vmem>>)
      tpu.yield
    }) : () -> ()
    "tpu.region"() ({
      %run_scoped3A = tpu.sem_alloc : memref<!tpu.dma_semaphore, #tpu.memory_space<semaphore_mem>>
      %dma_start3A_47 = tpu.memref_slice %arg5[%mul3A_11] : memref<331776xi32, #tpu.memory_space<hbm>> -> memref<32xi32, #tpu.memory_space<hbm>>
      %dma_start3A_48 = tpu.memref_slice %arg5[%mul3A_11] : memref<331776xi32, #tpu.memory_space<hbm>> -> memref<32xi32, #tpu.memory_space<hbm>>
      tpu.enqueue_dma source(%dma_start3A_48 : memref<32xi32, #tpu.memory_space<hbm>>) target(%arg11 : memref<32xi32, #tpu.memory_space<vmem>>) target_semaphore(%run_scoped3A : memref<!tpu.dma_semaphore, #tpu.memory_space<semaphore_mem>>)
      %dma_wait3A = tpu.memref_slice %arg5[%mul3A_11] : memref<331776xi32, #tpu.memory_space<hbm>> -> memref<32xi32, #tpu.memory_space<hbm>>
      %dma_wait3A_49 = tpu.memref_slice %arg5[%mul3A_11] : memref<331776xi32, #tpu.memory_space<hbm>> -> memref<32xi32, #tpu.memory_space<hbm>>
      tpu.wait_dma2 semaphore(%run_scoped3A : memref<!tpu.dma_semaphore, #tpu.memory_space<semaphore_mem>>) src(%dma_wait3A_49 : memref<32xi32, #tpu.memory_space<hbm>>) dst(%arg11 : memref<32xi32, #tpu.memory_space<vmem>>)
      tpu.yield
    }) : () -> ()
    %add3A_12 = arith.constant 32 : i32
    %add3A_13 = arith.addi %mul3A_11, %add3A_12 : i32
    %dma_start3A = tpu.memref_slice %arg5[%add3A_13] : memref<331776xi32, #tpu.memory_space<hbm>> -> memref<32xi32, #tpu.memory_space<hbm>>
    %dma_start3A_14 = tpu.memref_slice %arg5[%add3A_13] : memref<331776xi32, #tpu.memory_space<hbm>> -> memref<32xi32, #tpu.memory_space<hbm>>
    tpu.enqueue_dma source(%dma_start3A_14 : memref<32xi32, #tpu.memory_space<hbm>>) target(%arg12 : memref<32xi32, #tpu.memory_space<vmem>>) target_semaphore(%arg28 : memref<!tpu.dma_semaphore, #tpu.memory_space<semaphore_mem>>)
    %dma_start3A_15 = arith.constant 0 : i32
    %dma_start3A_16 = tpu.memref_slice %arg8[%dma_start3A_15] : memref<10368xi32, #tpu.memory_space<vmem>> -> memref<32xi32, #tpu.memory_space<vmem>>
    %dma_start3A_17 = arith.constant 0 : i32
    %dma_start3A_18 = arith.constant 0 : i32
    %dma_start3A_19 = tpu.memref_slice %arg3[%dma_start3A_17, %dma_start3A_18] : memref<10240x128xf32, #tpu.memory_space<hbm>> -> memref<10240x128xf32, #tpu.memory_space<hbm>>
    tpu.enqueue_indirect_dma source(%dma_start3A_19 : memref<10240x128xf32, #tpu.memory_space<hbm>>) target(%arg15 : memref<32x128xf32, #tpu.memory_space<vmem>>) offsets(%dma_start3A_16 : memref<32xi32, #tpu.memory_space<vmem>>) semaphore(%arg23 : memref<!tpu.dma_semaphore, #tpu.memory_space<semaphore_mem>>)
    %dma_start3A_20 = arith.constant 0 : i32
    %dma_start3A_21 = arith.constant 0 : i32
    %dma_start3A_22 = tpu.memref_slice %arg4[%dma_start3A_20, %dma_start3A_21] : memref<10240x128xf32, #tpu.memory_space<hbm>> -> memref<10240x128xf32, #tpu.memory_space<hbm>>
    tpu.enqueue_indirect_dma source(%dma_start3A_22 : memref<10240x128xf32, #tpu.memory_space<hbm>>) target(%arg17 : memref<32x128xf32, #tpu.memory_space<vmem>>) offsets(%arg11 : memref<32xi32, #tpu.memory_space<vmem>>) semaphore(%arg25 : memref<!tpu.dma_semaphore, #tpu.memory_space<semaphore_mem>>)
    %dma_start3A_23 = arith.constant 0 : i32
    %dma_start3A_24 = tpu.memref_slice %arg2[%mul3A_11, %dma_start3A_23] : memref<331776x128xf32, #tpu.memory_space<hbm>> -> memref<32x128xf32, #tpu.memory_space<hbm>>
    %dma_start3A_25 = arith.constant 0 : i32
    %dma_start3A_26 = tpu.memref_slice %arg2[%mul3A_11, %dma_start3A_25] : memref<331776x128xf32, #tpu.memory_space<hbm>> -> memref<32x128xf32, #tpu.memory_space<hbm>>
    tpu.enqueue_dma source(%dma_start3A_26 : memref<32x128xf32, #tpu.memory_space<hbm>>) target(%arg13 : memref<32x128xf32, #tpu.memory_space<vmem>>) target_semaphore(%arg21 : memref<!tpu.dma_semaphore, #tpu.memory_space<semaphore_mem>>)
    %scan3A_27 = arith.constant 0 : i32
    %scan3A_28 = arith.constant 324 : i32
    %scan3A_29 = arith.addi %scan3A_27, %scan3A_28 : i32
    %scan3A_30 = arith.constant 1 : i32
    scf.for %scan3A_47 = %scan3A_27 to %scan3A_29 step %scan3A_30  : i32 {
      %mul3A_48 = arith.constant 1 : i32
      %mul3A_49 = arith.muli %scan3A_47, %mul3A_48 : i32
      %add3A_50 = arith.constant 0 : i32
      %add3A_51 = arith.addi %add3A_50, %mul3A_49 : i32
      %rem3A_52 = arith.constant 2 : i32
      %rem3A_53 = arith.remsi %add3A_51, %rem3A_52 : i32
      %eq3A_54 = arith.constant 0 : i32
      %eq3A_55 = arith.cmpi eq, %rem3A_53, %eq3A_54 : i32
      %convert_element_type3A_56 = arith.extui %eq3A_55 : i1 to i32
      %cond3A_57 = arith.constant 0 : i32
      %cond3A_58 = arith.cmpi ne, %convert_element_type3A_56, %cond3A_57 : i32
      scf.if %cond3A_58 {
        %dma_wait3A = arith.constant 0 : i32
        %dma_wait3A_64 = arith.constant 0 : i32
        %dma_wait3A_65 = tpu.memref_slice %arg2[%dma_wait3A, %dma_wait3A_64] : memref<331776x128xf32, #tpu.memory_space<hbm>> -> memref<32x128xf32, #tpu.memory_space<hbm>>
        %dma_wait3A_66 = arith.constant 0 : i32
        %dma_wait3A_67 = arith.constant 0 : i32
        %dma_wait3A_68 = tpu.memref_slice %arg2[%dma_wait3A_66, %dma_wait3A_67] : memref<331776x128xf32, #tpu.memory_space<hbm>> -> memref<32x128xf32, #tpu.memory_space<hbm>>
        tpu.wait_dma2 semaphore(%arg21 : memref<!tpu.dma_semaphore, #tpu.memory_space<semaphore_mem>>) src(%dma_wait3A_68 : memref<32x128xf32, #tpu.memory_space<hbm>>) dst(%arg13 : memref<32x128xf32, #tpu.memory_space<vmem>>)
        %dma_wait3A_69 = arith.constant 0 : i32
        %dma_wait3A_70 = arith.constant 0 : i32
        %dma_wait3A_71 = tpu.memref_slice %arg2[%dma_wait3A_69, %dma_wait3A_70] : memref<331776x128xf32, #tpu.memory_space<hbm>> -> memref<32x128xf32, #tpu.memory_space<hbm>>
        %dma_wait3A_72 = arith.constant 0 : i32
        %dma_wait3A_73 = arith.constant 0 : i32
        %dma_wait3A_74 = tpu.memref_slice %arg2[%dma_wait3A_72, %dma_wait3A_73] : memref<331776x128xf32, #tpu.memory_space<hbm>> -> memref<32x128xf32, #tpu.memory_space<hbm>>
        tpu.wait_dma2 semaphore(%arg23 : memref<!tpu.dma_semaphore, #tpu.memory_space<semaphore_mem>>) src(%dma_wait3A_74 : memref<32x128xf32, #tpu.memory_space<hbm>>) dst(%arg15 : memref<32x128xf32, #tpu.memory_space<vmem>>)
        %dma_wait3A_75 = arith.constant 0 : i32
        %dma_wait3A_76 = arith.constant 0 : i32
        %dma_wait3A_77 = tpu.memref_slice %arg2[%dma_wait3A_75, %dma_wait3A_76] : memref<331776x128xf32, #tpu.memory_space<hbm>> -> memref<32x128xf32, #tpu.memory_space<hbm>>
        %dma_wait3A_78 = arith.constant 0 : i32
        %dma_wait3A_79 = arith.constant 0 : i32
        %dma_wait3A_80 = tpu.memref_slice %arg2[%dma_wait3A_78, %dma_wait3A_79] : memref<331776x128xf32, #tpu.memory_space<hbm>> -> memref<32x128xf32, #tpu.memory_space<hbm>>
        tpu.wait_dma2 semaphore(%arg25 : memref<!tpu.dma_semaphore, #tpu.memory_space<semaphore_mem>>) src(%dma_wait3A_80 : memref<32x128xf32, #tpu.memory_space<hbm>>) dst(%arg17 : memref<32x128xf32, #tpu.memory_space<vmem>>)
        %add3A_81 = arith.constant 2 : i32
        %add3A_82 = arith.addi %add3A_51, %add3A_81 : i32
        %lt3A = arith.constant 324 : i32
        %lt3A_83 = arith.cmpi slt, %add3A_82, %lt3A : i32
        %convert_element_type3A_84 = arith.extui %lt3A_83 : i1 to i32
        %cond3A_85 = arith.constant 0 : i32
        %cond3A_86 = arith.cmpi ne, %convert_element_type3A_84, %cond3A_85 : i32
        scf.if %cond3A_86 {
          %add3A_111 = arith.constant 2 : i32
          %add3A_112 = arith.addi %add3A_51, %add3A_111 : i32
          %mul3A_113 = arith.constant 32 : i32
          %mul3A_114 = arith.muli %add3A_112, %mul3A_113 : i32
          %add3A_115 = arith.addi %mul3A_11, %mul3A_114 : i32
          %dma_start3A_116 = tpu.memref_slice %arg5[%add3A_115] : memref<331776xi32, #tpu.memory_space<hbm>> -> memref<32xi32, #tpu.memory_space<hbm>>
          %dma_start3A_117 = tpu.memref_slice %arg5[%add3A_115] : memref<331776xi32, #tpu.memory_space<hbm>> -> memref<32xi32, #tpu.memory_space<hbm>>
          tpu.enqueue_dma source(%dma_start3A_117 : memref<32xi32, #tpu.memory_space<hbm>>) target(%arg11 : memref<32xi32, #tpu.memory_space<vmem>>) target_semaphore(%arg27 : memref<!tpu.dma_semaphore, #tpu.memory_space<semaphore_mem>>)
        } else {
        }
        %ge3A = arith.constant 1 : i32
        %ge3A_87 = arith.cmpi sge, %add3A_51, %ge3A : i32
        %convert_element_type3A_88 = arith.extui %ge3A_87 : i1 to i32
        %cond3A_89 = arith.constant 0 : i32
        %cond3A_90 = arith.cmpi ne, %convert_element_type3A_88, %cond3A_89 : i32
        scf.if %cond3A_90 {
          %dma_wait3A_111 = arith.constant 0 : i32
          %dma_wait3A_112 = arith.constant 0 : i32
          %dma_wait3A_113 = tpu.memref_slice %arg20[%dma_wait3A_111, %dma_wait3A_112] : memref<10240x128xf32, #tpu.memory_space<vmem_shared>> -> memref<10240x128xf32, #tpu.memory_space<vmem_shared>>
          tpu.wait_indirect_dma semaphore(%arg30 : memref<!tpu.dma_semaphore, #tpu.memory_space<semaphore_mem>>) src(%arg14 : memref<32x128xf32, #tpu.memory_space<vmem>>) dst(%dma_wait3A_113 : memref<10240x128xf32, #tpu.memory_space<vmem_shared>>)
        } else {
        }
        %add3A_91 = arith.constant 1 : i32
        %add3A_92 = arith.addi %add3A_51, %add3A_91 : i32
        %lt3A_93 = arith.constant 324 : i32
        %lt3A_94 = arith.cmpi slt, %add3A_92, %lt3A_93 : i32
        %convert_element_type3A_95 = arith.extui %lt3A_94 : i1 to i32
        %cond3A_96 = arith.constant 0 : i32
        %cond3A_97 = arith.cmpi ne, %convert_element_type3A_95, %cond3A_96 : i32
        scf.if %cond3A_97 {
          %dma_wait3A_111 = tpu.memref_slice %arg5[%mul3A_11] : memref<331776xi32, #tpu.memory_space<hbm>> -> memref<32xi32, #tpu.memory_space<hbm>>
          %dma_wait3A_112 = tpu.memref_slice %arg5[%mul3A_11] : memref<331776xi32, #tpu.memory_space<hbm>> -> memref<32xi32, #tpu.memory_space<hbm>>
          tpu.wait_dma2 semaphore(%arg28 : memref<!tpu.dma_semaphore, #tpu.memory_space<semaphore_mem>>) src(%dma_wait3A_112 : memref<32xi32, #tpu.memory_space<hbm>>) dst(%arg12 : memref<32xi32, #tpu.memory_space<vmem>>)
          %add3A_113 = arith.constant 1 : i32
          %add3A_114 = arith.addi %add3A_51, %add3A_113 : i32
          %mul3A_115 = arith.constant 32 : i32
          %mul3A_116 = arith.muli %add3A_114, %mul3A_115 : i32
          %dma_start3A_117 = tpu.memref_slice %arg8[%mul3A_116] : memref<10368xi32, #tpu.memory_space<vmem>> -> memref<32xi32, #tpu.memory_space<vmem>>
          %dma_start3A_118 = arith.constant 0 : i32
          %dma_start3A_119 = arith.constant 0 : i32
          %dma_start3A_120 = tpu.memref_slice %arg3[%dma_start3A_118, %dma_start3A_119] : memref<10240x128xf32, #tpu.memory_space<hbm>> -> memref<10240x128xf32, #tpu.memory_space<hbm>>
          tpu.enqueue_indirect_dma source(%dma_start3A_120 : memref<10240x128xf32, #tpu.memory_space<hbm>>) target(%arg16 : memref<32x128xf32, #tpu.memory_space<vmem>>) offsets(%dma_start3A_117 : memref<32xi32, #tpu.memory_space<vmem>>) semaphore(%arg24 : memref<!tpu.dma_semaphore, #tpu.memory_space<semaphore_mem>>)
          %dma_start3A_121 = arith.constant 0 : i32
          %dma_start3A_122 = arith.constant 0 : i32
          %dma_start3A_123 = tpu.memref_slice %arg4[%dma_start3A_121, %dma_start3A_122] : memref<10240x128xf32, #tpu.memory_space<hbm>> -> memref<10240x128xf32, #tpu.memory_space<hbm>>
          tpu.enqueue_indirect_dma source(%dma_start3A_123 : memref<10240x128xf32, #tpu.memory_space<hbm>>) target(%arg18 : memref<32x128xf32, #tpu.memory_space<vmem>>) offsets(%arg12 : memref<32xi32, #tpu.memory_space<vmem>>) semaphore(%arg26 : memref<!tpu.dma_semaphore, #tpu.memory_space<semaphore_mem>>)
          %add3A_124 = arith.constant 1 : i32
          %add3A_125 = arith.addi %add3A_51, %add3A_124 : i32
          %mul3A_126 = arith.constant 32 : i32
          %mul3A_127 = arith.muli %add3A_125, %mul3A_126 : i32
          %add3A_128 = arith.addi %mul3A_11, %mul3A_127 : i32
          %dma_start3A_129 = arith.constant 0 : i32
          %dma_start3A_130 = tpu.memref_slice %arg2[%add3A_128, %dma_start3A_129] : memref<331776x128xf32, #tpu.memory_space<hbm>> -> memref<32x128xf32, #tpu.memory_space<hbm>>
          %dma_start3A_131 = arith.constant 0 : i32
          %dma_start3A_132 = tpu.memref_slice %arg2[%add3A_128, %dma_start3A_131] : memref<331776x128xf32, #tpu.memory_space<hbm>> -> memref<32x128xf32, #tpu.memory_space<hbm>>
          tpu.enqueue_dma source(%dma_start3A_132 : memref<32x128xf32, #tpu.memory_space<hbm>>) target(%arg14 : memref<32x128xf32, #tpu.memory_space<vmem>>) target_semaphore(%arg22 : memref<!tpu.dma_semaphore, #tpu.memory_space<semaphore_mem>>)
        } else {
        }
        %scan3A_98 = arith.constant 0 : i32
        %scan3A_99 = arith.constant 2 : i32
        %scan3A_100 = arith.addi %scan3A_98, %scan3A_99 : i32
        %scan3A_101 = arith.constant 1 : i32
        scf.for %scan3A_111 = %scan3A_98 to %scan3A_100 step %scan3A_101  : i32 {
          %mul3A_112 = arith.constant 1 : i32
          %mul3A_113 = arith.muli %scan3A_111, %mul3A_112 : i32
          %add3A_114 = arith.constant 0 : i32
          %add3A_115 = arith.addi %add3A_114, %mul3A_113 : i32
          %mul3A_116 = arith.constant 32 : i32
          %mul3A_117 = arith.muli %add3A_51, %mul3A_116 : i32
          %mul3A_118 = arith.constant 16 : i32
          %mul3A_119 = arith.muli %add3A_115, %mul3A_118 : i32
          %add3A_120 = arith.addi %mul3A_117, %mul3A_119 : i32
          %get3A = arith.index_cast %add3A_120 : i32 to index
          %get3A_121 = tpu.vector_load %arg8[%get3A] {strides = array<i32>} : memref<10368xi32, #tpu.memory_space<vmem>>, vector<16xi32>,
          %get3A_122 = vector.shape_cast %get3A_121 : vector<16xi32> to vector<16xi32>
          %mul3A_123 = arith.constant 16 : i32
          %mul3A_124 = arith.muli %add3A_115, %mul3A_123 : i32
          %swap3A = arith.index_cast %mul3A_124 : i32 to index
          %swap3A_125 = tpu.vector_load %arg9[%swap3A] {strides = array<i32>} : memref<32xi32, #tpu.memory_space<vmem>>, vector<16xi32>,
          %swap3A_126 = vector.shape_cast %swap3A_125 : vector<16xi32> to vector<16xi32>
          %swap3A_127 = vector.shape_cast %get3A_122 : vector<16xi32> to vector<16xi32>
          tpu.vector_store %arg9[%swap3A], %swap3A_127 {strides = array<i32>} : memref<32xi32, #tpu.memory_space<vmem>>, vector<16xi32>,
        }
        %scan3A_102 = arith.constant 2 : i32
        %scan3A_103 = arith.constant 0 : i32
        %scan3A_104 = arith.constant 32 : i32
        %scan3A_105 = arith.addi %scan3A_103, %scan3A_104 : i32
        %scan3A_106 = arith.constant 1 : i32
        scf.for %scan3A_111 = %scan3A_103 to %scan3A_105 step %scan3A_106  : i32 {
          %mul3A_112 = arith.constant 1 : i32
          %mul3A_113 = arith.muli %scan3A_111, %mul3A_112 : i32
          %add3A_114 = arith.constant 0 : i32
          %add3A_115 = arith.addi %add3A_114, %mul3A_113 : i32
          %get3A = arith.index_cast %add3A_115 : i32 to index
          %get3A_116 = arith.constant 0 : index
          %get3A_117 = tpu.vector_load %arg13[%get3A, %get3A_116] {strides = array<i32>} : memref<32x128xf32, #tpu.memory_space<vmem>>, vector<1x16xf32>,
          %get3A_118 = vector.shape_cast %get3A_117 : vector<1x16xf32> to vector<16xf32>
          %get3A_119 = arith.index_cast %add3A_115 : i32 to index
          %get3A_120 = arith.constant 0 : index
          %get3A_121 = tpu.vector_load %arg15[%get3A_119, %get3A_120] {strides = array<i32>} : memref<32x128xf32, #tpu.memory_space<vmem>>, vector<1x16xf32>,
          %get3A_122 = vector.shape_cast %get3A_121 : vector<1x16xf32> to vector<16xf32>
          %mul3A_123 = arith.mulf %get3A_118, %get3A_122 : vector<16xf32>
          %get3A_124 = arith.index_cast %add3A_115 : i32 to index
          %get3A_125 = arith.constant 0 : index
          %get3A_126 = tpu.vector_load %arg17[%get3A_124, %get3A_125] {strides = array<i32>} : memref<32x128xf32, #tpu.memory_space<vmem>>, vector<1x16xf32>,
          %get3A_127 = vector.shape_cast %get3A_126 : vector<1x16xf32> to vector<16xf32>
          %mul3A_128 = arith.mulf %mul3A_123, %get3A_127 : vector<16xf32>
          %swap3A = arith.index_cast %add3A_115 : i32 to index
          %swap3A_129 = arith.constant 0 : index
          %swap3A_130 = tpu.vector_load %arg13[%swap3A, %swap3A_129] {strides = array<i32>} : memref<32x128xf32, #tpu.memory_space<vmem>>, vector<1x16xf32>,
          %swap3A_131 = vector.shape_cast %swap3A_130 : vector<1x16xf32> to vector<16xf32>
          %swap3A_132 = vector.shape_cast %mul3A_128 : vector<16xf32> to vector<1x16xf32>
          tpu.vector_store %arg13[%swap3A, %swap3A_129], %swap3A_132 {strides = array<i32>} : memref<32x128xf32, #tpu.memory_space<vmem>>, vector<1x16xf32>,
          %get3A_133 = arith.index_cast %add3A_115 : i32 to index
          %get3A_134 = arith.constant 16 : index
          %get3A_135 = tpu.vector_load %arg13[%get3A_133, %get3A_134] {strides = array<i32>} : memref<32x128xf32, #tpu.memory_space<vmem>>, vector<1x16xf32>,
          %get3A_136 = vector.shape_cast %get3A_135 : vector<1x16xf32> to vector<16xf32>
          %get3A_137 = arith.index_cast %add3A_115 : i32 to index
          %get3A_138 = arith.constant 16 : index
          %get3A_139 = tpu.vector_load %arg15[%get3A_137, %get3A_138] {strides = array<i32>} : memref<32x128xf32, #tpu.memory_space<vmem>>, vector<1x16xf32>,
          %get3A_140 = vector.shape_cast %get3A_139 : vector<1x16xf32> to vector<16xf32>
          %mul3A_141 = arith.mulf %get3A_136, %get3A_140 : vector<16xf32>
          %get3A_142 = arith.index_cast %add3A_115 : i32 to index
          %get3A_143 = arith.constant 16 : index
          %get3A_144 = tpu.vector_load %arg17[%get3A_142, %get3A_143] {strides = array<i32>} : memref<32x128xf32, #tpu.memory_space<vmem>>, vector<1x16xf32>,
          %get3A_145 = vector.shape_cast %get3A_144 : vector<1x16xf32> to vector<16xf32>
          %mul3A_146 = arith.mulf %mul3A_141, %get3A_145 : vector<16xf32>
          %swap3A_147 = arith.index_cast %add3A_115 : i32 to index
          %swap3A_148 = arith.constant 16 : index
          %swap3A_149 = tpu.vector_load %arg13[%swap3A_147, %swap3A_148] {strides = array<i32>} : memref<32x128xf32, #tpu.memory_space<vmem>>, vector<1x16xf32>,
          %swap3A_150 = vector.shape_cast %swap3A_149 : vector<1x16xf32> to vector<16xf32>
          %swap3A_151 = vector.shape_cast %mul3A_146 : vector<16xf32> to vector<1x16xf32>
          tpu.vector_store %arg13[%swap3A_147, %swap3A_148], %swap3A_151 {strides = array<i32>} : memref<32x128xf32, #tpu.memory_space<vmem>>, vector<1x16xf32>,
          %get3A_152 = arith.index_cast %add3A_115 : i32 to index
          %get3A_153 = arith.constant 32 : index
          %get3A_154 = tpu.vector_load %arg13[%get3A_152, %get3A_153] {strides = array<i32>} : memref<32x128xf32, #tpu.memory_space<vmem>>, vector<1x16xf32>,
          %get3A_155 = vector.shape_cast %get3A_154 : vector<1x16xf32> to vector<16xf32>
          %get3A_156 = arith.index_cast %add3A_115 : i32 to index
          %get3A_157 = arith.constant 32 : index
          %get3A_158 = tpu.vector_load %arg15[%get3A_156, %get3A_157] {strides = array<i32>} : memref<32x128xf32, #tpu.memory_space<vmem>>, vector<1x16xf32>,
          %get3A_159 = vector.shape_cast %get3A_158 : vector<1x16xf32> to vector<16xf32>
          %mul3A_160 = arith.mulf %get3A_155, %get3A_159 : vector<16xf32>
          %get3A_161 = arith.index_cast %add3A_115 : i32 to index
          %get3A_162 = arith.constant 32 : index
          %get3A_163 = tpu.vector_load %arg17[%get3A_161, %get3A_162] {strides = array<i32>} : memref<32x128xf32, #tpu.memory_space<vmem>>, vector<1x16xf32>,
          %get3A_164 = vector.shape_cast %get3A_163 : vector<1x16xf32> to vector<16xf32>
          %mul3A_165 = arith.mulf %mul3A_160, %get3A_164 : vector<16xf32>
          %swap3A_166 = arith.index_cast %add3A_115 : i32 to index
          %swap3A_167 = arith.constant 32 : index
          %swap3A_168 = tpu.vector_load %arg13[%swap3A_166, %swap3A_167] {strides = array<i32>} : memref<32x128xf32, #tpu.memory_space<vmem>>, vector<1x16xf32>,
          %swap3A_169 = vector.shape_cast %swap3A_168 : vector<1x16xf32> to vector<16xf32>
          %swap3A_170 = vector.shape_cast %mul3A_165 : vector<16xf32> to vector<1x16xf32>
          tpu.vector_store %arg13[%swap3A_166, %swap3A_167], %swap3A_170 {strides = array<i32>} : memref<32x128xf32, #tpu.memory_space<vmem>>, vector<1x16xf32>,
          %get3A_171 = arith.index_cast %add3A_115 : i32 to index
          %get3A_172 = arith.constant 48 : index
          %get3A_173 = tpu.vector_load %arg13[%get3A_171, %get3A_172] {strides = array<i32>} : memref<32x128xf32, #tpu.memory_space<vmem>>, vector<1x16xf32>,
          %get3A_174 = vector.shape_cast %get3A_173 : vector<1x16xf32> to vector<16xf32>
          %get3A_175 = arith.index_cast %add3A_115 : i32 to index
          %get3A_176 = arith.constant 48 : index
          %get3A_177 = tpu.vector_load %arg15[%get3A_175, %get3A_176] {strides = array<i32>} : memref<32x128xf32, #tpu.memory_space<vmem>>, vector<1x16xf32>,
          %get3A_178 = vector.shape_cast %get3A_177 : vector<1x16xf32> to vector<16xf32>
          %mul3A_179 = arith.mulf %get3A_174, %get3A_178 : vector<16xf32>
          %get3A_180 = arith.index_cast %add3A_115 : i32 to index
          %get3A_181 = arith.constant 48 : index
          %get3A_182 = tpu.vector_load %arg17[%get3A_180, %get3A_181] {strides = array<i32>} : memref<32x128xf32, #tpu.memory_space<vmem>>, vector<1x16xf32>,
          %get3A_183 = vector.shape_cast %get3A_182 : vector<1x16xf32> to vector<16xf32>
          %mul3A_184 = arith.mulf %mul3A_179, %get3A_183 : vector<16xf32>
          %swap3A_185 = arith.index_cast %add3A_115 : i32 to index
          %swap3A_186 = arith.constant 48 : index
          %swap3A_187 = tpu.vector_load %arg13[%swap3A_185, %swap3A_186] {strides = array<i32>} : memref<32x128xf32, #tpu.memory_space<vmem>>, vector<1x16xf32>,
          %swap3A_188 = vector.shape_cast %swap3A_187 : vector<1x16xf32> to vector<16xf32>
          %swap3A_189 = vector.shape_cast %mul3A_184 : vector<16xf32> to vector<1x16xf32>
          tpu.vector_store %arg13[%swap3A_185, %swap3A_186], %swap3A_189 {strides = array<i32>} : memref<32x128xf32, #tpu.memory_space<vmem>>, vector<1x16xf32>,
          %get3A_190 = arith.index_cast %add3A_115 : i32 to index
          %get3A_191 = arith.constant 64 : index
          %get3A_192 = tpu.vector_load %arg13[%get3A_190, %get3A_191] {strides = array<i32>} : memref<32x128xf32, #tpu.memory_space<vmem>>, vector<1x16xf32>,
          %get3A_193 = vector.shape_cast %get3A_192 : vector<1x16xf32> to vector<16xf32>
          %get3A_194 = arith.index_cast %add3A_115 : i32 to index
          %get3A_195 = arith.constant 64 : index
          %get3A_196 = tpu.vector_load %arg15[%get3A_194, %get3A_195] {strides = array<i32>} : memref<32x128xf32, #tpu.memory_space<vmem>>, vector<1x16xf32>,
          %get3A_197 = vector.shape_cast %get3A_196 : vector<1x16xf32> to vector<16xf32>
          %mul3A_198 = arith.mulf %get3A_193, %get3A_197 : vector<16xf32>
          %get3A_199 = arith.index_cast %add3A_115 : i32 to index
          %get3A_200 = arith.constant 64 : index
          %get3A_201 = tpu.vector_load %arg17[%get3A_199, %get3A_200] {strides = array<i32>} : memref<32x128xf32, #tpu.memory_space<vmem>>, vector<1x16xf32>,
          %get3A_202 = vector.shape_cast %get3A_201 : vector<1x16xf32> to vector<16xf32>
          %mul3A_203 = arith.mulf %mul3A_198, %get3A_202 : vector<16xf32>
          %swap3A_204 = arith.index_cast %add3A_115 : i32 to index
          %swap3A_205 = arith.constant 64 : index
          %swap3A_206 = tpu.vector_load %arg13[%swap3A_204, %swap3A_205] {strides = array<i32>} : memref<32x128xf32, #tpu.memory_space<vmem>>, vector<1x16xf32>,
          %swap3A_207 = vector.shape_cast %swap3A_206 : vector<1x16xf32> to vector<16xf32>
          %swap3A_208 = vector.shape_cast %mul3A_203 : vector<16xf32> to vector<1x16xf32>
          tpu.vector_store %arg13[%swap3A_204, %swap3A_205], %swap3A_208 {strides = array<i32>} : memref<32x128xf32, #tpu.memory_space<vmem>>, vector<1x16xf32>,
          %get3A_209 = arith.index_cast %add3A_115 : i32 to index
          %get3A_210 = arith.constant 80 : index
          %get3A_211 = tpu.vector_load %arg13[%get3A_209, %get3A_210] {strides = array<i32>} : memref<32x128xf32, #tpu.memory_space<vmem>>, vector<1x16xf32>,
          %get3A_212 = vector.shape_cast %get3A_211 : vector<1x16xf32> to vector<16xf32>
          %get3A_213 = arith.index_cast %add3A_115 : i32 to index
          %get3A_214 = arith.constant 80 : index
          %get3A_215 = tpu.vector_load %arg15[%get3A_213, %get3A_214] {strides = array<i32>} : memref<32x128xf32, #tpu.memory_space<vmem>>, vector<1x16xf32>,
          %get3A_216 = vector.shape_cast %get3A_215 : vector<1x16xf32> to vector<16xf32>
          %mul3A_217 = arith.mulf %get3A_212, %get3A_216 : vector<16xf32>
          %get3A_218 = arith.index_cast %add3A_115 : i32 to index
          %get3A_219 = arith.constant 80 : index
          %get3A_220 = tpu.vector_load %arg17[%get3A_218, %get3A_219] {strides = array<i32>} : memref<32x128xf32, #tpu.memory_space<vmem>>, vector<1x16xf32>,
          %get3A_221 = vector.shape_cast %get3A_220 : vector<1x16xf32> to vector<16xf32>
          %mul3A_222 = arith.mulf %mul3A_217, %get3A_221 : vector<16xf32>
          %swap3A_223 = arith.index_cast %add3A_115 : i32 to index
          %swap3A_224 = arith.constant 80 : index
          %swap3A_225 = tpu.vector_load %arg13[%swap3A_223, %swap3A_224] {strides = array<i32>} : memref<32x128xf32, #tpu.memory_space<vmem>>, vector<1x16xf32>,
          %swap3A_226 = vector.shape_cast %swap3A_225 : vector<1x16xf32> to vector<16xf32>
          %swap3A_227 = vector.shape_cast %mul3A_222 : vector<16xf32> to vector<1x16xf32>
          tpu.vector_store %arg13[%swap3A_223, %swap3A_224], %swap3A_227 {strides = array<i32>} : memref<32x128xf32, #tpu.memory_space<vmem>>, vector<1x16xf32>,
          %get3A_228 = arith.index_cast %add3A_115 : i32 to index
          %get3A_229 = arith.constant 96 : index
          %get3A_230 = tpu.vector_load %arg13[%get3A_228, %get3A_229] {strides = array<i32>} : memref<32x128xf32, #tpu.memory_space<vmem>>, vector<1x16xf32>,
          %get3A_231 = vector.shape_cast %get3A_230 : vector<1x16xf32> to vector<16xf32>
          %get3A_232 = arith.index_cast %add3A_115 : i32 to index
          %get3A_233 = arith.constant 96 : index
          %get3A_234 = tpu.vector_load %arg15[%get3A_232, %get3A_233] {strides = array<i32>} : memref<32x128xf32, #tpu.memory_space<vmem>>, vector<1x16xf32>,
          %get3A_235 = vector.shape_cast %get3A_234 : vector<1x16xf32> to vector<16xf32>
          %mul3A_236 = arith.mulf %get3A_231, %get3A_235 : vector<16xf32>
          %get3A_237 = arith.index_cast %add3A_115 : i32 to index
          %get3A_238 = arith.constant 96 : index
          %get3A_239 = tpu.vector_load %arg17[%get3A_237, %get3A_238] {strides = array<i32>} : memref<32x128xf32, #tpu.memory_space<vmem>>, vector<1x16xf32>,
          %get3A_240 = vector.shape_cast %get3A_239 : vector<1x16xf32> to vector<16xf32>
          %mul3A_241 = arith.mulf %mul3A_236, %get3A_240 : vector<16xf32>
          %swap3A_242 = arith.index_cast %add3A_115 : i32 to index
          %swap3A_243 = arith.constant 96 : index
          %swap3A_244 = tpu.vector_load %arg13[%swap3A_242, %swap3A_243] {strides = array<i32>} : memref<32x128xf32, #tpu.memory_space<vmem>>, vector<1x16xf32>,
          %swap3A_245 = vector.shape_cast %swap3A_244 : vector<1x16xf32> to vector<16xf32>
          %swap3A_246 = vector.shape_cast %mul3A_241 : vector<16xf32> to vector<1x16xf32>
          tpu.vector_store %arg13[%swap3A_242, %swap3A_243], %swap3A_246 {strides = array<i32>} : memref<32x128xf32, #tpu.memory_space<vmem>>, vector<1x16xf32>,
          %get3A_247 = arith.index_cast %add3A_115 : i32 to index
          %get3A_248 = arith.constant 112 : index
          %get3A_249 = tpu.vector_load %arg13[%get3A_247, %get3A_248] {strides = array<i32>} : memref<32x128xf32, #tpu.memory_space<vmem>>, vector<1x16xf32>,
          %get3A_250 = vector.shape_cast %get3A_249 : vector<1x16xf32> to vector<16xf32>
          %get3A_251 = arith.index_cast %add3A_115 : i32 to index
          %get3A_252 = arith.constant 112 : index
          %get3A_253 = tpu.vector_load %arg15[%get3A_251, %get3A_252] {strides = array<i32>} : memref<32x128xf32, #tpu.memory_space<vmem>>, vector<1x16xf32>,
          %get3A_254 = vector.shape_cast %get3A_253 : vector<1x16xf32> to vector<16xf32>
          %mul3A_255 = arith.mulf %get3A_250, %get3A_254 : vector<16xf32>
          %get3A_256 = arith.index_cast %add3A_115 : i32 to index
          %get3A_257 = arith.constant 112 : index
          %get3A_258 = tpu.vector_load %arg17[%get3A_256, %get3A_257] {strides = array<i32>} : memref<32x128xf32, #tpu.memory_space<vmem>>, vector<1x16xf32>,
          %get3A_259 = vector.shape_cast %get3A_258 : vector<1x16xf32> to vector<16xf32>
          %mul3A_260 = arith.mulf %mul3A_255, %get3A_259 : vector<16xf32>
          %swap3A_261 = arith.index_cast %add3A_115 : i32 to index
          %swap3A_262 = arith.constant 112 : index
          %swap3A_263 = tpu.vector_load %arg13[%swap3A_261, %swap3A_262] {strides = array<i32>} : memref<32x128xf32, #tpu.memory_space<vmem>>, vector<1x16xf32>,
          %swap3A_264 = vector.shape_cast %swap3A_263 : vector<1x16xf32> to vector<16xf32>
          %swap3A_265 = vector.shape_cast %mul3A_260 : vector<16xf32> to vector<1x16xf32>
          tpu.vector_store %arg13[%swap3A_261, %swap3A_262], %swap3A_265 {strides = array<i32>} : memref<32x128xf32, #tpu.memory_space<vmem>>, vector<1x16xf32>,
        }
        %scan3A_107 = arith.constant 32 : i32
        %dma_start3A_108 = arith.constant 0 : i32
        %dma_start3A_109 = arith.constant 0 : i32
        %dma_start3A_110 = tpu.memref_slice %arg20[%dma_start3A_108, %dma_start3A_109] : memref<10240x128xf32, #tpu.memory_space<vmem_shared>> -> memref<10240x128xf32, #tpu.memory_space<vmem_shared>>
        tpu.enqueue_indirect_dma source(%arg13 : memref<32x128xf32, #tpu.memory_space<vmem>>) target(%dma_start3A_110 : memref<10240x128xf32, #tpu.memory_space<vmem_shared>>) offsets(%arg9 : memref<32xi32, #tpu.memory_space<vmem>>) semaphore(%arg29 : memref<!tpu.dma_semaphore, #tpu.memory_space<semaphore_mem>>) {add = true}
      } else {
      }
      %eq3A_59 = arith.constant 1 : i32
      %eq3A_60 = arith.cmpi eq, %rem3A_53, %eq3A_59 : i32
      %convert_element_type3A_61 = arith.extui %eq3A_60 : i1 to i32
      %cond3A_62 = arith.constant 0 : i32
      %cond3A_63 = arith.cmpi ne, %convert_element_type3A_61, %cond3A_62 : i32
      scf.if %cond3A_63 {
        %dma_wait3A = arith.constant 0 : i32
        %dma_wait3A_64 = arith.constant 0 : i32
        %dma_wait3A_65 = tpu.memref_slice %arg2[%dma_wait3A, %dma_wait3A_64] : memref<331776x128xf32, #tpu.memory_space<hbm>> -> memref<32x128xf32, #tpu.memory_space<hbm>>
        %dma_wait3A_66 = arith.constant 0 : i32
        %dma_wait3A_67 = arith.constant 0 : i32
        %dma_wait3A_68 = tpu.memref_slice %arg2[%dma_wait3A_66, %dma_wait3A_67] : memref<331776x128xf32, #tpu.memory_space<hbm>> -> memref<32x128xf32, #tpu.memory_space<hbm>>
        tpu.wait_dma2 semaphore(%arg22 : memref<!tpu.dma_semaphore, #tpu.memory_space<semaphore_mem>>) src(%dma_wait3A_68 : memref<32x128xf32, #tpu.memory_space<hbm>>) dst(%arg14 : memref<32x128xf32, #tpu.memory_space<vmem>>)
        %dma_wait3A_69 = arith.constant 0 : i32
        %dma_wait3A_70 = arith.constant 0 : i32
        %dma_wait3A_71 = tpu.memref_slice %arg2[%dma_wait3A_69, %dma_wait3A_70] : memref<331776x128xf32, #tpu.memory_space<hbm>> -> memref<32x128xf32, #tpu.memory_space<hbm>>
        %dma_wait3A_72 = arith.constant 0 : i32
        %dma_wait3A_73 = arith.constant 0 : i32
        %dma_wait3A_74 = tpu.memref_slice %arg2[%dma_wait3A_72, %dma_wait3A_73] : memref<331776x128xf32, #tpu.memory_space<hbm>> -> memref<32x128xf32, #tpu.memory_space<hbm>>
        tpu.wait_dma2 semaphore(%arg24 : memref<!tpu.dma_semaphore, #tpu.memory_space<semaphore_mem>>) src(%dma_wait3A_74 : memref<32x128xf32, #tpu.memory_space<hbm>>) dst(%arg16 : memref<32x128xf32, #tpu.memory_space<vmem>>)
        %dma_wait3A_75 = arith.constant 0 : i32
        %dma_wait3A_76 = arith.constant 0 : i32
        %dma_wait3A_77 = tpu.memref_slice %arg2[%dma_wait3A_75, %dma_wait3A_76] : memref<331776x128xf32, #tpu.memory_space<hbm>> -> memref<32x128xf32, #tpu.memory_space<hbm>>
        %dma_wait3A_78 = arith.constant 0 : i32
        %dma_wait3A_79 = arith.constant 0 : i32
        %dma_wait3A_80 = tpu.memref_slice %arg2[%dma_wait3A_78, %dma_wait3A_79] : memref<331776x128xf32, #tpu.memory_space<hbm>> -> memref<32x128xf32, #tpu.memory_space<hbm>>
        tpu.wait_dma2 semaphore(%arg26 : memref<!tpu.dma_semaphore, #tpu.memory_space<semaphore_mem>>) src(%dma_wait3A_80 : memref<32x128xf32, #tpu.memory_space<hbm>>) dst(%arg18 : memref<32x128xf32, #tpu.memory_space<vmem>>)
        %add3A_81 = arith.constant 2 : i32
        %add3A_82 = arith.addi %add3A_51, %add3A_81 : i32
        %lt3A = arith.constant 324 : i32
        %lt3A_83 = arith.cmpi slt, %add3A_82, %lt3A : i32
        %convert_element_type3A_84 = arith.extui %lt3A_83 : i1 to i32
        %cond3A_85 = arith.constant 0 : i32
        %cond3A_86 = arith.cmpi ne, %convert_element_type3A_84, %cond3A_85 : i32
        scf.if %cond3A_86 {
          %add3A_111 = arith.constant 2 : i32
          %add3A_112 = arith.addi %add3A_51, %add3A_111 : i32
          %mul3A_113 = arith.constant 32 : i32
          %mul3A_114 = arith.muli %add3A_112, %mul3A_113 : i32
          %add3A_115 = arith.addi %mul3A_11, %mul3A_114 : i32
          %dma_start3A_116 = tpu.memref_slice %arg5[%add3A_115] : memref<331776xi32, #tpu.memory_space<hbm>> -> memref<32xi32, #tpu.memory_space<hbm>>
          %dma_start3A_117 = tpu.memref_slice %arg5[%add3A_115] : memref<331776xi32, #tpu.memory_space<hbm>> -> memref<32xi32, #tpu.memory_space<hbm>>
          tpu.enqueue_dma source(%dma_start3A_117 : memref<32xi32, #tpu.memory_space<hbm>>) target(%arg12 : memref<32xi32, #tpu.memory_space<vmem>>) target_semaphore(%arg28 : memref<!tpu.dma_semaphore, #tpu.memory_space<semaphore_mem>>)
        } else {
        }
        %ge3A = arith.constant 1 : i32
        %ge3A_87 = arith.cmpi sge, %add3A_51, %ge3A : i32
        %convert_element_type3A_88 = arith.extui %ge3A_87 : i1 to i32
        %cond3A_89 = arith.constant 0 : i32
        %cond3A_90 = arith.cmpi ne, %convert_element_type3A_88, %cond3A_89 : i32
        scf.if %cond3A_90 {
          %dma_wait3A_111 = arith.constant 0 : i32
          %dma_wait3A_112 = arith.constant 0 : i32
          %dma_wait3A_113 = tpu.memref_slice %arg20[%dma_wait3A_111, %dma_wait3A_112] : memref<10240x128xf32, #tpu.memory_space<vmem_shared>> -> memref<10240x128xf32, #tpu.memory_space<vmem_shared>>
          tpu.wait_indirect_dma semaphore(%arg29 : memref<!tpu.dma_semaphore, #tpu.memory_space<semaphore_mem>>) src(%arg13 : memref<32x128xf32, #tpu.memory_space<vmem>>) dst(%dma_wait3A_113 : memref<10240x128xf32, #tpu.memory_space<vmem_shared>>)
        } else {
        }
        %add3A_91 = arith.constant 1 : i32
        %add3A_92 = arith.addi %add3A_51, %add3A_91 : i32
        %lt3A_93 = arith.constant 324 : i32
        %lt3A_94 = arith.cmpi slt, %add3A_92, %lt3A_93 : i32
        %convert_element_type3A_95 = arith.extui %lt3A_94 : i1 to i32
        %cond3A_96 = arith.constant 0 : i32
        %cond3A_97 = arith.cmpi ne, %convert_element_type3A_95, %cond3A_96 : i32
        scf.if %cond3A_97 {
          %dma_wait3A_111 = tpu.memref_slice %arg5[%mul3A_11] : memref<331776xi32, #tpu.memory_space<hbm>> -> memref<32xi32, #tpu.memory_space<hbm>>
          %dma_wait3A_112 = tpu.memref_slice %arg5[%mul3A_11] : memref<331776xi32, #tpu.memory_space<hbm>> -> memref<32xi32, #tpu.memory_space<hbm>>
          tpu.wait_dma2 semaphore(%arg27 : memref<!tpu.dma_semaphore, #tpu.memory_space<semaphore_mem>>) src(%dma_wait3A_112 : memref<32xi32, #tpu.memory_space<hbm>>) dst(%arg11 : memref<32xi32, #tpu.memory_space<vmem>>)
          %add3A_113 = arith.constant 1 : i32
          %add3A_114 = arith.addi %add3A_51, %add3A_113 : i32
          %mul3A_115 = arith.constant 32 : i32
          %mul3A_116 = arith.muli %add3A_114, %mul3A_115 : i32
          %dma_start3A_117 = tpu.memref_slice %arg8[%mul3A_116] : memref<10368xi32, #tpu.memory_space<vmem>> -> memref<32xi32, #tpu.memory_space<vmem>>
          %dma_start3A_118 = arith.constant 0 : i32
          %dma_start3A_119 = arith.constant 0 : i32
          %dma_start3A_120 = tpu.memref_slice %arg3[%dma_start3A_118, %dma_start3A_119] : memref<10240x128xf32, #tpu.memory_space<hbm>> -> memref<10240x128xf32, #tpu.memory_space<hbm>>
          tpu.enqueue_indirect_dma source(%dma_start3A_120 : memref<10240x128xf32, #tpu.memory_space<hbm>>) target(%arg15 : memref<32x128xf32, #tpu.memory_space<vmem>>) offsets(%dma_start3A_117 : memref<32xi32, #tpu.memory_space<vmem>>) semaphore(%arg23 : memref<!tpu.dma_semaphore, #tpu.memory_space<semaphore_mem>>)
          %dma_start3A_121 = arith.constant 0 : i32
          %dma_start3A_122 = arith.constant 0 : i32
          %dma_start3A_123 = tpu.memref_slice %arg4[%dma_start3A_121, %dma_start3A_122] : memref<10240x128xf32, #tpu.memory_space<hbm>> -> memref<10240x128xf32, #tpu.memory_space<hbm>>
          tpu.enqueue_indirect_dma source(%dma_start3A_123 : memref<10240x128xf32, #tpu.memory_space<hbm>>) target(%arg17 : memref<32x128xf32, #tpu.memory_space<vmem>>) offsets(%arg11 : memref<32xi32, #tpu.memory_space<vmem>>) semaphore(%arg25 : memref<!tpu.dma_semaphore, #tpu.memory_space<semaphore_mem>>)
          %add3A_124 = arith.constant 1 : i32
          %add3A_125 = arith.addi %add3A_51, %add3A_124 : i32
          %mul3A_126 = arith.constant 32 : i32
          %mul3A_127 = arith.muli %add3A_125, %mul3A_126 : i32
          %add3A_128 = arith.addi %mul3A_11, %mul3A_127 : i32
          %dma_start3A_129 = arith.constant 0 : i32
          %dma_start3A_130 = tpu.memref_slice %arg2[%add3A_128, %dma_start3A_129] : memref<331776x128xf32, #tpu.memory_space<hbm>> -> memref<32x128xf32, #tpu.memory_space<hbm>>
          %dma_start3A_131 = arith.constant 0 : i32
          %dma_start3A_132 = tpu.memref_slice %arg2[%add3A_128, %dma_start3A_131] : memref<331776x128xf32, #tpu.memory_space<hbm>> -> memref<32x128xf32, #tpu.memory_space<hbm>>
          tpu.enqueue_dma source(%dma_start3A_132 : memref<32x128xf32, #tpu.memory_space<hbm>>) target(%arg13 : memref<32x128xf32, #tpu.memory_space<vmem>>) target_semaphore(%arg21 : memref<!tpu.dma_semaphore, #tpu.memory_space<semaphore_mem>>)
        } else {
        }
        %scan3A_98 = arith.constant 0 : i32
        %scan3A_99 = arith.constant 2 : i32
        %scan3A_100 = arith.addi %scan3A_98, %scan3A_99 : i32
        %scan3A_101 = arith.constant 1 : i32
        scf.for %scan3A_111 = %scan3A_98 to %scan3A_100 step %scan3A_101  : i32 {
          %mul3A_112 = arith.constant 1 : i32
          %mul3A_113 = arith.muli %scan3A_111, %mul3A_112 : i32
          %add3A_114 = arith.constant 0 : i32
          %add3A_115 = arith.addi %add3A_114, %mul3A_113 : i32
          %mul3A_116 = arith.constant 32 : i32
          %mul3A_117 = arith.muli %add3A_51, %mul3A_116 : i32
          %mul3A_118 = arith.constant 16 : i32
          %mul3A_119 = arith.muli %add3A_115, %mul3A_118 : i32
          %add3A_120 = arith.addi %mul3A_117, %mul3A_119 : i32
          %get3A = arith.index_cast %add3A_120 : i32 to index
          %get3A_121 = tpu.vector_load %arg8[%get3A] {strides = array<i32>} : memref<10368xi32, #tpu.memory_space<vmem>>, vector<16xi32>,
          %get3A_122 = vector.shape_cast %get3A_121 : vector<16xi32> to vector<16xi32>
          %mul3A_123 = arith.constant 16 : i32
          %mul3A_124 = arith.muli %add3A_115, %mul3A_123 : i32
          %swap3A = arith.index_cast %mul3A_124 : i32 to index
          %swap3A_125 = tpu.vector_load %arg10[%swap3A] {strides = array<i32>} : memref<32xi32, #tpu.memory_space<vmem>>, vector<16xi32>,
          %swap3A_126 = vector.shape_cast %swap3A_125 : vector<16xi32> to vector<16xi32>
          %swap3A_127 = vector.shape_cast %get3A_122 : vector<16xi32> to vector<16xi32>
          tpu.vector_store %arg10[%swap3A], %swap3A_127 {strides = array<i32>} : memref<32xi32, #tpu.memory_space<vmem>>, vector<16xi32>,
        }
        %scan3A_102 = arith.constant 2 : i32
        %scan3A_103 = arith.constant 0 : i32
        %scan3A_104 = arith.constant 32 : i32
        %scan3A_105 = arith.addi %scan3A_103, %scan3A_104 : i32
        %scan3A_106 = arith.constant 1 : i32
        scf.for %scan3A_111 = %scan3A_103 to %scan3A_105 step %scan3A_106  : i32 {
          %mul3A_112 = arith.constant 1 : i32
          %mul3A_113 = arith.muli %scan3A_111, %mul3A_112 : i32
          %add3A_114 = arith.constant 0 : i32
          %add3A_115 = arith.addi %add3A_114, %mul3A_113 : i32
          %get3A = arith.index_cast %add3A_115 : i32 to index
          %get3A_116 = arith.constant 0 : index
          %get3A_117 = tpu.vector_load %arg14[%get3A, %get3A_116] {strides = array<i32>} : memref<32x128xf32, #tpu.memory_space<vmem>>, vector<1x16xf32>,
          %get3A_118 = vector.shape_cast %get3A_117 : vector<1x16xf32> to vector<16xf32>
          %get3A_119 = arith.index_cast %add3A_115 : i32 to index
          %get3A_120 = arith.constant 0 : index
          %get3A_121 = tpu.vector_load %arg16[%get3A_119, %get3A_120] {strides = array<i32>} : memref<32x128xf32, #tpu.memory_space<vmem>>, vector<1x16xf32>,
          %get3A_122 = vector.shape_cast %get3A_121 : vector<1x16xf32> to vector<16xf32>
          %mul3A_123 = arith.mulf %get3A_118, %get3A_122 : vector<16xf32>
          %get3A_124 = arith.index_cast %add3A_115 : i32 to index
          %get3A_125 = arith.constant 0 : index
          %get3A_126 = tpu.vector_load %arg18[%get3A_124, %get3A_125] {strides = array<i32>} : memref<32x128xf32, #tpu.memory_space<vmem>>, vector<1x16xf32>,
          %get3A_127 = vector.shape_cast %get3A_126 : vector<1x16xf32> to vector<16xf32>
          %mul3A_128 = arith.mulf %mul3A_123, %get3A_127 : vector<16xf32>
          %swap3A = arith.index_cast %add3A_115 : i32 to index
          %swap3A_129 = arith.constant 0 : index
          %swap3A_130 = tpu.vector_load %arg14[%swap3A, %swap3A_129] {strides = array<i32>} : memref<32x128xf32, #tpu.memory_space<vmem>>, vector<1x16xf32>,
          %swap3A_131 = vector.shape_cast %swap3A_130 : vector<1x16xf32> to vector<16xf32>
          %swap3A_132 = vector.shape_cast %mul3A_128 : vector<16xf32> to vector<1x16xf32>
          tpu.vector_store %arg14[%swap3A, %swap3A_129], %swap3A_132 {strides = array<i32>} : memref<32x128xf32, #tpu.memory_space<vmem>>, vector<1x16xf32>,
          %get3A_133 = arith.index_cast %add3A_115 : i32 to index
          %get3A_134 = arith.constant 16 : index
          %get3A_135 = tpu.vector_load %arg14[%get3A_133, %get3A_134] {strides = array<i32>} : memref<32x128xf32, #tpu.memory_space<vmem>>, vector<1x16xf32>,
          %get3A_136 = vector.shape_cast %get3A_135 : vector<1x16xf32> to vector<16xf32>
          %get3A_137 = arith.index_cast %add3A_115 : i32 to index
          %get3A_138 = arith.constant 16 : index
          %get3A_139 = tpu.vector_load %arg16[%get3A_137, %get3A_138] {strides = array<i32>} : memref<32x128xf32, #tpu.memory_space<vmem>>, vector<1x16xf32>,
          %get3A_140 = vector.shape_cast %get3A_139 : vector<1x16xf32> to vector<16xf32>
          %mul3A_141 = arith.mulf %get3A_136, %get3A_140 : vector<16xf32>
          %get3A_142 = arith.index_cast %add3A_115 : i32 to index
          %get3A_143 = arith.constant 16 : index
          %get3A_144 = tpu.vector_load %arg18[%get3A_142, %get3A_143] {strides = array<i32>} : memref<32x128xf32, #tpu.memory_space<vmem>>, vector<1x16xf32>,
          %get3A_145 = vector.shape_cast %get3A_144 : vector<1x16xf32> to vector<16xf32>
          %mul3A_146 = arith.mulf %mul3A_141, %get3A_145 : vector<16xf32>
          %swap3A_147 = arith.index_cast %add3A_115 : i32 to index
          %swap3A_148 = arith.constant 16 : index
          %swap3A_149 = tpu.vector_load %arg14[%swap3A_147, %swap3A_148] {strides = array<i32>} : memref<32x128xf32, #tpu.memory_space<vmem>>, vector<1x16xf32>,
          %swap3A_150 = vector.shape_cast %swap3A_149 : vector<1x16xf32> to vector<16xf32>
          %swap3A_151 = vector.shape_cast %mul3A_146 : vector<16xf32> to vector<1x16xf32>
          tpu.vector_store %arg14[%swap3A_147, %swap3A_148], %swap3A_151 {strides = array<i32>} : memref<32x128xf32, #tpu.memory_space<vmem>>, vector<1x16xf32>,
          %get3A_152 = arith.index_cast %add3A_115 : i32 to index
          %get3A_153 = arith.constant 32 : index
          %get3A_154 = tpu.vector_load %arg14[%get3A_152, %get3A_153] {strides = array<i32>} : memref<32x128xf32, #tpu.memory_space<vmem>>, vector<1x16xf32>,
          %get3A_155 = vector.shape_cast %get3A_154 : vector<1x16xf32> to vector<16xf32>
          %get3A_156 = arith.index_cast %add3A_115 : i32 to index
          %get3A_157 = arith.constant 32 : index
          %get3A_158 = tpu.vector_load %arg16[%get3A_156, %get3A_157] {strides = array<i32>} : memref<32x128xf32, #tpu.memory_space<vmem>>, vector<1x16xf32>,
          %get3A_159 = vector.shape_cast %get3A_158 : vector<1x16xf32> to vector<16xf32>
          %mul3A_160 = arith.mulf %get3A_155, %get3A_159 : vector<16xf32>
          %get3A_161 = arith.index_cast %add3A_115 : i32 to index
          %get3A_162 = arith.constant 32 : index
          %get3A_163 = tpu.vector_load %arg18[%get3A_161, %get3A_162] {strides = array<i32>} : memref<32x128xf32, #tpu.memory_space<vmem>>, vector<1x16xf32>,
          %get3A_164 = vector.shape_cast %get3A_163 : vector<1x16xf32> to vector<16xf32>
          %mul3A_165 = arith.mulf %mul3A_160, %get3A_164 : vector<16xf32>
          %swap3A_166 = arith.index_cast %add3A_115 : i32 to index
          %swap3A_167 = arith.constant 32 : index
          %swap3A_168 = tpu.vector_load %arg14[%swap3A_166, %swap3A_167] {strides = array<i32>} : memref<32x128xf32, #tpu.memory_space<vmem>>, vector<1x16xf32>,
          %swap3A_169 = vector.shape_cast %swap3A_168 : vector<1x16xf32> to vector<16xf32>
          %swap3A_170 = vector.shape_cast %mul3A_165 : vector<16xf32> to vector<1x16xf32>
          tpu.vector_store %arg14[%swap3A_166, %swap3A_167], %swap3A_170 {strides = array<i32>} : memref<32x128xf32, #tpu.memory_space<vmem>>, vector<1x16xf32>,
          %get3A_171 = arith.index_cast %add3A_115 : i32 to index
          %get3A_172 = arith.constant 48 : index
          %get3A_173 = tpu.vector_load %arg14[%get3A_171, %get3A_172] {strides = array<i32>} : memref<32x128xf32, #tpu.memory_space<vmem>>, vector<1x16xf32>,
          %get3A_174 = vector.shape_cast %get3A_173 : vector<1x16xf32> to vector<16xf32>
          %get3A_175 = arith.index_cast %add3A_115 : i32 to index
          %get3A_176 = arith.constant 48 : index
          %get3A_177 = tpu.vector_load %arg16[%get3A_175, %get3A_176] {strides = array<i32>} : memref<32x128xf32, #tpu.memory_space<vmem>>, vector<1x16xf32>,
          %get3A_178 = vector.shape_cast %get3A_177 : vector<1x16xf32> to vector<16xf32>
          %mul3A_179 = arith.mulf %get3A_174, %get3A_178 : vector<16xf32>
          %get3A_180 = arith.index_cast %add3A_115 : i32 to index
          %get3A_181 = arith.constant 48 : index
          %get3A_182 = tpu.vector_load %arg18[%get3A_180, %get3A_181] {strides = array<i32>} : memref<32x128xf32, #tpu.memory_space<vmem>>, vector<1x16xf32>,
          %get3A_183 = vector.shape_cast %get3A_182 : vector<1x16xf32> to vector<16xf32>
          %mul3A_184 = arith.mulf %mul3A_179, %get3A_183 : vector<16xf32>
          %swap3A_185 = arith.index_cast %add3A_115 : i32 to index
          %swap3A_186 = arith.constant 48 : index
          %swap3A_187 = tpu.vector_load %arg14[%swap3A_185, %swap3A_186] {strides = array<i32>} : memref<32x128xf32, #tpu.memory_space<vmem>>, vector<1x16xf32>,
          %swap3A_188 = vector.shape_cast %swap3A_187 : vector<1x16xf32> to vector<16xf32>
          %swap3A_189 = vector.shape_cast %mul3A_184 : vector<16xf32> to vector<1x16xf32>
          tpu.vector_store %arg14[%swap3A_185, %swap3A_186], %swap3A_189 {strides = array<i32>} : memref<32x128xf32, #tpu.memory_space<vmem>>, vector<1x16xf32>,
          %get3A_190 = arith.index_cast %add3A_115 : i32 to index
          %get3A_191 = arith.constant 64 : index
          %get3A_192 = tpu.vector_load %arg14[%get3A_190, %get3A_191] {strides = array<i32>} : memref<32x128xf32, #tpu.memory_space<vmem>>, vector<1x16xf32>,
          %get3A_193 = vector.shape_cast %get3A_192 : vector<1x16xf32> to vector<16xf32>
          %get3A_194 = arith.index_cast %add3A_115 : i32 to index
          %get3A_195 = arith.constant 64 : index
          %get3A_196 = tpu.vector_load %arg16[%get3A_194, %get3A_195] {strides = array<i32>} : memref<32x128xf32, #tpu.memory_space<vmem>>, vector<1x16xf32>,
          %get3A_197 = vector.shape_cast %get3A_196 : vector<1x16xf32> to vector<16xf32>
          %mul3A_198 = arith.mulf %get3A_193, %get3A_197 : vector<16xf32>
          %get3A_199 = arith.index_cast %add3A_115 : i32 to index
          %get3A_200 = arith.constant 64 : index
          %get3A_201 = tpu.vector_load %arg18[%get3A_199, %get3A_200] {strides = array<i32>} : memref<32x128xf32, #tpu.memory_space<vmem>>, vector<1x16xf32>,
          %get3A_202 = vector.shape_cast %get3A_201 : vector<1x16xf32> to vector<16xf32>
          %mul3A_203 = arith.mulf %mul3A_198, %get3A_202 : vector<16xf32>
          %swap3A_204 = arith.index_cast %add3A_115 : i32 to index
          %swap3A_205 = arith.constant 64 : index
          %swap3A_206 = tpu.vector_load %arg14[%swap3A_204, %swap3A_205] {strides = array<i32>} : memref<32x128xf32, #tpu.memory_space<vmem>>, vector<1x16xf32>,
          %swap3A_207 = vector.shape_cast %swap3A_206 : vector<1x16xf32> to vector<16xf32>
          %swap3A_208 = vector.shape_cast %mul3A_203 : vector<16xf32> to vector<1x16xf32>
          tpu.vector_store %arg14[%swap3A_204, %swap3A_205], %swap3A_208 {strides = array<i32>} : memref<32x128xf32, #tpu.memory_space<vmem>>, vector<1x16xf32>,
          %get3A_209 = arith.index_cast %add3A_115 : i32 to index
          %get3A_210 = arith.constant 80 : index
          %get3A_211 = tpu.vector_load %arg14[%get3A_209, %get3A_210] {strides = array<i32>} : memref<32x128xf32, #tpu.memory_space<vmem>>, vector<1x16xf32>,
          %get3A_212 = vector.shape_cast %get3A_211 : vector<1x16xf32> to vector<16xf32>
          %get3A_213 = arith.index_cast %add3A_115 : i32 to index
          %get3A_214 = arith.constant 80 : index
          %get3A_215 = tpu.vector_load %arg16[%get3A_213, %get3A_214] {strides = array<i32>} : memref<32x128xf32, #tpu.memory_space<vmem>>, vector<1x16xf32>,
          %get3A_216 = vector.shape_cast %get3A_215 : vector<1x16xf32> to vector<16xf32>
          %mul3A_217 = arith.mulf %get3A_212, %get3A_216 : vector<16xf32>
          %get3A_218 = arith.index_cast %add3A_115 : i32 to index
          %get3A_219 = arith.constant 80 : index
          %get3A_220 = tpu.vector_load %arg18[%get3A_218, %get3A_219] {strides = array<i32>} : memref<32x128xf32, #tpu.memory_space<vmem>>, vector<1x16xf32>,
          %get3A_221 = vector.shape_cast %get3A_220 : vector<1x16xf32> to vector<16xf32>
          %mul3A_222 = arith.mulf %mul3A_217, %get3A_221 : vector<16xf32>
          %swap3A_223 = arith.index_cast %add3A_115 : i32 to index
          %swap3A_224 = arith.constant 80 : index
          %swap3A_225 = tpu.vector_load %arg14[%swap3A_223, %swap3A_224] {strides = array<i32>} : memref<32x128xf32, #tpu.memory_space<vmem>>, vector<1x16xf32>,
          %swap3A_226 = vector.shape_cast %swap3A_225 : vector<1x16xf32> to vector<16xf32>
          %swap3A_227 = vector.shape_cast %mul3A_222 : vector<16xf32> to vector<1x16xf32>
          tpu.vector_store %arg14[%swap3A_223, %swap3A_224], %swap3A_227 {strides = array<i32>} : memref<32x128xf32, #tpu.memory_space<vmem>>, vector<1x16xf32>,
          %get3A_228 = arith.index_cast %add3A_115 : i32 to index
          %get3A_229 = arith.constant 96 : index
          %get3A_230 = tpu.vector_load %arg14[%get3A_228, %get3A_229] {strides = array<i32>} : memref<32x128xf32, #tpu.memory_space<vmem>>, vector<1x16xf32>,
          %get3A_231 = vector.shape_cast %get3A_230 : vector<1x16xf32> to vector<16xf32>
          %get3A_232 = arith.index_cast %add3A_115 : i32 to index
          %get3A_233 = arith.constant 96 : index
          %get3A_234 = tpu.vector_load %arg16[%get3A_232, %get3A_233] {strides = array<i32>} : memref<32x128xf32, #tpu.memory_space<vmem>>, vector<1x16xf32>,
          %get3A_235 = vector.shape_cast %get3A_234 : vector<1x16xf32> to vector<16xf32>
          %mul3A_236 = arith.mulf %get3A_231, %get3A_235 : vector<16xf32>
          %get3A_237 = arith.index_cast %add3A_115 : i32 to index
          %get3A_238 = arith.constant 96 : index
          %get3A_239 = tpu.vector_load %arg18[%get3A_237, %get3A_238] {strides = array<i32>} : memref<32x128xf32, #tpu.memory_space<vmem>>, vector<1x16xf32>,
          %get3A_240 = vector.shape_cast %get3A_239 : vector<1x16xf32> to vector<16xf32>
          %mul3A_241 = arith.mulf %mul3A_236, %get3A_240 : vector<16xf32>
          %swap3A_242 = arith.index_cast %add3A_115 : i32 to index
          %swap3A_243 = arith.constant 96 : index
          %swap3A_244 = tpu.vector_load %arg14[%swap3A_242, %swap3A_243] {strides = array<i32>} : memref<32x128xf32, #tpu.memory_space<vmem>>, vector<1x16xf32>,
          %swap3A_245 = vector.shape_cast %swap3A_244 : vector<1x16xf32> to vector<16xf32>
          %swap3A_246 = vector.shape_cast %mul3A_241 : vector<16xf32> to vector<1x16xf32>
          tpu.vector_store %arg14[%swap3A_242, %swap3A_243], %swap3A_246 {strides = array<i32>} : memref<32x128xf32, #tpu.memory_space<vmem>>, vector<1x16xf32>,
          %get3A_247 = arith.index_cast %add3A_115 : i32 to index
          %get3A_248 = arith.constant 112 : index
          %get3A_249 = tpu.vector_load %arg14[%get3A_247, %get3A_248] {strides = array<i32>} : memref<32x128xf32, #tpu.memory_space<vmem>>, vector<1x16xf32>,
          %get3A_250 = vector.shape_cast %get3A_249 : vector<1x16xf32> to vector<16xf32>
          %get3A_251 = arith.index_cast %add3A_115 : i32 to index
          %get3A_252 = arith.constant 112 : index
          %get3A_253 = tpu.vector_load %arg16[%get3A_251, %get3A_252] {strides = array<i32>} : memref<32x128xf32, #tpu.memory_space<vmem>>, vector<1x16xf32>,
          %get3A_254 = vector.shape_cast %get3A_253 : vector<1x16xf32> to vector<16xf32>
          %mul3A_255 = arith.mulf %get3A_250, %get3A_254 : vector<16xf32>
          %get3A_256 = arith.index_cast %add3A_115 : i32 to index
          %get3A_257 = arith.constant 112 : index
          %get3A_258 = tpu.vector_load %arg18[%get3A_256, %get3A_257] {strides = array<i32>} : memref<32x128xf32, #tpu.memory_space<vmem>>, vector<1x16xf32>,
          %get3A_259 = vector.shape_cast %get3A_258 : vector<1x16xf32> to vector<16xf32>
          %mul3A_260 = arith.mulf %mul3A_255, %get3A_259 : vector<16xf32>
          %swap3A_261 = arith.index_cast %add3A_115 : i32 to index
          %swap3A_262 = arith.constant 112 : index
          %swap3A_263 = tpu.vector_load %arg14[%swap3A_261, %swap3A_262] {strides = array<i32>} : memref<32x128xf32, #tpu.memory_space<vmem>>, vector<1x16xf32>,
          %swap3A_264 = vector.shape_cast %swap3A_263 : vector<1x16xf32> to vector<16xf32>
          %swap3A_265 = vector.shape_cast %mul3A_260 : vector<16xf32> to vector<1x16xf32>
          tpu.vector_store %arg14[%swap3A_261, %swap3A_262], %swap3A_265 {strides = array<i32>} : memref<32x128xf32, #tpu.memory_space<vmem>>, vector<1x16xf32>,
        }
        %scan3A_107 = arith.constant 32 : i32
        %dma_start3A_108 = arith.constant 0 : i32
        %dma_start3A_109 = arith.constant 0 : i32
        %dma_start3A_110 = tpu.memref_slice %arg20[%dma_start3A_108, %dma_start3A_109] : memref<10240x128xf32, #tpu.memory_space<vmem_shared>> -> memref<10240x128xf32, #tpu.memory_space<vmem_shared>>
        tpu.enqueue_indirect_dma source(%arg14 : memref<32x128xf32, #tpu.memory_space<vmem>>) target(%dma_start3A_110 : memref<10240x128xf32, #tpu.memory_space<vmem_shared>>) offsets(%arg10 : memref<32xi32, #tpu.memory_space<vmem>>) semaphore(%arg30 : memref<!tpu.dma_semaphore, #tpu.memory_space<semaphore_mem>>) {add = true}
      } else {
      }
    }
    %scan3A_31 = arith.constant 324 : i32
    %rem3A = arith.constant 323 : i32
    %rem3A_32 = arith.constant 2 : i32
    %rem3A_33 = arith.remsi %rem3A, %rem3A_32 : i32
    %eq3A = arith.constant 0 : i32
    %eq3A_34 = arith.cmpi eq, %rem3A_33, %eq3A : i32
    %convert_element_type3A = arith.extui %eq3A_34 : i1 to i32
    %cond3A = arith.constant 0 : i32
    %cond3A_35 = arith.cmpi ne, %convert_element_type3A, %cond3A : i32
    scf.if %cond3A_35 {
      %dma_wait3A = arith.constant 0 : i32
      %dma_wait3A_47 = arith.constant 0 : i32
      %dma_wait3A_48 = tpu.memref_slice %arg20[%dma_wait3A, %dma_wait3A_47] : memref<10240x128xf32, #tpu.memory_space<vmem_shared>> -> memref<10240x128xf32, #tpu.memory_space<vmem_shared>>
      tpu.wait_indirect_dma semaphore(%arg29 : memref<!tpu.dma_semaphore, #tpu.memory_space<semaphore_mem>>) src(%arg13 : memref<32x128xf32, #tpu.memory_space<vmem>>) dst(%dma_wait3A_48 : memref<10240x128xf32, #tpu.memory_space<vmem_shared>>)
    } else {
    }
    %eq3A_36 = arith.constant 1 : i32
    %eq3A_37 = arith.cmpi eq, %rem3A_33, %eq3A_36 : i32
    %convert_element_type3A_38 = arith.extui %eq3A_37 : i1 to i32
    %cond3A_39 = arith.constant 0 : i32
    %cond3A_40 = arith.cmpi ne, %convert_element_type3A_38, %cond3A_39 : i32
    scf.if %cond3A_40 {
      %dma_wait3A = arith.constant 0 : i32
      %dma_wait3A_47 = arith.constant 0 : i32
      %dma_wait3A_48 = tpu.memref_slice %arg20[%dma_wait3A, %dma_wait3A_47] : memref<10240x128xf32, #tpu.memory_space<vmem_shared>> -> memref<10240x128xf32, #tpu.memory_space<vmem_shared>>
      tpu.wait_indirect_dma semaphore(%arg30 : memref<!tpu.dma_semaphore, #tpu.memory_space<semaphore_mem>>) src(%arg14 : memref<32x128xf32, #tpu.memory_space<vmem>>) dst(%dma_wait3A_48 : memref<10240x128xf32, #tpu.memory_space<vmem_shared>>)
    } else {
    }
    %barrier3A_41 = arith.constant 0 : index
    tpu.barrier barrier_id(%barrier3A_41)
    %scan3A_42 = arith.constant 0 : i32
    %scan3A_43 = arith.constant 20 : i32
    %scan3A_44 = arith.addi %scan3A_42, %scan3A_43 : i32
    %scan3A_45 = arith.constant 1 : i32
    scf.for %scan3A_47 = %scan3A_42 to %scan3A_44 step %scan3A_45  : i32 {
      %mul3A_48 = arith.constant 1 : i32
      %mul3A_49 = arith.muli %scan3A_47, %mul3A_48 : i32
      %add3A_50 = arith.constant 0 : i32
      %add3A_51 = arith.addi %add3A_50, %mul3A_49 : i32
      %mul3A_52 = arith.constant 640 : i32
      %mul3A_53 = arith.muli %arg1, %mul3A_52 : i32
      %mul3A_54 = arith.constant 32 : i32
      %mul3A_55 = arith.muli %add3A_51, %mul3A_54 : i32
      %add3A_56 = arith.addi %mul3A_53, %mul3A_55 : i32
      "tpu.region"() ({
        %run_scoped3A = tpu.sem_alloc : memref<!tpu.dma_semaphore, #tpu.memory_space<semaphore_mem>>
        %dma_start3A_57 = arith.constant 0 : i32
        %dma_start3A_58 = tpu.memref_slice %arg7[%arg0, %add3A_56, %dma_start3A_57] : memref<2x10240x128xf32, #tpu.memory_space<hbm>> -> memref<1x32x128xf32, #tpu.memory_space<hbm>>
        %dma_start3A_59 = tpu.memref_squeeze %dma_start3A_58 : memref<1x32x128xf32, #tpu.memory_space<hbm>> -> memref<32x128xf32, #tpu.memory_space<hbm>>
        %dma_start3A_60 = arith.constant 0 : i32
        %dma_start3A_61 = tpu.memref_slice %arg20[%add3A_56, %dma_start3A_60] : memref<10240x128xf32, #tpu.memory_space<vmem_shared>> -> memref<32x128xf32, #tpu.memory_space<vmem_shared>>
        tpu.enqueue_dma source(%dma_start3A_61 : memref<32x128xf32, #tpu.memory_space<vmem_shared>>) target(%dma_start3A_59 : memref<32x128xf32, #tpu.memory_space<hbm>>) target_semaphore(%run_scoped3A : memref<!tpu.dma_semaphore, #tpu.memory_space<semaphore_mem>>)
        %dma_wait3A = arith.constant 0 : i32
        %dma_wait3A_62 = tpu.memref_slice %arg7[%arg0, %add3A_56, %dma_wait3A] : memref<2x10240x128xf32, #tpu.memory_space<hbm>> -> memref<1x32x128xf32, #tpu.memory_space<hbm>>
        %dma_wait3A_63 = tpu.memref_squeeze %dma_wait3A_62 : memref<1x32x128xf32, #tpu.memory_space<hbm>> -> memref<32x128xf32, #tpu.memory_space<hbm>>
        %dma_wait3A_64 = arith.constant 0 : i32
        %dma_wait3A_65 = tpu.memref_slice %arg20[%add3A_56, %dma_wait3A_64] : memref<10240x128xf32, #tpu.memory_space<vmem_shared>> -> memref<32x128xf32, #tpu.memory_space<vmem_shared>>
        tpu.wait_dma2 semaphore(%run_scoped3A : memref<!tpu.dma_semaphore, #tpu.memory_space<semaphore_mem>>) src(%dma_wait3A_65 : memref<32x128xf32, #tpu.memory_space<vmem_shared>>) dst(%dma_wait3A_63 : memref<32x128xf32, #tpu.memory_space<hbm>>)
        tpu.yield
      }) : () -> ()
    }
    %scan3A_46 = arith.constant 20 : i32
    return
  }
}

#map = affine_map<(d0, d1) -> (0, 0)>
#map1 = affine_map<(d0, d1) -> (0)>
#map2 = affine_map<(d0, d1) -> (0, 0, 0)>
module attributes {stable_mosaic.version = 14 : i64} {
  func.func @k(%arg0: i32, %arg1: i32, %arg2: memref<331776x128xf32, #tpu.memory_space<hbm>>, %arg3: memref<331776xi32, #tpu.memory_space<hbm>>, %arg4: memref<2x10240x128xf32, #tpu.memory_space<hbm>>, %arg5: memref<10368xi32, #tpu.memory_space<vmem>>, %arg6: memref<128xi32, #tpu.memory_space<vmem>>, %arg7: memref<128xi32, #tpu.memory_space<vmem>>, %arg8: memref<128x128xf32, #tpu.memory_space<vmem>>, %arg9: memref<128x128xf32, #tpu.memory_space<vmem>>, %arg10: memref<32x128xf32, #tpu.memory_space<vmem>>, %arg11: memref<10240x128xf32, #tpu.memory_space<vmem_shared>>, %arg12: memref<!tpu.dma_semaphore, #tpu.memory_space<semaphore_mem>>, %arg13: memref<!tpu.dma_semaphore, #tpu.memory_space<semaphore_mem>>, %arg14: memref<!tpu.dma_semaphore, #tpu.memory_space<semaphore_mem>>, %arg15: memref<!tpu.dma_semaphore, #tpu.memory_space<semaphore_mem>>) attributes {dimension_semantics = [#tpu.dimension_semantics<core_parallel>, #tpu.dimension_semantics<subcore_parallel>], iteration_bounds = array<i64: 2, 16>, scalar_prefetch = 0 : i64, scratch_operands = 11 : i64, tpu.core_type = #tpu.core_type<sc_vector_subcore>, window_params = [{transform_indices = #map}, {transform_indices = #map1}, {transform_indices = #map2}]} {
    %scan3A = arith.constant 0 : i32
    %scan3A_0 = arith.constant 32 : i32
    %scan3A_1 = arith.addi %scan3A, %scan3A_0 : i32
    %scan3A_2 = arith.constant 1 : i32
    scf.for %scan3A_35 = %scan3A to %scan3A_1 step %scan3A_2  : i32 {
      %mul3A_36 = arith.constant 1 : i32
      %mul3A_37 = arith.muli %scan3A_35, %mul3A_36 : i32
      %add3A_38 = arith.constant 0 : i32
      %add3A_39 = arith.addi %add3A_38, %mul3A_37 : i32
      %broadcast_in_dim3A = arith.constant 0.000000e+00 : f32
      %broadcast_in_dim3A_40 = vector.broadcast %broadcast_in_dim3A : f32 to vector<16xf32>
      %swap3A = arith.index_cast %add3A_39 : i32 to index
      %swap3A_41 = arith.constant 0 : index
      %swap3A_42 = tpu.vector_load %arg10[%swap3A, %swap3A_41] {strides = array<i32>} : memref<32x128xf32, #tpu.memory_space<vmem>>, vector<1x16xf32>,
      %swap3A_43 = vector.shape_cast %swap3A_42 : vector<1x16xf32> to vector<16xf32>
      %swap3A_44 = vector.shape_cast %broadcast_in_dim3A_40 : vector<16xf32> to vector<1x16xf32>
      tpu.vector_store %arg10[%swap3A, %swap3A_41], %swap3A_44 {strides = array<i32>} : memref<32x128xf32, #tpu.memory_space<vmem>>, vector<1x16xf32>,
      %broadcast_in_dim3A_45 = arith.constant 0.000000e+00 : f32
      %broadcast_in_dim3A_46 = vector.broadcast %broadcast_in_dim3A_45 : f32 to vector<16xf32>
      %swap3A_47 = arith.index_cast %add3A_39 : i32 to index
      %swap3A_48 = arith.constant 16 : index
      %swap3A_49 = tpu.vector_load %arg10[%swap3A_47, %swap3A_48] {strides = array<i32>} : memref<32x128xf32, #tpu.memory_space<vmem>>, vector<1x16xf32>,
      %swap3A_50 = vector.shape_cast %swap3A_49 : vector<1x16xf32> to vector<16xf32>
      %swap3A_51 = vector.shape_cast %broadcast_in_dim3A_46 : vector<16xf32> to vector<1x16xf32>
      tpu.vector_store %arg10[%swap3A_47, %swap3A_48], %swap3A_51 {strides = array<i32>} : memref<32x128xf32, #tpu.memory_space<vmem>>, vector<1x16xf32>,
      %broadcast_in_dim3A_52 = arith.constant 0.000000e+00 : f32
      %broadcast_in_dim3A_53 = vector.broadcast %broadcast_in_dim3A_52 : f32 to vector<16xf32>
      %swap3A_54 = arith.index_cast %add3A_39 : i32 to index
      %swap3A_55 = arith.constant 32 : index
      %swap3A_56 = tpu.vector_load %arg10[%swap3A_54, %swap3A_55] {strides = array<i32>} : memref<32x128xf32, #tpu.memory_space<vmem>>, vector<1x16xf32>,
      %swap3A_57 = vector.shape_cast %swap3A_56 : vector<1x16xf32> to vector<16xf32>
      %swap3A_58 = vector.shape_cast %broadcast_in_dim3A_53 : vector<16xf32> to vector<1x16xf32>
      tpu.vector_store %arg10[%swap3A_54, %swap3A_55], %swap3A_58 {strides = array<i32>} : memref<32x128xf32, #tpu.memory_space<vmem>>, vector<1x16xf32>,
      %broadcast_in_dim3A_59 = arith.constant 0.000000e+00 : f32
      %broadcast_in_dim3A_60 = vector.broadcast %broadcast_in_dim3A_59 : f32 to vector<16xf32>
      %swap3A_61 = arith.index_cast %add3A_39 : i32 to index
      %swap3A_62 = arith.constant 48 : index
      %swap3A_63 = tpu.vector_load %arg10[%swap3A_61, %swap3A_62] {strides = array<i32>} : memref<32x128xf32, #tpu.memory_space<vmem>>, vector<1x16xf32>,
      %swap3A_64 = vector.shape_cast %swap3A_63 : vector<1x16xf32> to vector<16xf32>
      %swap3A_65 = vector.shape_cast %broadcast_in_dim3A_60 : vector<16xf32> to vector<1x16xf32>
      tpu.vector_store %arg10[%swap3A_61, %swap3A_62], %swap3A_65 {strides = array<i32>} : memref<32x128xf32, #tpu.memory_space<vmem>>, vector<1x16xf32>,
      %broadcast_in_dim3A_66 = arith.constant 0.000000e+00 : f32
      %broadcast_in_dim3A_67 = vector.broadcast %broadcast_in_dim3A_66 : f32 to vector<16xf32>
      %swap3A_68 = arith.index_cast %add3A_39 : i32 to index
      %swap3A_69 = arith.constant 64 : index
      %swap3A_70 = tpu.vector_load %arg10[%swap3A_68, %swap3A_69] {strides = array<i32>} : memref<32x128xf32, #tpu.memory_space<vmem>>, vector<1x16xf32>,
      %swap3A_71 = vector.shape_cast %swap3A_70 : vector<1x16xf32> to vector<16xf32>
      %swap3A_72 = vector.shape_cast %broadcast_in_dim3A_67 : vector<16xf32> to vector<1x16xf32>
      tpu.vector_store %arg10[%swap3A_68, %swap3A_69], %swap3A_72 {strides = array<i32>} : memref<32x128xf32, #tpu.memory_space<vmem>>, vector<1x16xf32>,
      %broadcast_in_dim3A_73 = arith.constant 0.000000e+00 : f32
      %broadcast_in_dim3A_74 = vector.broadcast %broadcast_in_dim3A_73 : f32 to vector<16xf32>
      %swap3A_75 = arith.index_cast %add3A_39 : i32 to index
      %swap3A_76 = arith.constant 80 : index
      %swap3A_77 = tpu.vector_load %arg10[%swap3A_75, %swap3A_76] {strides = array<i32>} : memref<32x128xf32, #tpu.memory_space<vmem>>, vector<1x16xf32>,
      %swap3A_78 = vector.shape_cast %swap3A_77 : vector<1x16xf32> to vector<16xf32>
      %swap3A_79 = vector.shape_cast %broadcast_in_dim3A_74 : vector<16xf32> to vector<1x16xf32>
      tpu.vector_store %arg10[%swap3A_75, %swap3A_76], %swap3A_79 {strides = array<i32>} : memref<32x128xf32, #tpu.memory_space<vmem>>, vector<1x16xf32>,
      %broadcast_in_dim3A_80 = arith.constant 0.000000e+00 : f32
      %broadcast_in_dim3A_81 = vector.broadcast %broadcast_in_dim3A_80 : f32 to vector<16xf32>
      %swap3A_82 = arith.index_cast %add3A_39 : i32 to index
      %swap3A_83 = arith.constant 96 : index
      %swap3A_84 = tpu.vector_load %arg10[%swap3A_82, %swap3A_83] {strides = array<i32>} : memref<32x128xf32, #tpu.memory_space<vmem>>, vector<1x16xf32>,
      %swap3A_85 = vector.shape_cast %swap3A_84 : vector<1x16xf32> to vector<16xf32>
      %swap3A_86 = vector.shape_cast %broadcast_in_dim3A_81 : vector<16xf32> to vector<1x16xf32>
      tpu.vector_store %arg10[%swap3A_82, %swap3A_83], %swap3A_86 {strides = array<i32>} : memref<32x128xf32, #tpu.memory_space<vmem>>, vector<1x16xf32>,
      %broadcast_in_dim3A_87 = arith.constant 0.000000e+00 : f32
      %broadcast_in_dim3A_88 = vector.broadcast %broadcast_in_dim3A_87 : f32 to vector<16xf32>
      %swap3A_89 = arith.index_cast %add3A_39 : i32 to index
      %swap3A_90 = arith.constant 112 : index
      %swap3A_91 = tpu.vector_load %arg10[%swap3A_89, %swap3A_90] {strides = array<i32>} : memref<32x128xf32, #tpu.memory_space<vmem>>, vector<1x16xf32>,
      %swap3A_92 = vector.shape_cast %swap3A_91 : vector<1x16xf32> to vector<16xf32>
      %swap3A_93 = vector.shape_cast %broadcast_in_dim3A_88 : vector<16xf32> to vector<1x16xf32>
      tpu.vector_store %arg10[%swap3A_89, %swap3A_90], %swap3A_93 {strides = array<i32>} : memref<32x128xf32, #tpu.memory_space<vmem>>, vector<1x16xf32>,
    }
    %scan3A_3 = arith.constant 32 : i32
    %scan3A_4 = arith.constant 0 : i32
    %scan3A_5 = arith.constant 20 : i32
    %scan3A_6 = arith.addi %scan3A_4, %scan3A_5 : i32
    %scan3A_7 = arith.constant 1 : i32
    scf.for %scan3A_35 = %scan3A_4 to %scan3A_6 step %scan3A_7  : i32 {
      %mul3A_36 = arith.constant 1 : i32
      %mul3A_37 = arith.muli %scan3A_35, %mul3A_36 : i32
      %add3A_38 = arith.constant 0 : i32
      %add3A_39 = arith.addi %add3A_38, %mul3A_37 : i32
      %mul3A_40 = arith.constant 640 : i32
      %mul3A_41 = arith.muli %arg1, %mul3A_40 : i32
      %mul3A_42 = arith.constant 32 : i32
      %mul3A_43 = arith.muli %add3A_39, %mul3A_42 : i32
      %add3A_44 = arith.addi %mul3A_41, %mul3A_43 : i32
      "tpu.region"() ({
        %run_scoped3A = tpu.sem_alloc : memref<!tpu.dma_semaphore, #tpu.memory_space<semaphore_mem>>
        %dma_start3A_45 = arith.constant 0 : i32
        %dma_start3A_46 = tpu.memref_slice %arg11[%add3A_44, %dma_start3A_45] : memref<10240x128xf32, #tpu.memory_space<vmem_shared>> -> memref<32x128xf32, #tpu.memory_space<vmem_shared>>
        %dma_start3A_47 = arith.constant 0 : i32
        %dma_start3A_48 = tpu.memref_slice %arg11[%add3A_44, %dma_start3A_47] : memref<10240x128xf32, #tpu.memory_space<vmem_shared>> -> memref<32x128xf32, #tpu.memory_space<vmem_shared>>
        tpu.enqueue_dma source(%arg10 : memref<32x128xf32, #tpu.memory_space<vmem>>) target(%dma_start3A_48 : memref<32x128xf32, #tpu.memory_space<vmem_shared>>) target_semaphore(%run_scoped3A : memref<!tpu.dma_semaphore, #tpu.memory_space<semaphore_mem>>)
        %dma_wait3A = arith.constant 0 : i32
        %dma_wait3A_49 = tpu.memref_slice %arg11[%add3A_44, %dma_wait3A] : memref<10240x128xf32, #tpu.memory_space<vmem_shared>> -> memref<32x128xf32, #tpu.memory_space<vmem_shared>>
        %dma_wait3A_50 = arith.constant 0 : i32
        %dma_wait3A_51 = tpu.memref_slice %arg11[%add3A_44, %dma_wait3A_50] : memref<10240x128xf32, #tpu.memory_space<vmem_shared>> -> memref<32x128xf32, #tpu.memory_space<vmem_shared>>
        tpu.wait_dma2 semaphore(%run_scoped3A : memref<!tpu.dma_semaphore, #tpu.memory_space<semaphore_mem>>) src(%arg10 : memref<32x128xf32, #tpu.memory_space<vmem>>) dst(%dma_wait3A_51 : memref<32x128xf32, #tpu.memory_space<vmem_shared>>)
        tpu.yield
      }) : () -> ()
    }
    %scan3A_8 = arith.constant 20 : i32
    %barrier3A = arith.constant 0 : index
    tpu.barrier barrier_id(%barrier3A)
    %mul3A = arith.constant 16 : i32
    %mul3A_9 = arith.muli %arg0, %mul3A : i32
    %add3A = arith.addi %mul3A_9, %arg1 : i32
    %mul3A_10 = arith.constant 10368 : i32
    %mul3A_11 = arith.muli %add3A, %mul3A_10 : i32
    "tpu.region"() ({
      %run_scoped3A = tpu.sem_alloc : memref<!tpu.dma_semaphore, #tpu.memory_space<semaphore_mem>>
      %dma_start3A_35 = tpu.memref_slice %arg3[%mul3A_11] : memref<331776xi32, #tpu.memory_space<hbm>> -> memref<10368xi32, #tpu.memory_space<hbm>>
      %dma_start3A_36 = tpu.memref_slice %arg3[%mul3A_11] : memref<331776xi32, #tpu.memory_space<hbm>> -> memref<10368xi32, #tpu.memory_space<hbm>>
      tpu.enqueue_dma source(%dma_start3A_36 : memref<10368xi32, #tpu.memory_space<hbm>>) target(%arg5 : memref<10368xi32, #tpu.memory_space<vmem>>) target_semaphore(%run_scoped3A : memref<!tpu.dma_semaphore, #tpu.memory_space<semaphore_mem>>)
      %dma_wait3A = tpu.memref_slice %arg3[%mul3A_11] : memref<331776xi32, #tpu.memory_space<hbm>> -> memref<10368xi32, #tpu.memory_space<hbm>>
      %dma_wait3A_37 = tpu.memref_slice %arg3[%mul3A_11] : memref<331776xi32, #tpu.memory_space<hbm>> -> memref<10368xi32, #tpu.memory_space<hbm>>
      tpu.wait_dma2 semaphore(%run_scoped3A : memref<!tpu.dma_semaphore, #tpu.memory_space<semaphore_mem>>) src(%dma_wait3A_37 : memref<10368xi32, #tpu.memory_space<hbm>>) dst(%arg5 : memref<10368xi32, #tpu.memory_space<vmem>>)
      tpu.yield
    }) : () -> ()
    %dma_start3A = arith.constant 0 : i32
    %dma_start3A_12 = tpu.memref_slice %arg2[%mul3A_11, %dma_start3A] : memref<331776x128xf32, #tpu.memory_space<hbm>> -> memref<128x128xf32, #tpu.memory_space<hbm>>
    %dma_start3A_13 = arith.constant 0 : i32
    %dma_start3A_14 = tpu.memref_slice %arg2[%mul3A_11, %dma_start3A_13] : memref<331776x128xf32, #tpu.memory_space<hbm>> -> memref<128x128xf32, #tpu.memory_space<hbm>>
    tpu.enqueue_dma source(%dma_start3A_14 : memref<128x128xf32, #tpu.memory_space<hbm>>) target(%arg8 : memref<128x128xf32, #tpu.memory_space<vmem>>) target_semaphore(%arg12 : memref<!tpu.dma_semaphore, #tpu.memory_space<semaphore_mem>>)
    %scan3A_15 = arith.constant 0 : i32
    %scan3A_16 = arith.constant 81 : i32
    %scan3A_17 = arith.addi %scan3A_15, %scan3A_16 : i32
    %scan3A_18 = arith.constant 1 : i32
    scf.for %scan3A_35 = %scan3A_15 to %scan3A_17 step %scan3A_18  : i32 {
      %mul3A_36 = arith.constant 1 : i32
      %mul3A_37 = arith.muli %scan3A_35, %mul3A_36 : i32
      %add3A_38 = arith.constant 0 : i32
      %add3A_39 = arith.addi %add3A_38, %mul3A_37 : i32
      %rem3A_40 = arith.constant 2 : i32
      %rem3A_41 = arith.remsi %add3A_39, %rem3A_40 : i32
      %eq3A_42 = arith.constant 0 : i32
      %eq3A_43 = arith.cmpi eq, %rem3A_41, %eq3A_42 : i32
      %convert_element_type3A_44 = arith.extui %eq3A_43 : i1 to i32
      %cond3A_45 = arith.constant 0 : i32
      %cond3A_46 = arith.cmpi ne, %convert_element_type3A_44, %cond3A_45 : i32
      scf.if %cond3A_46 {
        %dma_wait3A = arith.constant 0 : i32
        %dma_wait3A_52 = arith.constant 0 : i32
        %dma_wait3A_53 = tpu.memref_slice %arg2[%dma_wait3A, %dma_wait3A_52] : memref<331776x128xf32, #tpu.memory_space<hbm>> -> memref<128x128xf32, #tpu.memory_space<hbm>>
        %dma_wait3A_54 = arith.constant 0 : i32
        %dma_wait3A_55 = arith.constant 0 : i32
        %dma_wait3A_56 = tpu.memref_slice %arg2[%dma_wait3A_54, %dma_wait3A_55] : memref<331776x128xf32, #tpu.memory_space<hbm>> -> memref<128x128xf32, #tpu.memory_space<hbm>>
        tpu.wait_dma2 semaphore(%arg12 : memref<!tpu.dma_semaphore, #tpu.memory_space<semaphore_mem>>) src(%dma_wait3A_56 : memref<128x128xf32, #tpu.memory_space<hbm>>) dst(%arg8 : memref<128x128xf32, #tpu.memory_space<vmem>>)
        %ge3A = arith.constant 1 : i32
        %ge3A_57 = arith.cmpi sge, %add3A_39, %ge3A : i32
        %convert_element_type3A_58 = arith.extui %ge3A_57 : i1 to i32
        %cond3A_59 = arith.constant 0 : i32
        %cond3A_60 = arith.cmpi ne, %convert_element_type3A_58, %cond3A_59 : i32
        scf.if %cond3A_60 {
          %dma_wait3A_75 = arith.constant 0 : i32
          %dma_wait3A_76 = arith.constant 0 : i32
          %dma_wait3A_77 = tpu.memref_slice %arg11[%dma_wait3A_75, %dma_wait3A_76] : memref<10240x128xf32, #tpu.memory_space<vmem_shared>> -> memref<10240x128xf32, #tpu.memory_space<vmem_shared>>
          tpu.wait_indirect_dma semaphore(%arg15 : memref<!tpu.dma_semaphore, #tpu.memory_space<semaphore_mem>>) src(%arg9 : memref<128x128xf32, #tpu.memory_space<vmem>>) dst(%dma_wait3A_77 : memref<10240x128xf32, #tpu.memory_space<vmem_shared>>)
        } else {
        }
        %add3A_61 = arith.constant 1 : i32
        %add3A_62 = arith.addi %add3A_39, %add3A_61 : i32
        %lt3A = arith.constant 81 : i32
        %lt3A_63 = arith.cmpi slt, %add3A_62, %lt3A : i32
        %convert_element_type3A_64 = arith.extui %lt3A_63 : i1 to i32
        %cond3A_65 = arith.constant 0 : i32
        %cond3A_66 = arith.cmpi ne, %convert_element_type3A_64, %cond3A_65 : i32
        scf.if %cond3A_66 {
          %add3A_75 = arith.constant 1 : i32
          %add3A_76 = arith.addi %add3A_39, %add3A_75 : i32
          %mul3A_77 = arith.constant 128 : i32
          %mul3A_78 = arith.muli %add3A_76, %mul3A_77 : i32
          %add3A_79 = arith.addi %mul3A_11, %mul3A_78 : i32
          %dma_start3A_80 = arith.constant 0 : i32
          %dma_start3A_81 = tpu.memref_slice %arg2[%add3A_79, %dma_start3A_80] : memref<331776x128xf32, #tpu.memory_space<hbm>> -> memref<128x128xf32, #tpu.memory_space<hbm>>
          %dma_start3A_82 = arith.constant 0 : i32
          %dma_start3A_83 = tpu.memref_slice %arg2[%add3A_79, %dma_start3A_82] : memref<331776x128xf32, #tpu.memory_space<hbm>> -> memref<128x128xf32, #tpu.memory_space<hbm>>
          tpu.enqueue_dma source(%dma_start3A_83 : memref<128x128xf32, #tpu.memory_space<hbm>>) target(%arg9 : memref<128x128xf32, #tpu.memory_space<vmem>>) target_semaphore(%arg13 : memref<!tpu.dma_semaphore, #tpu.memory_space<semaphore_mem>>)
        } else {
        }
        %scan3A_67 = arith.constant 0 : i32
        %scan3A_68 = arith.constant 8 : i32
        %scan3A_69 = arith.addi %scan3A_67, %scan3A_68 : i32
        %scan3A_70 = arith.constant 1 : i32
        scf.for %scan3A_75 = %scan3A_67 to %scan3A_69 step %scan3A_70  : i32 {
          %mul3A_76 = arith.constant 1 : i32
          %mul3A_77 = arith.muli %scan3A_75, %mul3A_76 : i32
          %add3A_78 = arith.constant 0 : i32
          %add3A_79 = arith.addi %add3A_78, %mul3A_77 : i32
          %mul3A_80 = arith.constant 128 : i32
          %mul3A_81 = arith.muli %add3A_39, %mul3A_80 : i32
          %mul3A_82 = arith.constant 16 : i32
          %mul3A_83 = arith.muli %add3A_79, %mul3A_82 : i32
          %add3A_84 = arith.addi %mul3A_81, %mul3A_83 : i32
          %get3A = arith.index_cast %add3A_84 : i32 to index
          %get3A_85 = tpu.vector_load %arg5[%get3A] {strides = array<i32>} : memref<10368xi32, #tpu.memory_space<vmem>>, vector<16xi32>,
          %get3A_86 = vector.shape_cast %get3A_85 : vector<16xi32> to vector<16xi32>
          %mul3A_87 = arith.constant 16 : i32
          %mul3A_88 = arith.muli %add3A_79, %mul3A_87 : i32
          %swap3A = arith.index_cast %mul3A_88 : i32 to index
          %swap3A_89 = tpu.vector_load %arg6[%swap3A] {strides = array<i32>} : memref<128xi32, #tpu.memory_space<vmem>>, vector<16xi32>,
          %swap3A_90 = vector.shape_cast %swap3A_89 : vector<16xi32> to vector<16xi32>
          %swap3A_91 = vector.shape_cast %get3A_86 : vector<16xi32> to vector<16xi32>
          tpu.vector_store %arg6[%swap3A], %swap3A_91 {strides = array<i32>} : memref<128xi32, #tpu.memory_space<vmem>>, vector<16xi32>,
        }
        %scan3A_71 = arith.constant 8 : i32
        %dma_start3A_72 = arith.constant 0 : i32
        %dma_start3A_73 = arith.constant 0 : i32
        %dma_start3A_74 = tpu.memref_slice %arg11[%dma_start3A_72, %dma_start3A_73] : memref<10240x128xf32, #tpu.memory_space<vmem_shared>> -> memref<10240x128xf32, #tpu.memory_space<vmem_shared>>
        tpu.enqueue_indirect_dma source(%arg8 : memref<128x128xf32, #tpu.memory_space<vmem>>) target(%dma_start3A_74 : memref<10240x128xf32, #tpu.memory_space<vmem_shared>>) offsets(%arg6 : memref<128xi32, #tpu.memory_space<vmem>>) semaphore(%arg14 : memref<!tpu.dma_semaphore, #tpu.memory_space<semaphore_mem>>) {add = true}
      } else {
      }
      %eq3A_47 = arith.constant 1 : i32
      %eq3A_48 = arith.cmpi eq, %rem3A_41, %eq3A_47 : i32
      %convert_element_type3A_49 = arith.extui %eq3A_48 : i1 to i32
      %cond3A_50 = arith.constant 0 : i32
      %cond3A_51 = arith.cmpi ne, %convert_element_type3A_49, %cond3A_50 : i32
      scf.if %cond3A_51 {
        %dma_wait3A = arith.constant 0 : i32
        %dma_wait3A_52 = arith.constant 0 : i32
        %dma_wait3A_53 = tpu.memref_slice %arg2[%dma_wait3A, %dma_wait3A_52] : memref<331776x128xf32, #tpu.memory_space<hbm>> -> memref<128x128xf32, #tpu.memory_space<hbm>>
        %dma_wait3A_54 = arith.constant 0 : i32
        %dma_wait3A_55 = arith.constant 0 : i32
        %dma_wait3A_56 = tpu.memref_slice %arg2[%dma_wait3A_54, %dma_wait3A_55] : memref<331776x128xf32, #tpu.memory_space<hbm>> -> memref<128x128xf32, #tpu.memory_space<hbm>>
        tpu.wait_dma2 semaphore(%arg13 : memref<!tpu.dma_semaphore, #tpu.memory_space<semaphore_mem>>) src(%dma_wait3A_56 : memref<128x128xf32, #tpu.memory_space<hbm>>) dst(%arg9 : memref<128x128xf32, #tpu.memory_space<vmem>>)
        %ge3A = arith.constant 1 : i32
        %ge3A_57 = arith.cmpi sge, %add3A_39, %ge3A : i32
        %convert_element_type3A_58 = arith.extui %ge3A_57 : i1 to i32
        %cond3A_59 = arith.constant 0 : i32
        %cond3A_60 = arith.cmpi ne, %convert_element_type3A_58, %cond3A_59 : i32
        scf.if %cond3A_60 {
          %dma_wait3A_75 = arith.constant 0 : i32
          %dma_wait3A_76 = arith.constant 0 : i32
          %dma_wait3A_77 = tpu.memref_slice %arg11[%dma_wait3A_75, %dma_wait3A_76] : memref<10240x128xf32, #tpu.memory_space<vmem_shared>> -> memref<10240x128xf32, #tpu.memory_space<vmem_shared>>
          tpu.wait_indirect_dma semaphore(%arg14 : memref<!tpu.dma_semaphore, #tpu.memory_space<semaphore_mem>>) src(%arg8 : memref<128x128xf32, #tpu.memory_space<vmem>>) dst(%dma_wait3A_77 : memref<10240x128xf32, #tpu.memory_space<vmem_shared>>)
        } else {
        }
        %add3A_61 = arith.constant 1 : i32
        %add3A_62 = arith.addi %add3A_39, %add3A_61 : i32
        %lt3A = arith.constant 81 : i32
        %lt3A_63 = arith.cmpi slt, %add3A_62, %lt3A : i32
        %convert_element_type3A_64 = arith.extui %lt3A_63 : i1 to i32
        %cond3A_65 = arith.constant 0 : i32
        %cond3A_66 = arith.cmpi ne, %convert_element_type3A_64, %cond3A_65 : i32
        scf.if %cond3A_66 {
          %add3A_75 = arith.constant 1 : i32
          %add3A_76 = arith.addi %add3A_39, %add3A_75 : i32
          %mul3A_77 = arith.constant 128 : i32
          %mul3A_78 = arith.muli %add3A_76, %mul3A_77 : i32
          %add3A_79 = arith.addi %mul3A_11, %mul3A_78 : i32
          %dma_start3A_80 = arith.constant 0 : i32
          %dma_start3A_81 = tpu.memref_slice %arg2[%add3A_79, %dma_start3A_80] : memref<331776x128xf32, #tpu.memory_space<hbm>> -> memref<128x128xf32, #tpu.memory_space<hbm>>
          %dma_start3A_82 = arith.constant 0 : i32
          %dma_start3A_83 = tpu.memref_slice %arg2[%add3A_79, %dma_start3A_82] : memref<331776x128xf32, #tpu.memory_space<hbm>> -> memref<128x128xf32, #tpu.memory_space<hbm>>
          tpu.enqueue_dma source(%dma_start3A_83 : memref<128x128xf32, #tpu.memory_space<hbm>>) target(%arg8 : memref<128x128xf32, #tpu.memory_space<vmem>>) target_semaphore(%arg12 : memref<!tpu.dma_semaphore, #tpu.memory_space<semaphore_mem>>)
        } else {
        }
        %scan3A_67 = arith.constant 0 : i32
        %scan3A_68 = arith.constant 8 : i32
        %scan3A_69 = arith.addi %scan3A_67, %scan3A_68 : i32
        %scan3A_70 = arith.constant 1 : i32
        scf.for %scan3A_75 = %scan3A_67 to %scan3A_69 step %scan3A_70  : i32 {
          %mul3A_76 = arith.constant 1 : i32
          %mul3A_77 = arith.muli %scan3A_75, %mul3A_76 : i32
          %add3A_78 = arith.constant 0 : i32
          %add3A_79 = arith.addi %add3A_78, %mul3A_77 : i32
          %mul3A_80 = arith.constant 128 : i32
          %mul3A_81 = arith.muli %add3A_39, %mul3A_80 : i32
          %mul3A_82 = arith.constant 16 : i32
          %mul3A_83 = arith.muli %add3A_79, %mul3A_82 : i32
          %add3A_84 = arith.addi %mul3A_81, %mul3A_83 : i32
          %get3A = arith.index_cast %add3A_84 : i32 to index
          %get3A_85 = tpu.vector_load %arg5[%get3A] {strides = array<i32>} : memref<10368xi32, #tpu.memory_space<vmem>>, vector<16xi32>,
          %get3A_86 = vector.shape_cast %get3A_85 : vector<16xi32> to vector<16xi32>
          %mul3A_87 = arith.constant 16 : i32
          %mul3A_88 = arith.muli %add3A_79, %mul3A_87 : i32
          %swap3A = arith.index_cast %mul3A_88 : i32 to index
          %swap3A_89 = tpu.vector_load %arg7[%swap3A] {strides = array<i32>} : memref<128xi32, #tpu.memory_space<vmem>>, vector<16xi32>,
          %swap3A_90 = vector.shape_cast %swap3A_89 : vector<16xi32> to vector<16xi32>
          %swap3A_91 = vector.shape_cast %get3A_86 : vector<16xi32> to vector<16xi32>
          tpu.vector_store %arg7[%swap3A], %swap3A_91 {strides = array<i32>} : memref<128xi32, #tpu.memory_space<vmem>>, vector<16xi32>,
        }
        %scan3A_71 = arith.constant 8 : i32
        %dma_start3A_72 = arith.constant 0 : i32
        %dma_start3A_73 = arith.constant 0 : i32
        %dma_start3A_74 = tpu.memref_slice %arg11[%dma_start3A_72, %dma_start3A_73] : memref<10240x128xf32, #tpu.memory_space<vmem_shared>> -> memref<10240x128xf32, #tpu.memory_space<vmem_shared>>
        tpu.enqueue_indirect_dma source(%arg9 : memref<128x128xf32, #tpu.memory_space<vmem>>) target(%dma_start3A_74 : memref<10240x128xf32, #tpu.memory_space<vmem_shared>>) offsets(%arg7 : memref<128xi32, #tpu.memory_space<vmem>>) semaphore(%arg15 : memref<!tpu.dma_semaphore, #tpu.memory_space<semaphore_mem>>) {add = true}
      } else {
      }
    }
    %scan3A_19 = arith.constant 81 : i32
    %rem3A = arith.constant 80 : i32
    %rem3A_20 = arith.constant 2 : i32
    %rem3A_21 = arith.remsi %rem3A, %rem3A_20 : i32
    %eq3A = arith.constant 0 : i32
    %eq3A_22 = arith.cmpi eq, %rem3A_21, %eq3A : i32
    %convert_element_type3A = arith.extui %eq3A_22 : i1 to i32
    %cond3A = arith.constant 0 : i32
    %cond3A_23 = arith.cmpi ne, %convert_element_type3A, %cond3A : i32
    scf.if %cond3A_23 {
      %dma_wait3A = arith.constant 0 : i32
      %dma_wait3A_35 = arith.constant 0 : i32
      %dma_wait3A_36 = tpu.memref_slice %arg11[%dma_wait3A, %dma_wait3A_35] : memref<10240x128xf32, #tpu.memory_space<vmem_shared>> -> memref<10240x128xf32, #tpu.memory_space<vmem_shared>>
      tpu.wait_indirect_dma semaphore(%arg14 : memref<!tpu.dma_semaphore, #tpu.memory_space<semaphore_mem>>) src(%arg8 : memref<128x128xf32, #tpu.memory_space<vmem>>) dst(%dma_wait3A_36 : memref<10240x128xf32, #tpu.memory_space<vmem_shared>>)
    } else {
    }
    %eq3A_24 = arith.constant 1 : i32
    %eq3A_25 = arith.cmpi eq, %rem3A_21, %eq3A_24 : i32
    %convert_element_type3A_26 = arith.extui %eq3A_25 : i1 to i32
    %cond3A_27 = arith.constant 0 : i32
    %cond3A_28 = arith.cmpi ne, %convert_element_type3A_26, %cond3A_27 : i32
    scf.if %cond3A_28 {
      %dma_wait3A = arith.constant 0 : i32
      %dma_wait3A_35 = arith.constant 0 : i32
      %dma_wait3A_36 = tpu.memref_slice %arg11[%dma_wait3A, %dma_wait3A_35] : memref<10240x128xf32, #tpu.memory_space<vmem_shared>> -> memref<10240x128xf32, #tpu.memory_space<vmem_shared>>
      tpu.wait_indirect_dma semaphore(%arg15 : memref<!tpu.dma_semaphore, #tpu.memory_space<semaphore_mem>>) src(%arg9 : memref<128x128xf32, #tpu.memory_space<vmem>>) dst(%dma_wait3A_36 : memref<10240x128xf32, #tpu.memory_space<vmem_shared>>)
    } else {
    }
    %barrier3A_29 = arith.constant 0 : index
    tpu.barrier barrier_id(%barrier3A_29)
    %scan3A_30 = arith.constant 0 : i32
    %scan3A_31 = arith.constant 20 : i32
    %scan3A_32 = arith.addi %scan3A_30, %scan3A_31 : i32
    %scan3A_33 = arith.constant 1 : i32
    scf.for %scan3A_35 = %scan3A_30 to %scan3A_32 step %scan3A_33  : i32 {
      %mul3A_36 = arith.constant 1 : i32
      %mul3A_37 = arith.muli %scan3A_35, %mul3A_36 : i32
      %add3A_38 = arith.constant 0 : i32
      %add3A_39 = arith.addi %add3A_38, %mul3A_37 : i32
      %mul3A_40 = arith.constant 640 : i32
      %mul3A_41 = arith.muli %arg1, %mul3A_40 : i32
      %mul3A_42 = arith.constant 32 : i32
      %mul3A_43 = arith.muli %add3A_39, %mul3A_42 : i32
      %add3A_44 = arith.addi %mul3A_41, %mul3A_43 : i32
      "tpu.region"() ({
        %run_scoped3A = tpu.sem_alloc : memref<!tpu.dma_semaphore, #tpu.memory_space<semaphore_mem>>
        %dma_start3A_45 = arith.constant 0 : i32
        %dma_start3A_46 = tpu.memref_slice %arg4[%arg0, %add3A_44, %dma_start3A_45] : memref<2x10240x128xf32, #tpu.memory_space<hbm>> -> memref<1x32x128xf32, #tpu.memory_space<hbm>>
        %dma_start3A_47 = tpu.memref_squeeze %dma_start3A_46 : memref<1x32x128xf32, #tpu.memory_space<hbm>> -> memref<32x128xf32, #tpu.memory_space<hbm>>
        %dma_start3A_48 = arith.constant 0 : i32
        %dma_start3A_49 = tpu.memref_slice %arg11[%add3A_44, %dma_start3A_48] : memref<10240x128xf32, #tpu.memory_space<vmem_shared>> -> memref<32x128xf32, #tpu.memory_space<vmem_shared>>
        tpu.enqueue_dma source(%dma_start3A_49 : memref<32x128xf32, #tpu.memory_space<vmem_shared>>) target(%dma_start3A_47 : memref<32x128xf32, #tpu.memory_space<hbm>>) target_semaphore(%run_scoped3A : memref<!tpu.dma_semaphore, #tpu.memory_space<semaphore_mem>>)
        %dma_wait3A = arith.constant 0 : i32
        %dma_wait3A_50 = tpu.memref_slice %arg4[%arg0, %add3A_44, %dma_wait3A] : memref<2x10240x128xf32, #tpu.memory_space<hbm>> -> memref<1x32x128xf32, #tpu.memory_space<hbm>>
        %dma_wait3A_51 = tpu.memref_squeeze %dma_wait3A_50 : memref<1x32x128xf32, #tpu.memory_space<hbm>> -> memref<32x128xf32, #tpu.memory_space<hbm>>
        %dma_wait3A_52 = arith.constant 0 : i32
        %dma_wait3A_53 = tpu.memref_slice %arg11[%add3A_44, %dma_wait3A_52] : memref<10240x128xf32, #tpu.memory_space<vmem_shared>> -> memref<32x128xf32, #tpu.memory_space<vmem_shared>>
        tpu.wait_dma2 semaphore(%run_scoped3A : memref<!tpu.dma_semaphore, #tpu.memory_space<semaphore_mem>>) src(%dma_wait3A_53 : memref<32x128xf32, #tpu.memory_space<vmem_shared>>) dst(%dma_wait3A_51 : memref<32x128xf32, #tpu.memory_space<hbm>>)
        tpu.yield
      }) : () -> ()
    }
    %scan3A_34 = arith.constant 20 : i32
    return
  }
}

module attributes {stable_mosaic.version = 14 : i64} {
  func.func @_prep_body(%arg0: i32, %arg1: memref<2560x128xf32, #tpu.memory_space<vmem>>, %arg2: memref<2560x128xf32, #tpu.memory_space<vmem>>, %arg3: memref<128x128xf32, #tpu.memory_space<vmem>>, %arg4: memref<128x128xf32, #tpu.memory_space<vmem>>, %arg5: memref<128x128xf32, #tpu.memory_space<vmem>>, %arg6: memref<128x128xf32, #tpu.memory_space<vmem>>, %arg7: memref<128x128xf32, #tpu.memory_space<vmem>>, %arg8: memref<1x128xf32, #tpu.memory_space<vmem>>, %arg9: memref<1x128xf32, #tpu.memory_space<vmem>>, %arg10: memref<2560x128xf32, #tpu.memory_space<vmem>>, %arg11: memref<2560x128xf32, #tpu.memory_space<vmem>>, %arg12: memref<2560x128xf32, #tpu.memory_space<vmem>>, %arg13: memref<2560x128xf32, #tpu.memory_space<vmem>>) attributes {dimension_semantics = [#tpu.dimension_semantics<arbitrary>], iteration_bounds = array<i64: 4>, scalar_prefetch = 0 : i64, scratch_operands = 0 : i64, tpu.core_type = #tpu.core_type<tc>, window_params = [{transform_indices = @transform_0, window_bounds = array<i64: 2560, 128>}, {transform_indices = @transform_1, window_bounds = array<i64: 2560, 128>}, {pipeline_mode = #tpu.pipeline_mode<synchronous>, transform_indices = @transform_2, window_bounds = array<i64: 128, 128>}, {pipeline_mode = #tpu.pipeline_mode<synchronous>, transform_indices = @transform_3, window_bounds = array<i64: 128, 128>}, {pipeline_mode = #tpu.pipeline_mode<synchronous>, transform_indices = @transform_4, window_bounds = array<i64: 128, 128>}, {pipeline_mode = #tpu.pipeline_mode<synchronous>, transform_indices = @transform_5, window_bounds = array<i64: 128, 128>}, {pipeline_mode = #tpu.pipeline_mode<synchronous>, transform_indices = @transform_6, window_bounds = array<i64: 128, 128>}, {pipeline_mode = #tpu.pipeline_mode<synchronous>, transform_indices = @transform_7, window_bounds = array<i64: 1, 128>}, {pipeline_mode = #tpu.pipeline_mode<synchronous>, transform_indices = @transform_8, window_bounds = array<i64: 1, 128>}, {transform_indices = @transform_9, window_bounds = array<i64: 2560, 128>}, {transform_indices = @transform_10, window_bounds = array<i64: 2560, 128>}, {transform_indices = @transform_11, window_bounds = array<i64: 2560, 128>}, {transform_indices = @transform_12, window_bounds = array<i64: 2560, 128>}]} {
    %get3A = arith.constant 0 : index
    %get3A_0 = arith.constant 0 : index
    %get3A_1 = vector.load %arg1[%get3A, %get3A_0] : memref<2560x128xf32, #tpu.memory_space<vmem>>, vector<2560x128xf32>
    %get3A_2 = arith.constant 0 : index
    %get3A_3 = arith.constant 0 : index
    %get3A_4 = vector.load %arg2[%get3A_2, %get3A_3] : memref<2560x128xf32, #tpu.memory_space<vmem>>, vector<2560x128xf32>
    %get3A_5 = arith.constant 0 : index
    %get3A_6 = arith.constant 0 : index
    %get3A_7 = vector.load %arg6[%get3A_5, %get3A_6] : memref<128x128xf32, #tpu.memory_space<vmem>>, vector<128x128xf32>
    %dot_general3A = arith.constant dense<0.000000e+00> : vector<2560x128xf32>
    %dot_general3A_8 = tpu.matmul %get3A_4, %get3A_7, %dot_general3A {dimension_numbers = #tpu.dot_dimension_numbers<[1], [0], [0], [1], [0, 0, 1, 1], [], []>, precision = #tpu.contract_precision<fp32>, transpose_lhs_hint = false} : vector<2560x128xf32>, vector<128x128xf32>, vector<2560x128xf32> -> vector<2560x128xf32>
    %get3A_9 = arith.constant 0 : index
    %get3A_10 = arith.constant 0 : index
    %get3A_11 = vector.load %arg8[%get3A_9, %get3A_10] : memref<1x128xf32, #tpu.memory_space<vmem>>, vector<1x128xf32>
    %get3A_12 = arith.constant 0 : index
    %get3A_13 = arith.constant 0 : index
    %get3A_14 = vector.load %arg7[%get3A_12, %get3A_13] : memref<128x128xf32, #tpu.memory_space<vmem>>, vector<128x128xf32>
    %dot_general3A_15 = arith.constant dense<0.000000e+00> : vector<1x128xf32>
    %dot_general3A_16 = tpu.matmul %get3A_11, %get3A_14, %dot_general3A_15 {dimension_numbers = #tpu.dot_dimension_numbers<[1], [0], [0], [1], [0, 0, 1, 1], [], []>, precision = #tpu.contract_precision<fp32>, transpose_lhs_hint = false} : vector<1x128xf32>, vector<128x128xf32>, vector<1x128xf32> -> vector<1x128xf32>
    %get3A_17 = arith.constant 0 : index
    %get3A_18 = arith.constant 0 : index
    %get3A_19 = vector.load %arg9[%get3A_17, %get3A_18] : memref<1x128xf32, #tpu.memory_space<vmem>>, vector<1x128xf32>
    %add3A = arith.addf %dot_general3A_16, %get3A_19 : vector<1x128xf32>
    %get3A_20 = arith.constant 0 : index
    %get3A_21 = arith.constant 0 : index
    %get3A_22 = vector.load %arg5[%get3A_20, %get3A_21] : memref<128x128xf32, #tpu.memory_space<vmem>>, vector<128x128xf32>
    %dot_general3A_23 = arith.constant dense<0.000000e+00> : vector<2560x128xf32>
    %dot_general3A_24 = tpu.matmul %get3A_1, %get3A_22, %dot_general3A_23 {dimension_numbers = #tpu.dot_dimension_numbers<[1], [0], [0], [1], [0, 0, 1, 1], [], []>, precision = #tpu.contract_precision<fp32>, transpose_lhs_hint = false} : vector<2560x128xf32>, vector<128x128xf32>, vector<2560x128xf32> -> vector<2560x128xf32>
    %add3A_25 = arith.addf %dot_general3A_24, %dot_general3A_8 : vector<2560x128xf32>
    %get3A_26 = arith.constant 0 : index
    %get3A_27 = arith.constant 0 : index
    %get3A_28 = vector.load %arg7[%get3A_26, %get3A_27] : memref<128x128xf32, #tpu.memory_space<vmem>>, vector<128x128xf32>
    %dot_general3A_29 = arith.constant dense<0.000000e+00> : vector<2560x128xf32>
    %dot_general3A_30 = tpu.matmul %add3A_25, %get3A_28, %dot_general3A_29 {dimension_numbers = #tpu.dot_dimension_numbers<[1], [0], [0], [1], [0, 0, 1, 1], [], []>, precision = #tpu.contract_precision<fp32>, transpose_lhs_hint = false} : vector<2560x128xf32>, vector<128x128xf32>, vector<2560x128xf32> -> vector<2560x128xf32>
    %add3A_31 = vector.broadcast %add3A : vector<1x128xf32> to vector<2560x128xf32>
    %add3A_32 = arith.addf %dot_general3A_30, %add3A_31 : vector<2560x128xf32>
    %iota3A = tpu.iota {dimensions = array<i32: 0>} : vector<2560x128xi32>
    %mul3A = arith.constant 2560 : i32
    %mul3A_33 = arith.muli %arg0, %mul3A : i32
    %add3A_34 = vector.broadcast %mul3A_33 : i32 to vector<2560x128xi32>
    %add3A_35 = arith.addi %iota3A, %add3A_34 : vector<2560x128xi32>
    %lt3A = arith.constant 10000 : i32
    %lt3A_36 = vector.broadcast %lt3A : i32 to vector<2560x128xi32>
    %lt3A_37 = arith.cmpi slt, %add3A_35, %lt3A_36 : vector<2560x128xi32>
    %jit3A = arith.constant 0.000000e+00 : f32
    %broadcast_in_dim3A = vector.broadcast %jit3A : f32 to vector<2560x128xf32>
    %select_n3A = arith.select %lt3A_37, %add3A_32, %broadcast_in_dim3A : vector<2560x128xi1>, vector<2560x128xf32>
    %swap3A = arith.constant 0 : index
    %swap3A_38 = arith.constant 0 : index
    %swap3A_39 = vector.load %arg10[%swap3A, %swap3A_38] : memref<2560x128xf32, #tpu.memory_space<vmem>>, vector<2560x128xf32>
    tpu.vector_store %arg10[%swap3A, %swap3A_38], %select_n3A {strides = array<i32>} : memref<2560x128xf32, #tpu.memory_space<vmem>>, vector<2560x128xf32>,
    %get3A_40 = arith.constant 0 : index
    %get3A_41 = arith.constant 0 : index
    %get3A_42 = vector.load %arg4[%get3A_40, %get3A_41] : memref<128x128xf32, #tpu.memory_space<vmem>>, vector<128x128xf32>
    %dot_general3A_43 = arith.constant dense<0.000000e+00> : vector<2560x128xf32>
    %dot_general3A_44 = tpu.matmul %get3A_1, %get3A_42, %dot_general3A_43 {dimension_numbers = #tpu.dot_dimension_numbers<[1], [0], [0], [1], [0, 0, 1, 1], [], []>, precision = #tpu.contract_precision<fp32>, transpose_lhs_hint = false} : vector<2560x128xf32>, vector<128x128xf32>, vector<2560x128xf32> -> vector<2560x128xf32>
    %add3A_45 = arith.addf %dot_general3A_44, %dot_general3A_8 : vector<2560x128xf32>
    %get3A_46 = arith.constant 0 : index
    %get3A_47 = arith.constant 0 : index
    %get3A_48 = vector.load %arg7[%get3A_46, %get3A_47] : memref<128x128xf32, #tpu.memory_space<vmem>>, vector<128x128xf32>
    %dot_general3A_49 = arith.constant dense<0.000000e+00> : vector<2560x128xf32>
    %dot_general3A_50 = tpu.matmul %add3A_45, %get3A_48, %dot_general3A_49 {dimension_numbers = #tpu.dot_dimension_numbers<[1], [0], [0], [1], [0, 0, 1, 1], [], []>, precision = #tpu.contract_precision<fp32>, transpose_lhs_hint = false} : vector<2560x128xf32>, vector<128x128xf32>, vector<2560x128xf32> -> vector<2560x128xf32>
    %swap3A_51 = arith.constant 0 : index
    %swap3A_52 = arith.constant 0 : index
    %swap3A_53 = vector.load %arg11[%swap3A_51, %swap3A_52] : memref<2560x128xf32, #tpu.memory_space<vmem>>, vector<2560x128xf32>
    tpu.vector_store %arg11[%swap3A_51, %swap3A_52], %dot_general3A_50 {strides = array<i32>} : memref<2560x128xf32, #tpu.memory_space<vmem>>, vector<2560x128xf32>,
    %get3A_54 = arith.constant 0 : index
    %get3A_55 = arith.constant 0 : index
    %get3A_56 = vector.load %arg3[%get3A_54, %get3A_55] : memref<128x128xf32, #tpu.memory_space<vmem>>, vector<128x128xf32>
    %dot_general3A_57 = arith.constant dense<0.000000e+00> : vector<2560x128xf32>
    %dot_general3A_58 = tpu.matmul %get3A_1, %get3A_56, %dot_general3A_57 {dimension_numbers = #tpu.dot_dimension_numbers<[1], [0], [0], [1], [0, 0, 1, 1], [], []>, precision = #tpu.contract_precision<fp32>, transpose_lhs_hint = false} : vector<2560x128xf32>, vector<128x128xf32>, vector<2560x128xf32> -> vector<2560x128xf32>
    %sub3A = arith.subf %dot_general3A_58, %dot_general3A_8 : vector<2560x128xf32>
    %swap3A_59 = arith.constant 0 : index
    %swap3A_60 = arith.constant 0 : index
    %swap3A_61 = vector.load %arg12[%swap3A_59, %swap3A_60] : memref<2560x128xf32, #tpu.memory_space<vmem>>, vector<2560x128xf32>
    tpu.vector_store %arg12[%swap3A_59, %swap3A_60], %sub3A {strides = array<i32>} : memref<2560x128xf32, #tpu.memory_space<vmem>>, vector<2560x128xf32>,
    %swap3A_62 = arith.constant 0 : index
    %swap3A_63 = arith.constant 0 : index
    %swap3A_64 = vector.load %arg13[%swap3A_62, %swap3A_63] : memref<2560x128xf32, #tpu.memory_space<vmem>>, vector<2560x128xf32>
    tpu.vector_store %arg13[%swap3A_62, %swap3A_63], %dot_general3A_8 {strides = array<i32>} : memref<2560x128xf32, #tpu.memory_space<vmem>>, vector<2560x128xf32>,
    return
  }
  func.func @transform_0(%arg0: i32) -> (i32, i32) {
    %c0_i32 = arith.constant 0 : i32
    %c0_i32_0 = arith.constant 0 : i32
    return %arg0, %c0_i32 : i32, i32
  }
  func.func @transform_1(%arg0: i32) -> (i32, i32) {
    %c0_i32 = arith.constant 0 : i32
    %c0_i32_0 = arith.constant 0 : i32
    return %arg0, %c0_i32 : i32, i32
  }
  func.func @transform_2(%arg0: i32) -> (i32, i32) {
    %c0_i32 = arith.constant 0 : i32
    %c0_i32_0 = arith.constant 0 : i32
    %c0_i32_1 = arith.constant 0 : i32
    return %c0_i32, %c0_i32_0 : i32, i32
  }
  func.func @transform_3(%arg0: i32) -> (i32, i32) {
    %c0_i32 = arith.constant 0 : i32
    %c0_i32_0 = arith.constant 0 : i32
    %c0_i32_1 = arith.constant 0 : i32
    return %c0_i32, %c0_i32_0 : i32, i32
  }
  func.func @transform_4(%arg0: i32) -> (i32, i32) {
    %c0_i32 = arith.constant 0 : i32
    %c0_i32_0 = arith.constant 0 : i32
    %c0_i32_1 = arith.constant 0 : i32
    return %c0_i32, %c0_i32_0 : i32, i32
  }
  func.func @transform_5(%arg0: i32) -> (i32, i32) {
    %c0_i32 = arith.constant 0 : i32
    %c0_i32_0 = arith.constant 0 : i32
    %c0_i32_1 = arith.constant 0 : i32
    return %c0_i32, %c0_i32_0 : i32, i32
  }
  func.func @transform_6(%arg0: i32) -> (i32, i32) {
    %c0_i32 = arith.constant 0 : i32
    %c0_i32_0 = arith.constant 0 : i32
    %c0_i32_1 = arith.constant 0 : i32
    return %c0_i32, %c0_i32_0 : i32, i32
  }
  func.func @transform_7(%arg0: i32) -> (i32, i32) {
    %c0_i32 = arith.constant 0 : i32
    %c0_i32_0 = arith.constant 0 : i32
    %c0_i32_1 = arith.constant 0 : i32
    return %c0_i32, %c0_i32_0 : i32, i32
  }
  func.func @transform_8(%arg0: i32) -> (i32, i32) {
    %c0_i32 = arith.constant 0 : i32
    %c0_i32_0 = arith.constant 0 : i32
    %c0_i32_1 = arith.constant 0 : i32
    return %c0_i32, %c0_i32_0 : i32, i32
  }
  func.func @transform_9(%arg0: i32) -> (i32, i32) {
    %c0_i32 = arith.constant 0 : i32
    %c0_i32_0 = arith.constant 0 : i32
    return %arg0, %c0_i32 : i32, i32
  }
  func.func @transform_10(%arg0: i32) -> (i32, i32) {
    %c0_i32 = arith.constant 0 : i32
    %c0_i32_0 = arith.constant 0 : i32
    return %arg0, %c0_i32 : i32, i32
  }
  func.func @transform_11(%arg0: i32) -> (i32, i32) {
    %c0_i32 = arith.constant 0 : i32
    %c0_i32_0 = arith.constant 0 : i32
    return %arg0, %c0_i32 : i32, i32
  }
  func.func @transform_12(%arg0: i32) -> (i32, i32) {
    %c0_i32 = arith.constant 0 : i32
    %c0_i32_0 = arith.constant 0 : i32
    return %arg0, %c0_i32 : i32, i32
  }
}

module attributes {stable_mosaic.version = 14 : i64} {
  func.func @_stats_body(%arg0: i32, %arg1: memref<4096x128xf32, #tpu.memory_space<vmem>>, %arg2: memref<8x128xf32, #tpu.memory_space<vmem>>) attributes {dimension_semantics = [#tpu.dimension_semantics<arbitrary>], iteration_bounds = array<i64: 81>, scalar_prefetch = 0 : i64, scratch_operands = 0 : i64, tpu.core_type = #tpu.core_type<tc>, window_params = [{transform_indices = @transform_0, window_bounds = array<i64: 4096, 128>}, {pipeline_mode = #tpu.pipeline_mode<synchronous>, transform_indices = @transform_1, window_bounds = array<i64: 8, 128>}]} {
    %get3A = arith.constant 0 : index
    %get3A_0 = arith.constant 0 : index
    %get3A_1 = vector.load %arg1[%get3A, %get3A_0] : memref<4096x128xf32, #tpu.memory_space<vmem>>, vector<4096x128xf32>
    %reduce_sum3A = arith.constant dense<0.000000e+00> : vector<128xf32>
    %reduce_sum3A_2 = vector.multi_reduction <add>, %get3A_1, %reduce_sum3A [0] : vector<4096x128xf32> to vector<128xf32>
    %mul3A = arith.mulf %get3A_1, %get3A_1 : vector<4096x128xf32>
    %reduce_sum3A_3 = arith.constant dense<0.000000e+00> : vector<128xf32>
    %reduce_sum3A_4 = vector.multi_reduction <add>, %mul3A, %reduce_sum3A_3 [0] : vector<4096x128xf32> to vector<128xf32>
    %broadcast_in_dim3A = vector.shape_cast %reduce_sum3A_2 : vector<128xf32> to vector<1x128xf32>
    %broadcast_in_dim3A_5 = vector.shape_cast %reduce_sum3A_4 : vector<128xf32> to vector<1x128xf32>
    %broadcast_in_dim3A_6 = arith.constant 0.000000e+00 : f32
    %broadcast_in_dim3A_7 = vector.broadcast %broadcast_in_dim3A_6 : f32 to vector<6x128xf32>
    %concatenate3A = tpu.concatenate %broadcast_in_dim3A, %broadcast_in_dim3A_5, %broadcast_in_dim3A_7 in 0 : vector<1x128xf32>, vector<1x128xf32>, vector<6x128xf32> -> vector<8x128xf32>
    %eq3A = arith.constant 0 : i32
    %eq3A_8 = arith.cmpi eq, %arg0, %eq3A : i32
    %convert_element_type3A = arith.extui %eq3A_8 : i1 to i32
    %cond3A = arith.constant 0 : i32
    %cond3A_9 = arith.cmpi ne, %convert_element_type3A, %cond3A : i32
    scf.if %cond3A_9 {
      %swap3A = arith.constant 0 : index
      %swap3A_14 = arith.constant 0 : index
      %swap3A_15 = vector.load %arg2[%swap3A, %swap3A_14] : memref<8x128xf32, #tpu.memory_space<vmem>>, vector<8x128xf32>
      tpu.vector_store %arg2[%swap3A, %swap3A_14], %concatenate3A {strides = array<i32>} : memref<8x128xf32, #tpu.memory_space<vmem>>, vector<8x128xf32>,
    } else {
    }
    %gt3A = arith.constant 0 : i32
    %gt3A_10 = arith.cmpi sgt, %arg0, %gt3A : i32
    %convert_element_type3A_11 = arith.extui %gt3A_10 : i1 to i32
    %cond3A_12 = arith.constant 0 : i32
    %cond3A_13 = arith.cmpi ne, %convert_element_type3A_11, %cond3A_12 : i32
    scf.if %cond3A_13 {
      %get3A_14 = arith.constant 0 : index
      %get3A_15 = arith.constant 0 : index
      %get3A_16 = vector.load %arg2[%get3A_14, %get3A_15] : memref<8x128xf32, #tpu.memory_space<vmem>>, vector<8x128xf32>
      %add3A = arith.addf %get3A_16, %concatenate3A : vector<8x128xf32>
      %swap3A = arith.constant 0 : index
      %swap3A_17 = arith.constant 0 : index
      %swap3A_18 = vector.load %arg2[%swap3A, %swap3A_17] : memref<8x128xf32, #tpu.memory_space<vmem>>, vector<8x128xf32>
      tpu.vector_store %arg2[%swap3A, %swap3A_17], %add3A {strides = array<i32>} : memref<8x128xf32, #tpu.memory_space<vmem>>, vector<8x128xf32>,
    } else {
    }
    return
  }
  func.func @transform_0(%arg0: i32) -> (i32, i32) {
    %c0_i32 = arith.constant 0 : i32
    %c0_i32_0 = arith.constant 0 : i32
    return %arg0, %c0_i32 : i32, i32
  }
  func.func @transform_1(%arg0: i32) -> (i32, i32) {
    %c0_i32 = arith.constant 0 : i32
    %c0_i32_0 = arith.constant 0 : i32
    %c0_i32_1 = arith.constant 0 : i32
    return %c0_i32, %c0_i32_0 : i32, i32
  }
}

module attributes {stable_mosaic.version = 14 : i64} {
  func.func @_xform_body(%arg0: i32, %arg1: memref<4096x128xf32, #tpu.memory_space<vmem>>, %arg2: memref<8x128xf32, #tpu.memory_space<vmem>>, %arg3: memref<128x128xf32, #tpu.memory_space<vmem>>, %arg4: memref<1x128xf32, #tpu.memory_space<vmem>>, %arg5: memref<1x128xf32, #tpu.memory_space<vmem>>, %arg6: memref<1x128xf32, #tpu.memory_space<vmem>>, %arg7: memref<4096x128xf32, #tpu.memory_space<vmem>>) attributes {dimension_semantics = [#tpu.dimension_semantics<arbitrary>], iteration_bounds = array<i64: 81>, scalar_prefetch = 0 : i64, scratch_operands = 0 : i64, tpu.core_type = #tpu.core_type<tc>, window_params = [{transform_indices = @transform_0, window_bounds = array<i64: 4096, 128>}, {pipeline_mode = #tpu.pipeline_mode<synchronous>, transform_indices = @transform_1, window_bounds = array<i64: 8, 128>}, {pipeline_mode = #tpu.pipeline_mode<synchronous>, transform_indices = @transform_2, window_bounds = array<i64: 128, 128>}, {pipeline_mode = #tpu.pipeline_mode<synchronous>, transform_indices = @transform_3, window_bounds = array<i64: 1, 128>}, {pipeline_mode = #tpu.pipeline_mode<synchronous>, transform_indices = @transform_4, window_bounds = array<i64: 1, 128>}, {pipeline_mode = #tpu.pipeline_mode<synchronous>, transform_indices = @transform_5, window_bounds = array<i64: 1, 128>}, {transform_indices = @transform_6, window_bounds = array<i64: 4096, 128>}]} {
    %get3A = arith.constant 0 : index
    %get3A_0 = arith.constant 0 : index
    %get3A_1 = vector.load %arg2[%get3A, %get3A_0] : memref<8x128xf32, #tpu.memory_space<vmem>>, vector<8x128xf32>
    %slice3A = vector.extract_strided_slice %get3A_1 {offsets = [0, 0], sizes = [1, 128], strides = [1, 1]} : vector<8x128xf32> to vector<1x128xf32>
    %div3A = arith.constant 3.300000e+05 : f32
    %div3A_2 = vector.broadcast %div3A : f32 to vector<1x128xf32>
    %div3A_3 = arith.divf %slice3A, %div3A_2 : vector<1x128xf32>
    %slice3A_4 = vector.extract_strided_slice %get3A_1 {offsets = [1, 0], sizes = [1, 128], strides = [1, 1]} : vector<8x128xf32> to vector<1x128xf32>
    %div3A_5 = arith.constant 3.300000e+05 : f32
    %div3A_6 = vector.broadcast %div3A_5 : f32 to vector<1x128xf32>
    %div3A_7 = arith.divf %slice3A_4, %div3A_6 : vector<1x128xf32>
    %mul3A = arith.mulf %div3A_3, %div3A_3 : vector<1x128xf32>
    %sub3A = arith.subf %div3A_7, %mul3A : vector<1x128xf32>
    %add3A = arith.constant 9.99999974E-6 : f32
    %add3A_8 = vector.broadcast %add3A : f32 to vector<1x128xf32>
    %add3A_9 = arith.addf %sub3A, %add3A_8 : vector<1x128xf32>
    %rsqrt3A = math.rsqrt %add3A_9 : vector<1x128xf32>
    %get3A_10 = arith.constant 0 : index
    %get3A_11 = arith.constant 0 : index
    %get3A_12 = vector.load %arg1[%get3A_10, %get3A_11] : memref<4096x128xf32, #tpu.memory_space<vmem>>, vector<4096x128xf32>
    %sub3A_13 = vector.broadcast %div3A_3 : vector<1x128xf32> to vector<4096x128xf32>
    %sub3A_14 = arith.subf %get3A_12, %sub3A_13 : vector<4096x128xf32>
    %get3A_15 = arith.constant 0 : index
    %get3A_16 = arith.constant 0 : index
    %get3A_17 = vector.load %arg4[%get3A_15, %get3A_16] : memref<1x128xf32, #tpu.memory_space<vmem>>, vector<1x128xf32>
    %mul3A_18 = arith.mulf %rsqrt3A, %get3A_17 : vector<1x128xf32>
    %mul3A_19 = vector.broadcast %mul3A_18 : vector<1x128xf32> to vector<4096x128xf32>
    %mul3A_20 = arith.mulf %sub3A_14, %mul3A_19 : vector<4096x128xf32>
    %get3A_21 = arith.constant 0 : index
    %get3A_22 = arith.constant 0 : index
    %get3A_23 = vector.load %arg5[%get3A_21, %get3A_22] : memref<1x128xf32, #tpu.memory_space<vmem>>, vector<1x128xf32>
    %add3A_24 = vector.broadcast %get3A_23 : vector<1x128xf32> to vector<4096x128xf32>
    %add3A_25 = arith.addf %mul3A_20, %add3A_24 : vector<4096x128xf32>
    %max3A = arith.constant 0.000000e+00 : f32
    %max3A_26 = vector.broadcast %max3A : f32 to vector<4096x128xf32>
    %max3A_27 = arith.maximumf %add3A_25, %max3A_26 : vector<4096x128xf32>
    %get3A_28 = arith.constant 0 : index
    %get3A_29 = arith.constant 0 : index
    %get3A_30 = vector.load %arg3[%get3A_28, %get3A_29] : memref<128x128xf32, #tpu.memory_space<vmem>>, vector<128x128xf32>
    %dot_general3A = arith.constant dense<0.000000e+00> : vector<4096x128xf32>
    %dot_general3A_31 = tpu.matmul %max3A_27, %get3A_30, %dot_general3A {dimension_numbers = #tpu.dot_dimension_numbers<[1], [0], [0], [1], [0, 0, 1, 1], [], []>, precision = #tpu.contract_precision<fp32>, transpose_lhs_hint = false} : vector<4096x128xf32>, vector<128x128xf32>, vector<4096x128xf32> -> vector<4096x128xf32>
    %get3A_32 = arith.constant 0 : index
    %get3A_33 = arith.constant 0 : index
    %get3A_34 = vector.load %arg6[%get3A_32, %get3A_33] : memref<1x128xf32, #tpu.memory_space<vmem>>, vector<1x128xf32>
    %add3A_35 = vector.broadcast %get3A_34 : vector<1x128xf32> to vector<4096x128xf32>
    %add3A_36 = arith.addf %dot_general3A_31, %add3A_35 : vector<4096x128xf32>
    %exp3A = math.exp %add3A_36 : vector<4096x128xf32>
    %swap3A = arith.constant 0 : index
    %swap3A_37 = arith.constant 0 : index
    %swap3A_38 = vector.load %arg7[%swap3A, %swap3A_37] : memref<4096x128xf32, #tpu.memory_space<vmem>>, vector<4096x128xf32>
    tpu.vector_store %arg7[%swap3A, %swap3A_37], %exp3A {strides = array<i32>} : memref<4096x128xf32, #tpu.memory_space<vmem>>, vector<4096x128xf32>,
    return
  }
  func.func @transform_0(%arg0: i32) -> (i32, i32) {
    %c0_i32 = arith.constant 0 : i32
    %c0_i32_0 = arith.constant 0 : i32
    return %arg0, %c0_i32 : i32, i32
  }
  func.func @transform_1(%arg0: i32) -> (i32, i32) {
    %c0_i32 = arith.constant 0 : i32
    %c0_i32_0 = arith.constant 0 : i32
    %c0_i32_1 = arith.constant 0 : i32
    return %c0_i32, %c0_i32_0 : i32, i32
  }
  func.func @transform_2(%arg0: i32) -> (i32, i32) {
    %c0_i32 = arith.constant 0 : i32
    %c0_i32_0 = arith.constant 0 : i32
    %c0_i32_1 = arith.constant 0 : i32
    return %c0_i32, %c0_i32_0 : i32, i32
  }
  func.func @transform_3(%arg0: i32) -> (i32, i32) {
    %c0_i32 = arith.constant 0 : i32
    %c0_i32_0 = arith.constant 0 : i32
    %c0_i32_1 = arith.constant 0 : i32
    return %c0_i32, %c0_i32_0 : i32, i32
  }
  func.func @transform_4(%arg0: i32) -> (i32, i32) {
    %c0_i32 = arith.constant 0 : i32
    %c0_i32_0 = arith.constant 0 : i32
    %c0_i32_1 = arith.constant 0 : i32
    return %c0_i32, %c0_i32_0 : i32, i32
  }
  func.func @transform_5(%arg0: i32) -> (i32, i32) {
    %c0_i32 = arith.constant 0 : i32
    %c0_i32_0 = arith.constant 0 : i32
    %c0_i32_1 = arith.constant 0 : i32
    return %c0_i32, %c0_i32_0 : i32, i32
  }
  func.func @transform_6(%arg0: i32) -> (i32, i32) {
    %c0_i32 = arith.constant 0 : i32
    %c0_i32_0 = arith.constant 0 : i32
    return %arg0, %c0_i32 : i32, i32
  }
}

module attributes {stable_mosaic.version = 14 : i64} {
  func.func @_recip_body(%arg0: i32, %arg1: memref<2x2560x128xf32, #tpu.memory_space<vmem>>, %arg2: memref<2560x128xf32, #tpu.memory_space<vmem>>, %arg3: memref<2560x128xf32, #tpu.memory_space<vmem>>) attributes {dimension_semantics = [#tpu.dimension_semantics<arbitrary>], iteration_bounds = array<i64: 4>, scalar_prefetch = 0 : i64, scratch_operands = 0 : i64, tpu.core_type = #tpu.core_type<tc>, window_params = [{transform_indices = @transform_0, window_bounds = array<i64: 2, 2560, 128>}, {transform_indices = @transform_1, window_bounds = array<i64: 2560, 128>}, {transform_indices = @transform_2, window_bounds = array<i64: 2560, 128>}]} {
    %get3A = arith.constant 0 : index
    %get3A_0 = arith.constant 0 : index
    %get3A_1 = arith.constant 0 : index
    %get3A_2 = vector.load %arg1[%get3A, %get3A_0, %get3A_1] : memref<2x2560x128xf32, #tpu.memory_space<vmem>>, vector<1x2560x128xf32>
    %get3A_3 = vector.shape_cast %get3A_2 : vector<1x2560x128xf32> to vector<2560x128xf32>
    %get3A_4 = arith.constant 1 : index
    %get3A_5 = arith.constant 0 : index
    %get3A_6 = arith.constant 0 : index
    %get3A_7 = vector.load %arg1[%get3A_4, %get3A_5, %get3A_6] : memref<2x2560x128xf32, #tpu.memory_space<vmem>>, vector<1x2560x128xf32>
    %get3A_8 = vector.shape_cast %get3A_7 : vector<1x2560x128xf32> to vector<2560x128xf32>
    %add3A = arith.addf %get3A_3, %get3A_8 : vector<2560x128xf32>
    %swap3A = arith.constant 0 : index
    %swap3A_9 = arith.constant 0 : index
    %swap3A_10 = vector.load %arg2[%swap3A, %swap3A_9] : memref<2560x128xf32, #tpu.memory_space<vmem>>, vector<2560x128xf32>
    tpu.vector_store %arg2[%swap3A, %swap3A_9], %add3A {strides = array<i32>} : memref<2560x128xf32, #tpu.memory_space<vmem>>, vector<2560x128xf32>,
    %add3A_11 = arith.constant 1.000000e-16 : f32
    %add3A_12 = vector.broadcast %add3A_11 : f32 to vector<2560x128xf32>
    %add3A_13 = arith.addf %add3A, %add3A_12 : vector<2560x128xf32>
    %div3A = arith.constant 1.000000e+00 : f32
    %div3A_14 = vector.broadcast %div3A : f32 to vector<2560x128xf32>
    %div3A_15 = arith.divf %div3A_14, %add3A_13 : vector<2560x128xf32>
    %swap3A_16 = arith.constant 0 : index
    %swap3A_17 = arith.constant 0 : index
    %swap3A_18 = vector.load %arg3[%swap3A_16, %swap3A_17] : memref<2560x128xf32, #tpu.memory_space<vmem>>, vector<2560x128xf32>
    tpu.vector_store %arg3[%swap3A_16, %swap3A_17], %div3A_15 {strides = array<i32>} : memref<2560x128xf32, #tpu.memory_space<vmem>>, vector<2560x128xf32>,
    return
  }
  func.func @transform_0(%arg0: i32) -> (i32, i32, i32) {
    %c0_i32 = arith.constant 0 : i32
    %c0_i32_0 = arith.constant 0 : i32
    %c0_i32_1 = arith.constant 0 : i32
    return %c0_i32, %arg0, %c0_i32_0 : i32, i32, i32
  }
  func.func @transform_1(%arg0: i32) -> (i32, i32) {
    %c0_i32 = arith.constant 0 : i32
    %c0_i32_0 = arith.constant 0 : i32
    return %arg0, %c0_i32 : i32, i32
  }
  func.func @transform_2(%arg0: i32) -> (i32, i32) {
    %c0_i32 = arith.constant 0 : i32
    %c0_i32_0 = arith.constant 0 : i32
    return %arg0, %c0_i32 : i32, i32
  }
}

module attributes {stable_mosaic.version = 14 : i64} {
  func.func @_final_body(%arg0: i32, %arg1: memref<2x2560x128xf32, #tpu.memory_space<vmem>>, %arg2: memref<2560x128xf32, #tpu.memory_space<vmem>>, %arg3: memref<2560x128xf32, #tpu.memory_space<vmem>>, %arg4: memref<2560x128xf32, #tpu.memory_space<vmem>>, %arg5: memref<1x128xf32, #tpu.memory_space<vmem>>, %arg6: memref<128x128xf32, #tpu.memory_space<vmem>>, %arg7: memref<1x128xf32, #tpu.memory_space<vmem>>, %arg8: memref<2560x128xf32, #tpu.memory_space<vmem>>) attributes {dimension_semantics = [#tpu.dimension_semantics<arbitrary>], iteration_bounds = array<i64: 4>, scalar_prefetch = 0 : i64, scratch_operands = 0 : i64, tpu.core_type = #tpu.core_type<tc>, window_params = [{transform_indices = @transform_0, window_bounds = array<i64: 2, 2560, 128>}, {transform_indices = @transform_1, window_bounds = array<i64: 2560, 128>}, {transform_indices = @transform_2, window_bounds = array<i64: 2560, 128>}, {transform_indices = @transform_3, window_bounds = array<i64: 2560, 128>}, {pipeline_mode = #tpu.pipeline_mode<synchronous>, transform_indices = @transform_4, window_bounds = array<i64: 1, 128>}, {pipeline_mode = #tpu.pipeline_mode<synchronous>, transform_indices = @transform_5, window_bounds = array<i64: 128, 128>}, {pipeline_mode = #tpu.pipeline_mode<synchronous>, transform_indices = @transform_6, window_bounds = array<i64: 1, 128>}, {transform_indices = @transform_7, window_bounds = array<i64: 2560, 128>}]} {
    %get3A = arith.constant 0 : index
    %get3A_0 = arith.constant 0 : index
    %get3A_1 = arith.constant 0 : index
    %get3A_2 = vector.load %arg1[%get3A, %get3A_0, %get3A_1] : memref<2x2560x128xf32, #tpu.memory_space<vmem>>, vector<1x2560x128xf32>
    %get3A_3 = vector.shape_cast %get3A_2 : vector<1x2560x128xf32> to vector<2560x128xf32>
    %get3A_4 = arith.constant 1 : index
    %get3A_5 = arith.constant 0 : index
    %get3A_6 = arith.constant 0 : index
    %get3A_7 = vector.load %arg1[%get3A_4, %get3A_5, %get3A_6] : memref<2x2560x128xf32, #tpu.memory_space<vmem>>, vector<1x2560x128xf32>
    %get3A_8 = vector.shape_cast %get3A_7 : vector<1x2560x128xf32> to vector<2560x128xf32>
    %add3A = arith.addf %get3A_3, %get3A_8 : vector<2560x128xf32>
    %get3A_9 = arith.constant 0 : index
    %get3A_10 = arith.constant 0 : index
    %get3A_11 = vector.load %arg2[%get3A_9, %get3A_10] : memref<2560x128xf32, #tpu.memory_space<vmem>>, vector<2560x128xf32>
    %get3A_12 = arith.constant 0 : index
    %get3A_13 = arith.constant 0 : index
    %get3A_14 = vector.load %arg2[%get3A_12, %get3A_13] : memref<2560x128xf32, #tpu.memory_space<vmem>>, vector<2560x128xf32>
    %add3A_15 = arith.constant 1.000000e-16 : f32
    %add3A_16 = vector.broadcast %add3A_15 : f32 to vector<2560x128xf32>
    %add3A_17 = arith.addf %get3A_14, %add3A_16 : vector<2560x128xf32>
    %div3A = arith.divf %get3A_11, %add3A_17 : vector<2560x128xf32>
    %get3A_18 = arith.constant 0 : index
    %get3A_19 = arith.constant 0 : index
    %get3A_20 = vector.load %arg3[%get3A_18, %get3A_19] : memref<2560x128xf32, #tpu.memory_space<vmem>>, vector<2560x128xf32>
    %get3A_21 = arith.constant 0 : index
    %get3A_22 = arith.constant 0 : index
    %get3A_23 = vector.load %arg5[%get3A_21, %get3A_22] : memref<1x128xf32, #tpu.memory_space<vmem>>, vector<1x128xf32>
    %add3A_24 = vector.broadcast %get3A_23 : vector<1x128xf32> to vector<2560x128xf32>
    %add3A_25 = arith.addf %get3A_20, %add3A_24 : vector<2560x128xf32>
    %mul3A = arith.mulf %div3A, %add3A_25 : vector<2560x128xf32>
    %add3A_26 = arith.addf %add3A, %mul3A : vector<2560x128xf32>
    %get3A_27 = arith.constant 0 : index
    %get3A_28 = arith.constant 0 : index
    %get3A_29 = vector.load %arg6[%get3A_27, %get3A_28] : memref<128x128xf32, #tpu.memory_space<vmem>>, vector<128x128xf32>
    %dot_general3A = arith.constant dense<0.000000e+00> : vector<2560x128xf32>
    %dot_general3A_30 = tpu.matmul %add3A_26, %get3A_29, %dot_general3A {dimension_numbers = #tpu.dot_dimension_numbers<[1], [0], [0], [1], [0, 0, 1, 1], [], []>, precision = #tpu.contract_precision<fp32>, transpose_lhs_hint = false} : vector<2560x128xf32>, vector<128x128xf32>, vector<2560x128xf32> -> vector<2560x128xf32>
    %get3A_31 = arith.constant 0 : index
    %get3A_32 = arith.constant 0 : index
    %get3A_33 = vector.load %arg7[%get3A_31, %get3A_32] : memref<1x128xf32, #tpu.memory_space<vmem>>, vector<1x128xf32>
    %add3A_34 = vector.broadcast %get3A_33 : vector<1x128xf32> to vector<2560x128xf32>
    %add3A_35 = arith.addf %dot_general3A_30, %add3A_34 : vector<2560x128xf32>
    %get3A_36 = arith.constant 0 : index
    %get3A_37 = arith.constant 0 : index
    %get3A_38 = vector.load %arg4[%get3A_36, %get3A_37] : memref<2560x128xf32, #tpu.memory_space<vmem>>, vector<2560x128xf32>
    %add3A_39 = arith.addf %add3A_35, %get3A_38 : vector<2560x128xf32>
    %swap3A = arith.constant 0 : index
    %swap3A_40 = arith.constant 0 : index
    %swap3A_41 = vector.load %arg8[%swap3A, %swap3A_40] : memref<2560x128xf32, #tpu.memory_space<vmem>>, vector<2560x128xf32>
    tpu.vector_store %arg8[%swap3A, %swap3A_40], %add3A_39 {strides = array<i32>} : memref<2560x128xf32, #tpu.memory_space<vmem>>, vector<2560x128xf32>,
    return
  }
  func.func @transform_0(%arg0: i32) -> (i32, i32, i32) {
    %c0_i32 = arith.constant 0 : i32
    %c0_i32_0 = arith.constant 0 : i32
    %c0_i32_1 = arith.constant 0 : i32
    return %c0_i32, %arg0, %c0_i32_0 : i32, i32, i32
  }
  func.func @transform_1(%arg0: i32) -> (i32, i32) {
    %c0_i32 = arith.constant 0 : i32
    %c0_i32_0 = arith.constant 0 : i32
    return %arg0, %c0_i32 : i32, i32
  }
  func.func @transform_2(%arg0: i32) -> (i32, i32) {
    %c0_i32 = arith.constant 0 : i32
    %c0_i32_0 = arith.constant 0 : i32
    return %arg0, %c0_i32 : i32, i32
  }
  func.func @transform_3(%arg0: i32) -> (i32, i32) {
    %c0_i32 = arith.constant 0 : i32
    %c0_i32_0 = arith.constant 0 : i32
    return %arg0, %c0_i32 : i32, i32
  }
  func.func @transform_4(%arg0: i32) -> (i32, i32) {
    %c0_i32 = arith.constant 0 : i32
    %c0_i32_0 = arith.constant 0 : i32
    %c0_i32_1 = arith.constant 0 : i32
    return %c0_i32, %c0_i32_0 : i32, i32
  }
  func.func @transform_5(%arg0: i32) -> (i32, i32) {
    %c0_i32 = arith.constant 0 : i32
    %c0_i32_0 = arith.constant 0 : i32
    %c0_i32_1 = arith.constant 0 : i32
    return %c0_i32, %c0_i32_0 : i32, i32
  }
  func.func @transform_6(%arg0: i32) -> (i32, i32) {
    %c0_i32 = arith.constant 0 : i32
    %c0_i32_0 = arith.constant 0 : i32
    %c0_i32_1 = arith.constant 0 : i32
    return %c0_i32, %c0_i32_0 : i32, i32
  }
  func.func @transform_7(%arg0: i32) -> (i32, i32) {
    %c0_i32 = arith.constant 0 : i32
    %c0_i32_0 = arith.constant 0 : i32
    return %arg0, %c0_i32 : i32, i32
  }
}

</mosaic_0001>

<sc_bundles>
// kernel: kernel.10.cloned.1.call-start
scs
__scs_entry_jumppad:
0x0: {  	(pc) =	sbr.rel $0x88, $3  }
0x1: {  	(tag) =	ssettag $0x0;
	lr =	simm.s32 $0x1  }
0x2: {  	[smem:$0x3F91] =	sst lr;
	_ =	strace $0xD0000000  }
0x3: {  	_ = 	snop  }
0x4: {  	_ = 	snop  }
0x5: {  	_ = 	snop  }
0x6: {  	_ = 	snop  }
0x7: {  	_ = 	snop  }
__scs_overlays_trampoline_lowered:
0x8: {  	[smem:$0x3FA0] =	sst s0  }
0x9: {  	[smem:$0x3FA1] =	sst s1  }
0xa: {  	[smem:$0x3FA2] =	sst s2  }
0xb: {  	[smem:$0x3FA3] =	sst s3  }
0xc: {  	[smem:$0x3FA4] =	sst s4  }
0xd: {  	[smem:$0x3FA5] =	sst s5  }
0xe: {  	[smem:$0x3FA6] =	sst s6  }
0xf: {  	[smem:$0x3FA7] =	sst s7  }
0x10: {  	[smem:$0x3FA8] =	sst s8  }
0x11: {  	[smem:$0x3FA9] =	sst s9;
	s0 =	simm.s32 @!p0 $0x0  }
0x12: {  	s1 =	sld [smem:$0x3F8F];
	s0 =	simm.s32 @p0 $0x1  }
0x13: {  	[smem:$0x3FAA] =	sst s0;
	s0 =	simm.s32 @!p1 $0x0  }
0x14: {  	s2 =	sld [smem:$0x3F8E];
	s0 =	simm.s32 @p1 $0x1  }
0x15: {  	[smem:$0x3FAB] =	sst s0;
	s0 =	simm.s32 @!p2 $0x0  }
0x16: {  	s3 =	sld [smem:$0x3FDB];
	s0 =	simm.s32 @p2 $0x1  }
0x17: {  	s4 =	simm.s32 $0x1BF5;
	[smem:$0x3FAD] =	sst s0  }
0x18: {  	s0 =	sld [smem:$0x3F90];
	_ =	swait.ge [sflag:s4], $0x0  }
0x19: {  	s7 =	sld [smem:$0x3F91]  }
0x1a: {  	s8 =	sadd.s32 $0xFFFFE003, lr  }
0x1b: {  	s9 =	sadd.s32 $0xFFFFFEF7, lr;
	s5 =	simm.s32 $0xFFFFFFFF;
	p2 =	slt.u32 s8, $0xFFFFF086  }
0x1c: {  	p1 =	slt.u32 s9, $0xF7A;
	s5 =	simm.s32 @!p2 $0x0  }
0x1d: {  	s5 =	simm.s32 @p1 $0x1;
	p0 =	seq.s32 s7, s2  }
0x1e: {  	s7 =	smul.u32 @!p0 $0xF7A, s2;
	p2 =	seq.s32 @!p0 s5, $0x0  }
0x1f: {  	s9 =	smul.u32 $0xF7A, s1;
	s8 =	simm.s32 @!p0 $0x1BF5;
	p2 =	por !p2, p0  }
0x20: {  	[sflag:s8] =	ssyncset.s32 @!p0 $0xFFFFF086;
	s6 =	sadd.s32 @!p0 s3, s7;
	s7 =	simm.s32 @!p0 $0x108  }
0x21: {  	s3 =	sadd.s32 s3, s9;
	s6 =	sadd.s32 @!p0 $0x88, s6;
	s7 =	simm.s32 @p2 $0x1082  }
0x22: {  	[simem:s7], [sflag:s8] =	dma.local @!p0 [hbm:s6], $0xF7A  }
0x23: {  	s9 =	sor.u32 $0xD0000000, s2;
	s6 =	simm.s32 $0x108;
	_ =	swait.ge @!p0 [sflag:s8], $0x0  }
0x24: {  	s3 =	sadd.s32 $0x88, s3;
	s6 =	simm.s32 @!p1 $0x1082;
	[sflag:s4] =	ssyncset.s32 $0xFFFFF086  }
0x25: {  	[simem:s6], [sflag:s4] =	dma.local [hbm:s3], $0xF7A  }
0x26: {  	[smem:$0x3F91] =	sst s1;
	(tag) =	ssettag s2;
	_ =	strace s9  }
0x27: {  	s1 =	sld [smem:$0x3FA1]  }
0x28: {  	s2 =	sld [smem:$0x3FA2]  }
0x29: {  	s4 =	sld [smem:$0x3FA4]  }
0x2a: {  	p0 =	seq.s32 s5, $0x0;
	s5 =	sld [smem:$0x3FA5]  }
0x2b: {  	s6 =	sld [smem:$0x3FA6]  }
0x2c: {  	s7 =	sld [smem:$0x3FA7]  }
0x2d: {  	s3 =	simm.s32 $0x108;
	s8 =	sld [smem:$0x3FA8]  }
0x2e: {  	s3 =	simm.s32 @!p0 $0x1082;
	s9 =	sld [smem:$0x3FA9]  }
0x2f: {  	lr =	sadd.s32 s0, s3;
	s0 =	sld [smem:$0x3FA0]  }
0x30: {  	s3 =	sld [smem:$0x3FA3]  }
0x31: {  	[smem:$0x3FAC] =	sst s10  }
0x32: {  	s10 =	sld [smem:$0x3FAA];
	_ =	sdelay $0x3  }
0x33: {  	p0 =	seq.s32 s10, $0x1;
	s10 =	sld [smem:$0x3FAC];
	_ =	sdelay $0x3  }
0x34: {  	[smem:$0x3FAC] =	sst s10  }
0x35: {  	s10 =	sld [smem:$0x3FAB];
	_ =	sdelay $0x3  }
0x36: {  	p1 =	seq.s32 s10, $0x1;
	s10 =	sld [smem:$0x3FAC];
	_ =	sdelay $0x3  }
0x37: {  	[smem:$0x3FAC] =	sst s10  }
0x38: {  	s10 =	sld [smem:$0x3FAD]  }
0x39: {  	_ = 	snop;
	(pc) =	sbr.ind lr, $3  }
0x3a: {  	_ = 	snop  }
0x3b: {  	_ = 	snop  }
0x3c: {  	p2 =	seq.s32 s10, $0x1;
	s10 =	sld [smem:$0x3FAC]  }
0x3d: {  	_ =	shalt  }
0x3e: {  	_ =	shalt  }
0x3f: {  	_ =	shalt  }
0x40: {  	_ =	shalt  }
0x41: {  	_ =	shalt  }
0x42: {  	_ =	shalt  }
0x43: {  	_ =	shalt  }
0x44: {  	_ =	shalt  }
0x45: {  	_ =	shalt  }
0x46: {  	_ =	shalt  }
0x47: {  	_ =	shalt  }
0x48: {  	_ =	shalt  }
0x49: {  	_ =	shalt  }
0x4a: {  	_ =	shalt  }
0x4b: {  	_ =	shalt  }
0x4c: {  	_ =	shalt  }
0x4d: {  	_ =	shalt  }
0x4e: {  	_ =	shalt  }
0x4f: {  	_ =	shalt  }
0x50: {  	_ =	shalt  }
0x51: {  	_ =	shalt  }
0x52: {  	_ =	shalt  }
0x53: {  	_ =	shalt  }
0x54: {  	_ =	shalt  }
0x55: {  	_ =	shalt  }
0x56: {  	_ =	shalt  }
0x57: {  	_ =	shalt  }
0x58: {  	_ =	shalt  }
0x59: {  	_ =	shalt  }
0x5a: {  	_ =	shalt  }
0x5b: {  	_ =	shalt  }
0x5c: {  	_ =	shalt  }
0x5d: {  	_ =	shalt  }
0x5e: {  	_ =	shalt  }
0x5f: {  	_ =	shalt  }
0x60: {  	_ =	shalt  }
0x61: {  	_ =	shalt  }
0x62: {  	_ =	shalt  }
0x63: {  	_ =	shalt  }
0x64: {  	_ =	shalt  }
0x65: {  	_ =	shalt  }
0x66: {  	_ =	shalt  }
0x67: {  	_ =	shalt  }
0x68: {  	_ =	shalt  }
0x69: {  	_ =	shalt  }
0x6a: {  	_ =	shalt  }
0x6b: {  	_ =	shalt  }
0x6c: {  	_ =	shalt  }
0x6d: {  	_ =	shalt  }
0x6e: {  	_ =	shalt  }
0x6f: {  	_ =	shalt  }
0x70: {  	_ =	shalt  }
0x71: {  	_ =	shalt  }
0x72: {  	_ =	shalt  }
0x73: {  	_ =	shalt  }
0x74: {  	_ =	shalt  }
0x75: {  	_ =	shalt  }
0x76: {  	_ =	shalt  }
0x77: {  	_ =	shalt  }
0x78: {  	_ =	shalt  }
0x79: {  	_ =	shalt  }
0x7a: {  	_ =	shalt  }
0x7b: {  	_ =	shalt  }
0x7c: {  	_ =	shalt  }
0x7d: {  	_ =	shalt  }
0x7e: {  	_ =	shalt  }
0x7f: {  	_ =	shalt  }
0x80: {  	_ =	shalt  }
0x81: {  	_ =	shalt  }
0x82: {  	_ =	shalt  }
0x83: {  	_ =	shalt  }
0x84: {  	_ =	shalt  }
0x85: {  	_ =	shalt  }
0x86: {  	_ =	shalt  }
0x87: {  	_ =	shalt  }
.Lfunc_end0:
.L_simem_size_0:
called_computation_lowered:
.L_overlay_start_0:
0x88: {  	s2 =	sld [smem:$0x3FD9]  }
0x89: {  	s3 =	sld [smem:$0x3FFE];
	_ =	sdelay $0x1  }
0x8a: {  	s1 =	srdreg.scid  }
0x8b: {  	s0 =	sand.u32 $0x1, s1  }
0x8c: {  	s17 =	sshll.u32 s0, $0xA;
	s2 =	sadd.s32 s3, s2  }
0x8d: {  	s2 =	sadd.s32 s2, s17  }
0x8e: {  	[smem:$0x3FB8] =	sst s2  }
0x8f: {  	_ = 	snop  }
0x90: {  	s2 =	sld [smem:$0x3FD0];
	(tm) =	ssettm $0x1  }
0x91: {  	s18 =	sld [smem:$0x3FFB];
	_ =	sdelay $0x3  }
0x92: {  	_ =	strace s18  }
0x93: {  	s3 =	sld [smem:$0x3FFC];
	_ =	sdelay $0x3  }
0x94: {  	_ =	strace s3  }
0x95: {  	s3 =	sld [smem:$0x3FFD];
	_ =	sdelay $0x3  }
0x96: {  	_ =	strace s3  }
0x97: {  	_ =	strace $0x8FFFFFFF  }
0x98: {  	s19 =	sld [smem:$0x3FDB];
	_ =	sdelay $0x1  }
0x99: {  	s4 =	simm.s32 $_scs_section_size  }
0x9a: {  	s5 =	simm.s32 $_size__tile_overlayer_lowered;
	s6 =	simm.s32 $_tile_overlayer_lowered  }
0x9b: {  	s22 =	simm.s32 $0x1BFF;
	s21 =	sshll.u32 s6, $0x1;
	s3 =	sadd.s32 s4, s19  }
0x9c: {  	s7 =	simm.s32 $0x0;
	s20 =	sshll.u32 s5, $0x1;
	s5 =	sadd.s32 s21, s3  }
0x9d: {  	[timem:s7], [sflag:s22] =	dma.local [hbm:s5], s20  }
0x9e: {  	_ =	swait.ge [sflag:s22], s20  }
0x9f: {  	s4 =	ssub.s32 $0x0, s20;
	[sflag:s22] =	ssyncset.done $0x0  }
0xa0: {  	[sflag:s22] =	ssyncadd.s32 s4;
	_ =	sdelay $0x1  }
0xa1: {  	s23 =	simm.s32 $0x1B8B  }
0xa2: {  	_ =	swait.ge [sflag:s23], $0x1  }
0xa3: {  	[sflag:s23] =	ssyncset.done $0x0  }
0xa4: {  	s25 =	simm.s32 $0x1B8E;
	s24 =	sld [smem:$0x3FFE];
	[sflag:s23] =	ssyncadd.s32 $0xFFFFFFFF  }
0xa5: {  	s26 =	simm.s32 $execute0_lowered;
	[smem:$0x3FD2] =	sst s25  }
0xa6: {  	s5 =	sshll.u32 s26, $0x1;
	_ =	strace $0x80000046;
	[dreg:$0x1] =	wrdreg $0xFFFFFFFF  }
0xa7: {  	s28 =	simm.s32 $_size_execute0_lowered;
	s3 =	sadd.s32 s3, s5;
	[dreg:$0x0] =	wrdreg $0x0  }
0xa8: {  	s5 =	sshll.u32 s28, $0x1;
	[dreg:$0x2] =	wrdreg s3  }
0xa9: {  	[dreg:$0x3] =	wrdreg s5  }
0xaa: {  	[dreg:$0x4] =	wrdreg $0xC0  }
0xab: {  	_ =	task [dreg:s7], $0x5FFFF  }
0xac: {  	[dreg:$0x1] =	wrdreg $0xFFFFFFFF  }
0xad: {  	[dreg:$0x0] =	wrdreg $0x60  }
0xae: {  	[dreg:$0x2] =	wrdreg s24  }
0xaf: {  	[dreg:$0x3] =	wrdreg s2  }
0xb0: {  	[dreg:$0x4] =	wrdreg $0x9  }
0xb1: {  	_ =	task.clear_ibuf [dreg:s7], $0x5FFFF;
	_ =	strace $0x90000046  }
0xb2: {  	s29 =	simm.s32 $0x9;
	_ =	strace $0x80000048  }
0xb3: {  	_ =	swait.ge [sflag:s29], $0x1  }
0xb4: {  	[sflag:s29] =	ssyncadd.s32 $0xFFFFFFFF  }
0xb5: {  	_ =	strace $0x90000048  }
0xb6: {  	_ =	sfence  }
0xb7: {  	s30 =	sld [smem:$0x0];
	_ =	sdelay $0x2  }
0xb8: {  	s31 =	sshll.u32 s1, $0xD;
	s1 =	sshrl.u32 s1, $0x2  }
0xb9: {  	s3 =	sand.u32 $0x4000, s31;
	s1 =	sadd.s32 s1, s30  }
0xba: {  	s0 =	sor.u32 s3, s0;
	s1 =	sshll.u32 s1, $0x11  }
0xbb: {  	s0 =	sor.u32 s1, s0  }
0xbc: {  	s0 =	sadd.s32 $0x8F2B, s0  }
0xbd: {  	[sflag:s0] =	ssyncadd.remote.s32 $0x1  }
0xbe: {  	_ =	sfence.sel $0xFFFF  }
0xbf: {  	[dreg:$0x0] =	wrdreg $0xFFFFFFFF;
	(pc) =	sbr.abs _section_cstart, $3  }
0xc0: {  	[dreg:$0x1] =	wrdreg $0xFFFFFFFF  }
0xc1: {  	_ =	task.clear_ibuf [dreg:s7], $0x2FFFF;
	_ =	strace $0x9FFFFFFF  }
0xc2: {  	(tm) =	ssettm $0x7FFFFFFF  }
0xc3: {  	_ =	shalt  }
tec
execute0_lowered:
.L_overlay_start_1:
0x0: {  	(tag) =	ssettag $0x1  }
0x1: {  	s5 =	rddreg [dreg:$0x0]  }
0x2: {  	s7 =	rddreg [dreg:$0x1]  }
0x3: {  	s1 =	srdreg.scid;
	s0 =	rddreg [dreg:$0x2]  }
0x4: {  	s2 =	simm.s32 $0x0;
	s12 =	simm.s32 $0x80;
	s13 =	simm.s32 $0x5100  }
0x5: {  	s14 =	simm.s32 $0xD100;
	s15 =	simm.s32 $0x5;
	s16 =	simm.s32 $0x2  }
0x6: {  	s17 =	simm.s32 $0x4;
	s18 =	simm.s32 $0x11100;
	s6 =	sand.u32 $0x1, s1  }
0x7: {  	s19 =	simm.s32 $0x1;
	s1 =	stileid.u32;
	s3 =	sshll.u32 s6, $0x4  }
0x8: {  	s20 =	simm.s32 $0x3;
	s21 =	simm.s32 $0x9100;
	s8 =	sor.u32 s1, s3  }
0x9: {  	s22 =	simm.s32 $0x0;
	[smem:$0x7FF] =	sst s2;
	s9 =	smul.u32 $0x510, s8  }
.Ltmp0:
0xa: {  	s4 =	sadd.s32 $0x5E200, s5;
	s6 =	ssub.s32 $0x2, s6;
	(pc) =	sbr.rel .LBB2_1-.Ltmp0, $4  }
0xb: {  	_ =	strace $0x80000047;
	s3 =	sadd.s32 $0x4000, s5;
	s11 =	sshrl.u32 s6, $0x1  }
0xc: {  	s11 =	ssub.s32 s6, s11;
	s8 =	smul.u32 $0x144000, s8;
	s10 =	sadd.s32 s9, s5  }
0xd: {  	s5 =	sadd.s32 $0xD6200, s5;
	s7 =	sadd.s32 s7, s9;
	s9 =	smax.u32 s11, $0x1  }
0xe: {  	s11 =	simm.s32 $0x2880;
	s6 =	sadd.s32 $0x54000, s10;
	s10 =	simm.s32 $0x7  }
.LBB2_10:
0xf: {  	s22 =	sadd.s32 $0x1, s22  }
0x10: {  	p0 =	sne.s32 s22, s9  }
.Ltmp1:
0x11: {  	_ = 	snop;
	(pc) =	sbr.rel @!p0 .LBB2_11-.Ltmp1, $4  }
0x12: {  	_ = 	snop  }
0x13: {  	_ =	swait.ge [sflag:s15], $0x4000  }
0x14: {  	[sflag:s15] =	ssyncset.done $0x0  }
0x15: {  	[sflag:s15] =	ssyncadd.s32 $0xFFFFC000  }
.LBB2_1:
0x16: {  	[tilespmem:s2], [sflag:$0x7] =	stream.linear.gather [hbm4b:s6+s2], $0x2880, $0x38;
	[tilespmem:$0x15100] =	vst v63  }
0x17: {  	_ =	swait.ge [sflag:s10], $0x2880  }
0x18: {  	[sflag:s10] =	ssyncset.done $0x0  }
0x19: {  	[sflag:s10] =	ssyncadd.s32 $0xFFFFD780  }
0x1a: {  	[tilespmem:s11], [sflag:$0x7] =	stream.linear.gather [hbm4b:s7+s2], $0x2880, $0x38;
	[tilespmem:$0x15100] =	vst v63  }
0x1b: {  	_ =	swait.ge [sflag:s10], $0x2880  }
.Ltmp2:
0x1c: {  	[sflag:s10] =	ssyncset.done $0x0;
	(pc) =	sbr.rel .LBB2_2-.Ltmp2, $4  }
0x1d: {  	[sflag:s10] =	ssyncadd.s32 $0xFFFFD780  }
0x1e: {  	[tilespmem:s13], [sflag:$0x1] =	stream.indirect.gather [hbm4b:s3+s12], $0x80, s2, s12, $0xb8;
	[tilespmem:$0x15100] =	vst v63  }
0x1f: {  	s23 =	simm.s32 $0x0  }
0x20: {  	[tilespmem:s14], [sflag:$0x3] =	stream.indirect.gather [hbm4b:s4+s12], $0x80, s11, s12, $0xb8;
	[tilespmem:$0x15100] =	vst v63  }
.LBB2_5:
0x21: {  	[tilespmem:s24+$0xD100] =	vst v12;
	v5 =	vsub.f32 v5, v10;
	v63 =	vld [tilespmem:s24+$0xD170]  }
0x22: {  	[tilespmem:s24+$0xD110] =	vst v11;
	v4 =	vsub.f32 v4, v9  }
0x23: {  	v3 =	vsub.f32 v3, v8;
	[tilespmem:s24+$0xD120] =	vst v5  }
0x24: {  	v2 =	vsub.f32 v2, v6;
	[tilespmem:s24+$0xD130] =	vst v4  }
0x25: {  	v1 =	vsub.f32 v1, v7;
	s25 =	sshll.u32 s23, $0xE;
	[tilespmem:s24+$0xD140] =	vst v3  }
0x26: {  	s25 =	sadd.s32 s8, s25;
	[tilespmem:s24+$0xD150] =	vst v2;
	v0 =	vsub.f32 v0, v63  }
0x27: {  	[tilespmem:s24+$0xD160] =	vst v1;
	s25 =	sshrl.u32 s25, $0x3  }
0x28: {  	s31 =	sadd.s32 s5, s25;
	[tilespmem:s24+$0xD170] =	vst v0  }
0x29: {  	[hbm4b:s31+s2] =	stream.linear.scatter [tilespmem:s14], [sflag:$0x5], $0x4000, $0x38;
	[tilespmem:$0x15100] =	vst v63  }
.LBB2_9:
0x2a: {  	s23 =	sadd.s32 $0x1, s23  }
0x2b: {  	p0 =	sne.s32 s23, $0x51  }
.Ltmp3:
0x2c: {  	_ = 	snop;
	(pc) =	sbr.rel @!p0 .LBB2_10-.Ltmp3, $1  }
0x2d: {  	_ =	sdelay $0x3  }
.LBB2_2:
0x2e: {  	s24 =	sand.u32 $0x1, s23  }
0x2f: {  	p0 =	seq.s32 s24, $0x1  }
.Ltmp4:
0x30: {  	_ = 	snop;
	(pc) =	sbr.rel @!p0 .LBB2_3-.Ltmp4, $1  }
0x31: {  	_ =	sdelay $0x3  }
0x32: {  	_ =	swait.ge [sflag:s15], $0x4000  }
0x33: {  	s24 =	sshll.u32 s23, $0x7;
	[sflag:s15] =	ssyncset.done $0x0  }
0x34: {  	s25 =	sadd.s32 $0x80, s24;
	[sflag:s15] =	ssyncadd.s32 $0xFFFFC000  }
0x35: {  	[tilespmem:s13], [sflag:$0x1] =	stream.indirect.gather [hbm4b:s3+s12], $0x80, s25, s12, $0xb8;
	[tilespmem:$0x15100] =	vst v63  }
0x36: {  	s24 =	sadd.s32 $0x2900, s24  }
0x37: {  	[tilespmem:s14], [sflag:$0x3] =	stream.indirect.gather [hbm4b:s4+s12], $0x80, s24, s12, $0xb8;
	[tilespmem:$0x15100] =	vst v63  }
0x38: {  	_ =	swait.ge [sflag:s16], $0x4000  }
0x39: {  	[sflag:s16] =	ssyncset.done $0x0  }
0x3a: {  	[sflag:s16] =	ssyncadd.s32 $0xFFFFC000  }
0x3b: {  	_ =	swait.ge [sflag:s17], $0x4000  }
0x3c: {  	[sflag:s17] =	ssyncset.done $0x0  }
0x3d: {  	s24 =	simm.s32 $0x0;
	[sflag:s17] =	ssyncadd.s32 $0xFFFFC000  }
0x3e: {  	v7 =	vld [tilespmem:s24+$0x9100]  }
0x3f: {  	v11 =	vld [tilespmem:s24+$0x9110]  }
0x40: {  	v5 =	vld [tilespmem:s24+$0x9120]  }
0x41: {  	v4 =	vld [tilespmem:s24+$0x9130]  }
0x42: {  	v3 =	vld [tilespmem:s24+$0x9140]  }
0x43: {  	v2 =	vld [tilespmem:s24+$0x9150]  }
0x44: {  	v1 =	vld [tilespmem:s24+$0x9160]  }
0x45: {  	v0 =	vld [tilespmem:s24+$0x9170]  }
0x46: {  	v12 =	vld [tilespmem:s24+$0x11100]  }
0x47: {  	v13 =	vld [tilespmem:s24+$0x11110]  }
0x48: {  	v10 =	vld [tilespmem:s24+$0x11120]  }
0x49: {  	v9 =	vld [tilespmem:s24+$0x11130]  }
0x4a: {  	v8 =	vld [tilespmem:s24+$0x11140]  }
0x4b: {  	v6 =	vld [tilespmem:s24+$0x11150];
	v12 =	vsub.f32 v7, v12  }
0x4c: {  	s25 =	simm.s32 $0x200;
	v11 =	vsub.f32 v11, v13;
	v7 =	vld [tilespmem:s24+$0x11160]  }
.LBB2_7:
0x4d: {  	s26 =	sshra.s32 s25, $0x2;
	p0 =	sne.s32 s25, $0xFE00;
	[tilespmem:s24+$0x11100] =	vst v12;
	v5 =	vsub.f32 v5, v10;
	v10 =	vld [tilespmem:s24+$0x11170]  }
0x4e: {  	v12 =	vld [tilespmem:s26+$0x9100];
	[tilespmem:s24+$0x11110] =	vst v11;
	v4 =	vsub.f32 v4, v9  }
0x4f: {  	v11 =	vld [tilespmem:s26+$0x9110];
	[tilespmem:s24+$0x11120] =	vst v5;
	v3 =	vsub.f32 v3, v8  }
0x50: {  	v5 =	vld [tilespmem:s26+$0x9120];
	[tilespmem:s24+$0x11130] =	vst v4;
	v2 =	vsub.f32 v2, v6  }
0x51: {  	v4 =	vld [tilespmem:s26+$0x9130];
	[tilespmem:s24+$0x11140] =	vst v3;
	v1 =	vsub.f32 v1, v7  }
0x52: {  	v3 =	vld [tilespmem:s26+$0x9140];
	[tilespmem:s24+$0x11150] =	vst v2;
	v0 =	vsub.f32 v0, v10  }
0x53: {  	v2 =	vld [tilespmem:s26+$0x9150];
	[tilespmem:s24+$0x11160] =	vst v1  }
0x54: {  	v1 =	vld [tilespmem:s26+$0x9160];
	[tilespmem:s24+$0x11170] =	vst v0;
	s24 =	smov.u32 s26  }
0x55: {  	v0 =	vld [tilespmem:s24+$0x9170]  }
0x56: {  	v6 =	vld [tilespmem:s24+$0x11100]  }
0x57: {  	v7 =	vld [tilespmem:s24+$0x11110]  }
.Ltmp5:
0x58: {  	v10 =	vld [tilespmem:s24+$0x11120];
	(pc) =	sbr.rel @p0 .LBB2_7-.Ltmp5, $4  }
0x59: {  	v9 =	vld [tilespmem:s24+$0x11130]  }
0x5a: {  	v8 =	vld [tilespmem:s24+$0x11140]  }
0x5b: {  	v12 =	vsub.f32 v12, v6;
	v6 =	vld [tilespmem:s24+$0x11150]  }
0x5c: {  	s25 =	sadd.s32 $0x200, s25;
	v11 =	vsub.f32 v11, v7;
	v7 =	vld [tilespmem:s24+$0x11160]  }
0x5d: {  	[tilespmem:s24+$0x11100] =	vst v12;
	v5 =	vsub.f32 v5, v10;
	v63 =	vld [tilespmem:s24+$0x11170]  }
0x5e: {  	[tilespmem:s24+$0x11110] =	vst v11;
	v4 =	vsub.f32 v4, v9  }
0x5f: {  	[tilespmem:s24+$0x11120] =	vst v5;
	v3 =	vsub.f32 v3, v8  }
0x60: {  	[tilespmem:s24+$0x11130] =	vst v4;
	v2 =	vsub.f32 v2, v6  }
.Ltmp6:
0x61: {  	s25 =	sshll.u32 s23, $0xE;
	[tilespmem:s24+$0x11140] =	vst v3;
	v1 =	vsub.f32 v1, v7;
	(pc) =	sbr.rel .LBB2_9-.Ltmp6, $4  }
0x62: {  	s25 =	sadd.s32 s8, s25;
	[tilespmem:s24+$0x11150] =	vst v2;
	v0 =	vsub.f32 v0, v63  }
0x63: {  	s25 =	sshrl.u32 s25, $0x3;
	[tilespmem:s24+$0x11160] =	vst v1  }
0x64: {  	s31 =	sadd.s32 s5, s25;
	[tilespmem:s24+$0x11170] =	vst v0  }
0x65: {  	[hbm4b:s31+s2] =	stream.linear.scatter [tilespmem:s18], [sflag:$0x6], $0x4000, $0x38;
	[tilespmem:$0x15100] =	vst v63  }
.LBB2_3:
0x66: {  	p0 =	seq.s32 s23, $0x0  }
0x67: {  	s24 =	simm.s32 @!p0 $0x6  }
0x68: {  	p1 =	seq.s32 @!p0 s23, $0x50;
	_ =	swait.ge @!p0 [sflag:s24], $0x4000  }
0x69: {  	p1 =	por p0, !p1;
	[sflag:s24] =	ssyncset.done @!p0 $0x0  }
0x6a: {  	[sflag:s24] =	ssyncadd.s32 @!p0 $0xFFFFC000;
	s24 =	sshll.u32 @p1 s23, $0x7  }
0x6b: {  	s25 =	sor.u32 @p1 $0x80, s24  }
0x6c: {  	[tilespmem:s21], [sflag:$0x2] =	stream.indirect.gather @p1 [hbm4b:s3+s12], $0x80, s25, s12, $0xb8;
	[tilespmem:$0x15100] =	vst v63  }
0x6d: {  	s24 =	sadd.s32 @p1 $0x2900, s24  }
0x6e: {  	[tilespmem:s18], [sflag:$0x4] =	stream.indirect.gather @p1 [hbm4b:s4+s12], $0x80, s24, s12, $0xb8;
	[tilespmem:$0x15100] =	vst v63  }
0x6f: {  	_ =	swait.ge [sflag:s19], $0x4000  }
0x70: {  	[sflag:s19] =	ssyncset.done $0x0  }
0x71: {  	[sflag:s19] =	ssyncadd.s32 $0xFFFFC000  }
0x72: {  	_ =	swait.ge [sflag:s20], $0x4000  }
0x73: {  	[sflag:s20] =	ssyncset.done $0x0  }
0x74: {  	s24 =	simm.s32 $0x0;
	[sflag:s20] =	ssyncadd.s32 $0xFFFFC000  }
0x75: {  	v7 =	vld [tilespmem:s24+$0x5100]  }
0x76: {  	v11 =	vld [tilespmem:s24+$0x5110]  }
0x77: {  	v5 =	vld [tilespmem:s24+$0x5120]  }
0x78: {  	v4 =	vld [tilespmem:s24+$0x5130]  }
0x79: {  	v3 =	vld [tilespmem:s24+$0x5140]  }
0x7a: {  	v2 =	vld [tilespmem:s24+$0x5150]  }
0x7b: {  	v1 =	vld [tilespmem:s24+$0x5160]  }
0x7c: {  	v0 =	vld [tilespmem:s24+$0x5170]  }
0x7d: {  	v12 =	vld [tilespmem:s24+$0xD100]  }
0x7e: {  	v13 =	vld [tilespmem:s24+$0xD110]  }
0x7f: {  	v10 =	vld [tilespmem:s24+$0xD120]  }
0x80: {  	v9 =	vld [tilespmem:s24+$0xD130]  }
0x81: {  	v8 =	vld [tilespmem:s24+$0xD140]  }
0x82: {  	v6 =	vld [tilespmem:s24+$0xD150];
	v12 =	vsub.f32 v7, v12  }
0x83: {  	s25 =	simm.s32 $0x200;
	v11 =	vsub.f32 v11, v13;
	v7 =	vld [tilespmem:s24+$0xD160]  }
.LBB2_4:
0x84: {  	s26 =	sshra.s32 s25, $0x2;
	p0 =	sne.s32 s25, $0xFE00;
	[tilespmem:s24+$0xD100] =	vst v12;
	v5 =	vsub.f32 v5, v10;
	v10 =	vld [tilespmem:s24+$0xD170]  }
0x85: {  	v4 =	vsub.f32 v4, v9;
	v12 =	vld [tilespmem:s26+$0x5100];
	[tilespmem:s24+$0xD110] =	vst v11  }
0x86: {  	v3 =	vsub.f32 v3, v8;
	v11 =	vld [tilespmem:s26+$0x5110];
	[tilespmem:s24+$0xD120] =	vst v5  }
0x87: {  	v2 =	vsub.f32 v2, v6;
	v5 =	vld [tilespmem:s26+$0x5120];
	[tilespmem:s24+$0xD130] =	vst v4  }
0x88: {  	v1 =	vsub.f32 v1, v7;
	v4 =	vld [tilespmem:s26+$0x5130];
	[tilespmem:s24+$0xD140] =	vst v3  }
0x89: {  	v3 =	vld [tilespmem:s26+$0x5140];
	[tilespmem:s24+$0xD150] =	vst v2;
	v0 =	vsub.f32 v0, v10  }
0x8a: {  	v2 =	vld [tilespmem:s26+$0x5150];
	[tilespmem:s24+$0xD160] =	vst v1  }
0x8b: {  	v1 =	vld [tilespmem:s26+$0x5160];
	[tilespmem:s24+$0xD170] =	vst v0;
	s24 =	smov.u32 s26  }
0x8c: {  	v0 =	vld [tilespmem:s24+$0x5170]  }
0x8d: {  	v6 =	vld [tilespmem:s24+$0xD100]  }
0x8e: {  	v7 =	vld [tilespmem:s24+$0xD110]  }
.Ltmp7:
0x8f: {  	v10 =	vld [tilespmem:s24+$0xD120];
	(pc) =	sbr.rel @p0 .LBB2_4-.Ltmp7, $4  }
0x90: {  	v9 =	vld [tilespmem:s24+$0xD130]  }
0x91: {  	v8 =	vld [tilespmem:s24+$0xD140]  }
0x92: {  	v12 =	vsub.f32 v12, v6;
	v6 =	vld [tilespmem:s24+$0xD150]  }
0x93: {  	s25 =	sadd.s32 $0x200, s25;
	v11 =	vsub.f32 v11, v7;
	v7 =	vld [tilespmem:s24+$0xD160]  }
.Ltmp8:
0x94: {  	_ = 	snop;
	(pc) =	sbr.rel .LBB2_5-.Ltmp8, $1  }
0x95: {  	_ =	sdelay $0x3  }
.LBB2_11:
0x96: {  	_ =	sfence.sel $0x180000  }
0x97: {  	[bflag:$0x0] =	sbarrier.arrive $0xFFFF  }
0x98: {  	p0 =	sne.s32 s1, $0x0;
	_ =	strace $0x90000047  }
0x99: {  	s0 =	sadd.s32 @!p0 $0x100000, s0;
	[bflag:$0x2] =	sbarrier.arrive $0xFFFF  }
0x9a: {  	[sflag:s0] =	ssyncadd.tile.s32 @!p0 $0x1;
	_ =	shalt  }
.Lfunc_end2:
_tile_overlayer_lowered:
.L_overlay_start_2:
0x9b: {  	(tag) =	ssettag $0x2  }
0x9c: {  	s0 =	rddreg [dreg:$0x0];
	s2 =	stileid.u32  }
0x9d: {  	s1 =	rddreg [dreg:$0x1];
	p0 =	sne.s32 s2, $0x0  }
0x9e: {  	s3 =	rddreg [dreg:$0x2];
	[bflag:$0x3] =	sbarrier.arrive $0xFFFF;
	s2 =	simm.s32 @!p0 $0x1C07  }
0x9f: {  	[timem:s3], [sflag:s2] =	dma.local @!p0 [hbm:s0], s1  }
0xa0: {  	s0 =	simm.s32 @!p0 $0x7  }
0xa1: {  	_ =	swait.ge @!p0 [sflag:s0], s1  }
0xa2: {  	s1 =	ssub.s32 @!p0 $0x0, s1;
	[sflag:s0] =	ssyncset.done @!p0 $0x0  }
0xa3: {  	[sflag:s0] =	ssyncadd.s32 @!p0 s1  }
0xa4: {  	[bflag:$0x3] =	sbarrier.arrive $0xFFFF  }
0xa5: {  	_ =	shalt  }

// kernel: kernel.13.cloned.1.call-start
scs
__scs_entry_jumppad:
0x0: {  	(pc) =	sbr.rel $0x88, $3  }
0x1: {  	(tag) =	ssettag $0x0;
	lr =	simm.s32 $0x1  }
0x2: {  	[smem:$0x3F91] =	sst lr;
	_ =	strace $0xD0000000  }
0x3: {  	_ = 	snop  }
0x4: {  	_ = 	snop  }
0x5: {  	_ = 	snop  }
0x6: {  	_ = 	snop  }
0x7: {  	_ = 	snop  }
__scs_overlays_trampoline_lowered:
0x8: {  	[smem:$0x3FA0] =	sst s0  }
0x9: {  	[smem:$0x3FA1] =	sst s1  }
0xa: {  	[smem:$0x3FA2] =	sst s2  }
0xb: {  	[smem:$0x3FA3] =	sst s3  }
0xc: {  	[smem:$0x3FA4] =	sst s4  }
0xd: {  	[smem:$0x3FA5] =	sst s5  }
0xe: {  	[smem:$0x3FA6] =	sst s6  }
0xf: {  	[smem:$0x3FA7] =	sst s7  }
0x10: {  	[smem:$0x3FA8] =	sst s8  }
0x11: {  	[smem:$0x3FA9] =	sst s9;
	s0 =	simm.s32 @!p0 $0x0  }
0x12: {  	s1 =	sld [smem:$0x3F8F];
	s0 =	simm.s32 @p0 $0x1  }
0x13: {  	[smem:$0x3FAA] =	sst s0;
	s0 =	simm.s32 @!p1 $0x0  }
0x14: {  	s2 =	sld [smem:$0x3F8E];
	s0 =	simm.s32 @p1 $0x1  }
0x15: {  	[smem:$0x3FAB] =	sst s0;
	s0 =	simm.s32 @!p2 $0x0  }
0x16: {  	s3 =	sld [smem:$0x3FDB];
	s0 =	simm.s32 @p2 $0x1  }
0x17: {  	s4 =	simm.s32 $0x1BF5;
	[smem:$0x3FAD] =	sst s0  }
0x18: {  	s0 =	sld [smem:$0x3F90];
	_ =	swait.ge [sflag:s4], $0x0  }
0x19: {  	s7 =	sld [smem:$0x3F91]  }
0x1a: {  	s8 =	sadd.s32 $0xFFFFE003, lr  }
0x1b: {  	s9 =	sadd.s32 $0xFFFFFEF7, lr;
	s5 =	simm.s32 $0xFFFFFFFF;
	p2 =	slt.u32 s8, $0xFFFFF086  }
0x1c: {  	p1 =	slt.u32 s9, $0xF7A;
	s5 =	simm.s32 @!p2 $0x0  }
0x1d: {  	s5 =	simm.s32 @p1 $0x1;
	p0 =	seq.s32 s7, s2  }
0x1e: {  	s7 =	smul.u32 @!p0 $0xF7A, s2;
	p2 =	seq.s32 @!p0 s5, $0x0  }
0x1f: {  	s9 =	smul.u32 $0xF7A, s1;
	s8 =	simm.s32 @!p0 $0x1BF5;
	p2 =	por !p2, p0  }
0x20: {  	[sflag:s8] =	ssyncset.s32 @!p0 $0xFFFFF086;
	s6 =	sadd.s32 @!p0 s3, s7;
	s7 =	simm.s32 @!p0 $0x108  }
0x21: {  	s3 =	sadd.s32 s3, s9;
	s6 =	sadd.s32 @!p0 $0x88, s6;
	s7 =	simm.s32 @p2 $0x1082  }
0x22: {  	[simem:s7], [sflag:s8] =	dma.local @!p0 [hbm:s6], $0xF7A  }
0x23: {  	s9 =	sor.u32 $0xD0000000, s2;
	s6 =	simm.s32 $0x108;
	_ =	swait.ge @!p0 [sflag:s8], $0x0  }
0x24: {  	s3 =	sadd.s32 $0x88, s3;
	s6 =	simm.s32 @!p1 $0x1082;
	[sflag:s4] =	ssyncset.s32 $0xFFFFF086  }
0x25: {  	[simem:s6], [sflag:s4] =	dma.local [hbm:s3], $0xF7A  }
0x26: {  	[smem:$0x3F91] =	sst s1;
	(tag) =	ssettag s2;
	_ =	strace s9  }
0x27: {  	s1 =	sld [smem:$0x3FA1]  }
0x28: {  	s2 =	sld [smem:$0x3FA2]  }
0x29: {  	s4 =	sld [smem:$0x3FA4]  }
0x2a: {  	p0 =	seq.s32 s5, $0x0;
	s5 =	sld [smem:$0x3FA5]  }
0x2b: {  	s6 =	sld [smem:$0x3FA6]  }
0x2c: {  	s7 =	sld [smem:$0x3FA7]  }
0x2d: {  	s3 =	simm.s32 $0x108;
	s8 =	sld [smem:$0x3FA8]  }
0x2e: {  	s3 =	simm.s32 @!p0 $0x1082;
	s9 =	sld [smem:$0x3FA9]  }
0x2f: {  	lr =	sadd.s32 s0, s3;
	s0 =	sld [smem:$0x3FA0]  }
0x30: {  	s3 =	sld [smem:$0x3FA3]  }
0x31: {  	[smem:$0x3FAC] =	sst s10  }
0x32: {  	s10 =	sld [smem:$0x3FAA];
	_ =	sdelay $0x3  }
0x33: {  	p0 =	seq.s32 s10, $0x1;
	s10 =	sld [smem:$0x3FAC];
	_ =	sdelay $0x3  }
0x34: {  	[smem:$0x3FAC] =	sst s10  }
0x35: {  	s10 =	sld [smem:$0x3FAB];
	_ =	sdelay $0x3  }
0x36: {  	p1 =	seq.s32 s10, $0x1;
	s10 =	sld [smem:$0x3FAC];
	_ =	sdelay $0x3  }
0x37: {  	[smem:$0x3FAC] =	sst s10  }
0x38: {  	s10 =	sld [smem:$0x3FAD]  }
0x39: {  	_ = 	snop;
	(pc) =	sbr.ind lr, $3  }
0x3a: {  	_ = 	snop  }
0x3b: {  	_ = 	snop  }
0x3c: {  	p2 =	seq.s32 s10, $0x1;
	s10 =	sld [smem:$0x3FAC]  }
0x3d: {  	_ =	shalt  }
0x3e: {  	_ =	shalt  }
0x3f: {  	_ =	shalt  }
0x40: {  	_ =	shalt  }
0x41: {  	_ =	shalt  }
0x42: {  	_ =	shalt  }
0x43: {  	_ =	shalt  }
0x44: {  	_ =	shalt  }
0x45: {  	_ =	shalt  }
0x46: {  	_ =	shalt  }
0x47: {  	_ =	shalt  }
0x48: {  	_ =	shalt  }
0x49: {  	_ =	shalt  }
0x4a: {  	_ =	shalt  }
0x4b: {  	_ =	shalt  }
0x4c: {  	_ =	shalt  }
0x4d: {  	_ =	shalt  }
0x4e: {  	_ =	shalt  }
0x4f: {  	_ =	shalt  }
0x50: {  	_ =	shalt  }
0x51: {  	_ =	shalt  }
0x52: {  	_ =	shalt  }
0x53: {  	_ =	shalt  }
0x54: {  	_ =	shalt  }
0x55: {  	_ =	shalt  }
0x56: {  	_ =	shalt  }
0x57: {  	_ =	shalt  }
0x58: {  	_ =	shalt  }
0x59: {  	_ =	shalt  }
0x5a: {  	_ =	shalt  }
0x5b: {  	_ =	shalt  }
0x5c: {  	_ =	shalt  }
0x5d: {  	_ =	shalt  }
0x5e: {  	_ =	shalt  }
0x5f: {  	_ =	shalt  }
0x60: {  	_ =	shalt  }
0x61: {  	_ =	shalt  }
0x62: {  	_ =	shalt  }
0x63: {  	_ =	shalt  }
0x64: {  	_ =	shalt  }
0x65: {  	_ =	shalt  }
0x66: {  	_ =	shalt  }
0x67: {  	_ =	shalt  }
0x68: {  	_ =	shalt  }
0x69: {  	_ =	shalt  }
0x6a: {  	_ =	shalt  }
0x6b: {  	_ =	shalt  }
0x6c: {  	_ =	shalt  }
0x6d: {  	_ =	shalt  }
0x6e: {  	_ =	shalt  }
0x6f: {  	_ =	shalt  }
0x70: {  	_ =	shalt  }
0x71: {  	_ =	shalt  }
0x72: {  	_ =	shalt  }
0x73: {  	_ =	shalt  }
0x74: {  	_ =	shalt  }
0x75: {  	_ =	shalt  }
0x76: {  	_ =	shalt  }
0x77: {  	_ =	shalt  }
0x78: {  	_ =	shalt  }
0x79: {  	_ =	shalt  }
0x7a: {  	_ =	shalt  }
0x7b: {  	_ =	shalt  }
0x7c: {  	_ =	shalt  }
0x7d: {  	_ =	shalt  }
0x7e: {  	_ =	shalt  }
0x7f: {  	_ =	shalt  }
0x80: {  	_ =	shalt  }
0x81: {  	_ =	shalt  }
0x82: {  	_ =	shalt  }
0x83: {  	_ =	shalt  }
0x84: {  	_ =	shalt  }
0x85: {  	_ =	shalt  }
0x86: {  	_ =	shalt  }
0x87: {  	_ =	shalt  }
.Lfunc_end0:
.L_simem_size_0:
called_computation.1_lowered:
.L_overlay_start_0:
0x88: {  	s2 =	sld [smem:$0x3FD9]  }
0x89: {  	s3 =	sld [smem:$0x3FFE];
	_ =	sdelay $0x1  }
0x8a: {  	s1 =	srdreg.scid  }
0x8b: {  	s0 =	sand.u32 $0x1, s1  }
0x8c: {  	s16 =	sshll.u32 s0, $0xA;
	s2 =	sadd.s32 s3, s2  }
0x8d: {  	s2 =	sadd.s32 s2, s16  }
0x8e: {  	[smem:$0x3FB8] =	sst s2  }
0x8f: {  	_ = 	snop  }
0x90: {  	(tm) =	ssettm $0x1  }
0x91: {  	s17 =	sld [smem:$0x3FFB];
	_ =	sdelay $0x3  }
0x92: {  	_ =	strace s17  }
0x93: {  	s2 =	sld [smem:$0x3FFC];
	_ =	sdelay $0x3  }
0x94: {  	_ =	strace s2  }
0x95: {  	s2 =	sld [smem:$0x3FFD];
	_ =	sdelay $0x3  }
0x96: {  	_ =	strace s2  }
0x97: {  	_ =	strace $0x8FFFFFFF  }
0x98: {  	s18 =	sld [smem:$0x3FDB];
	_ =	sdelay $0x1  }
0x99: {  	s19 =	simm.s32 $_scs_section_size  }
0x9a: {  	s4 =	simm.s32 $_size__tile_overlayer_lowered;
	s5 =	simm.s32 $_tile_overlayer_lowered  }
0x9b: {  	s22 =	simm.s32 $0x1BFF;
	s21 =	sshll.u32 s5, $0x1;
	s2 =	sadd.s32 s19, s18  }
0x9c: {  	s6 =	simm.s32 $0x0;
	s20 =	sshll.u32 s4, $0x1;
	s4 =	sadd.s32 s21, s2  }
0x9d: {  	[timem:s6], [sflag:s22] =	dma.local [hbm:s4], s20  }
0x9e: {  	_ =	swait.ge [sflag:s22], s20  }
0x9f: {  	s3 =	ssub.s32 $0x0, s20;
	[sflag:s22] =	ssyncset.done $0x0  }
0xa0: {  	[sflag:s22] =	ssyncadd.s32 s3;
	_ =	sdelay $0x1  }
0xa1: {  	s23 =	simm.s32 $0x1B8B  }
0xa2: {  	_ =	swait.ge [sflag:s23], $0x1  }
0xa3: {  	[sflag:s23] =	ssyncset.done $0x0  }
0xa4: {  	s25 =	simm.s32 $0x1B8E;
	s24 =	sld [smem:$0x3FFE];
	[sflag:s23] =	ssyncadd.s32 $0xFFFFFFFF  }
0xa5: {  	s26 =	simm.s32 $execute0_lowered;
	[smem:$0x3FD2] =	sst s25  }
0xa6: {  	s4 =	sshll.u32 s26, $0x1;
	_ =	strace $0x80000049;
	[dreg:$0x1] =	wrdreg $0xFFFFFFFF  }
0xa7: {  	s28 =	simm.s32 $_size_execute0_lowered;
	s2 =	sadd.s32 s2, s4;
	[dreg:$0x0] =	wrdreg $0x0  }
0xa8: {  	s4 =	sshll.u32 s28, $0x1;
	[dreg:$0x2] =	wrdreg s2  }
0xa9: {  	[dreg:$0x3] =	wrdreg s4  }
0xaa: {  	[dreg:$0x4] =	wrdreg $0xC0  }
0xab: {  	_ =	task [dreg:s6], $0x5FFFF  }
0xac: {  	[dreg:$0x1] =	wrdreg $0xFFFFFFFF  }
0xad: {  	[dreg:$0x0] =	wrdreg $0x60  }
0xae: {  	[dreg:$0x2] =	wrdreg s24  }
0xaf: {  	[dreg:$0x3] =	wrdreg $0xB9800  }
0xb0: {  	[dreg:$0x4] =	wrdreg $0x9  }
0xb1: {  	_ =	task.clear_ibuf [dreg:s6], $0x5FFFF;
	_ =	strace $0x90000049  }
0xb2: {  	s29 =	simm.s32 $0x9;
	_ =	strace $0x8000004B  }
0xb3: {  	_ =	swait.ge [sflag:s29], $0x1  }
0xb4: {  	[sflag:s29] =	ssyncadd.s32 $0xFFFFFFFF  }
0xb5: {  	_ =	strace $0x9000004B  }
0xb6: {  	_ =	sfence  }
0xb7: {  	s30 =	sld [smem:$0x0];
	_ =	sdelay $0x2  }
0xb8: {  	s31 =	sshll.u32 s1, $0xD;
	s1 =	sshrl.u32 s1, $0x2  }
0xb9: {  	s3 =	sand.u32 $0x4000, s31;
	s1 =	sadd.s32 s1, s30  }
0xba: {  	s0 =	sor.u32 s3, s0;
	s1 =	sshll.u32 s1, $0x11  }
0xbb: {  	s0 =	sor.u32 s1, s0  }
0xbc: {  	s0 =	sadd.s32 $0x8F2B, s0  }
0xbd: {  	[sflag:s0] =	ssyncadd.remote.s32 $0x1  }
0xbe: {  	_ =	sfence.sel $0xFFFF  }
0xbf: {  	[dreg:$0x0] =	wrdreg $0xFFFFFFFF;
	(pc) =	sbr.abs _section_cstart, $3  }
0xc0: {  	[dreg:$0x1] =	wrdreg $0xFFFFFFFF  }
0xc1: {  	_ =	task.clear_ibuf [dreg:s6], $0x2FFFF;
	_ =	strace $0x9FFFFFFF  }
0xc2: {  	(tm) =	ssettm $0x7FFFFFFF  }
0xc3: {  	_ =	shalt  }
tec
execute0_lowered:
.L_overlay_start_1:
0x0: {  	(tag) =	ssettag $0x1  }
0x1: {  	s0 =	srdreg.scid;
	s5 =	rddreg [dreg:$0x0]  }
0x2: {  	s11 =	stileid.u32;
	s2 =	rddreg [dreg:$0x1]  }
0x3: {  	s3 =	simm.s32 $0x0;
	s31 =	simm.s32 $0xA980;
	s8 =	smul.u32 $0x14000, s11  }
0x4: {  	s12 =	simm.s32 $0x1;
	s0 =	sand.u32 $0x1, s0;
	s9 =	smul.u32 $0x50000, s11  }
0x5: {  	[smem:$0x7FF] =	sst s3;
	s4 =	sadd.s32 $0x5E6200, s5;
	s24 =	smul.u32 $0x144000, s11  }
0x6: {  	s1 =	sshll.u32 s0, $0x4;
	s7 =	smul.u32 $0x140000, s0;
	_ =	strace $0x8000004A  }
0x7: {  	s13 =	ssub.s32 $0x2, s0;
	s0 =	smul.u32 $0x1440000, s0;
	s1 =	sor.u32 s11, s1  }
0x8: {  	s10 =	sshrl.u32 s13, $0x1;
	s14 =	sshrl.u32 s9, $0x2;
	s6 =	smul.u32 $0x510, s1  }
0x9: {  	s7 =	sadd.s32 s8, s7;
	s1 =	smul.u32 $0x28800, s1;
	s8 =	ssub.s32 s13, s10  }
0xa: {  	s7 =	sshrl.u32 s7, $0x3;
	s15 =	smax.u32 s8, $0x1;
	s6 =	sadd.s32 s6, s5  }
0xb: {  	s7 =	sadd.s32 s7, s5;
	s1 =	sadd.s32 s4, s1;
	[dreg:$0x5] =	wrdreg s15  }
0xc: {  	s5 =	sadd.s32 s14, s2;
	s6 =	sadd.s32 $0x54000, s6;
	[dreg:$0x4] =	wrdreg s1  }
0xd: {  	s11 =	simm.s32 $0x6980;
	s16 =	sadd.s32 $0x2000, s5;
	[dreg:$0x3] =	wrdreg s6  }
0xe: {  	s0 =	sadd.s32 s24, s0;
	s17 =	sadd.s32 $0x3000, s5;
	[dreg:$0x6] =	wrdreg s16  }
0xf: {  	s10 =	simm.s32 $0x2900;
	s18 =	sadd.s32 $0x4000, s5;
	[dreg:$0x7] =	wrdreg s17  }
0x10: {  	s13 =	simm.s32 $0x2880;
	s19 =	sadd.s32 $0x5000, s5;
	[dreg:$0x8] =	wrdreg s18  }
0x11: {  	s8 =	simm.s32 $0x80;
	s20 =	sadd.s32 $0x6000, s5;
	[dreg:$0x9] =	wrdreg s19  }
0x12: {  	s14 =	simm.s32 $0x0;
	s21 =	sadd.s32 $0x7000, s5;
	[dreg:$0xa] =	wrdreg s20  }
0x13: {  	s9 =	sadd.s32 $0x1000, s5;
	s22 =	sadd.s32 $0x8000, s5;
	[dreg:$0xb] =	wrdreg s21  }
0x14: {  	s23 =	sadd.s32 $0x9000, s5;
	s25 =	sadd.s32 $0xA000, s5;
	[dreg:$0xc] =	wrdreg s22  }
0x15: {  	s26 =	sadd.s32 $0xB000, s5;
	s28 =	sadd.s32 $0x11000, s5;
	[dreg:$0xd] =	wrdreg s23  }
0x16: {  	s29 =	sadd.s32 $0x12000, s5;
	s30 =	sadd.s32 $0x13000, s5;
	[dreg:$0xe] =	wrdreg s25  }
0x17: {  	s1 =	simm.s32 $0x5;
	[dreg:$0xf] =	wrdreg s26;
	s20 =	sadd.s32 $0xC000, s5  }
0x18: {  	s21 =	sadd.s32 $0xD000, s5;
	s22 =	sadd.s32 $0xE000, s5;
	s23 =	sadd.s32 $0xF000, s5  }
0x19: {  	s17 =	sadd.s32 $0x4000, s0;
	s25 =	sadd.s32 $0xD6200, s7;
	s26 =	sadd.s32 $0x10000, s5  }
0x1a: {  	v0 =	vimm.f32 $0.0e+00;
	s0 =	simm.s32 $0x2980;
	s6 =	simm.s32 $0x2;
	s7 =	simm.s32 $0x3  }
.LBB2_1:
0x1b: {  	s15 =	simm.s32 $0x0;
	s16 =	simm.s32 $0x200  }
.LBB2_2:
0x1c: {  	p0 =	sne.s32 s16, $0x3E00;
	[tilespmem:s15+$0xA9F0] =	vst v0  }
0x1d: {  	[tilespmem:s15+$0xA980] =	vst v0  }
0x1e: {  	[tilespmem:s15+$0xA990] =	vst v0  }
.Ltmp0:
0x1f: {  	[tilespmem:s15+$0xA9A0] =	vst v0;
	(pc) =	sbr.rel @p0 .LBB2_2-.Ltmp0, $4  }
0x20: {  	[tilespmem:s15+$0xA9B0] =	vst v0  }
0x21: {  	[tilespmem:s15+$0xA9C0] =	vst v0  }
0x22: {  	[tilespmem:s15+$0xA9D0] =	vst v0  }
0x23: {  	[tilespmem:s15+$0xA9E0] =	vst v0;
	s15 =	sshra.s32 s16, $0x2;
	s16 =	sadd.s32 $0x200, s16  }
0x24: {  	[tilespmem:s15+$0xA9F0] =	vst v0  }
0x25: {  	[tilespmem:s15+$0xA980] =	vst v0  }
0x26: {  	[tilespmem:s15+$0xA990] =	vst v0  }
0x27: {  	[tilespmem:s15+$0xA9A0] =	vst v0  }
0x28: {  	[tilespmem:s15+$0xA9B0] =	vst v0  }
0x29: {  	[tilespmem:s15+$0xA9C0] =	vst v0  }
0x2a: {  	[tilespmem:s15+$0xA9D0] =	vst v0  }
0x2b: {  	[tilespmem:s15+$0xA9E0] =	vst v0  }
0x2c: {  	[spmem:s5] =	stream.linear.scatter [tilespmem:s31], [sflag:$0x5], $0x1000, $0x38;
	[tilespmem:$0x1F980] =	vst v63  }
0x2d: {  	_ =	swait.ge [sflag:s1], $0x1000  }
0x2e: {  	[sflag:s1] =	ssyncset.done $0x0  }
0x2f: {  	[sflag:s1] =	ssyncadd.s32 $0xFFFFF000  }
0x30: {  	[spmem:s9] =	stream.linear.scatter [tilespmem:s31], [sflag:$0x5], $0x1000, $0x38;
	[tilespmem:$0x1F980] =	vst v63  }
0x31: {  	_ =	swait.ge [sflag:s1], $0x1000  }
0x32: {  	[sflag:s1] =	ssyncset.done $0x0  }
0x33: {  	s18 =	rddreg [dreg:$0x6];
	[sflag:s1] =	ssyncadd.s32 $0xFFFFF000  }
0x34: {  	[spmem:s18] =	stream.linear.scatter [tilespmem:s31], [sflag:$0x5], $0x1000, $0x38;
	[tilespmem:$0x1F980] =	vst v63  }
0x35: {  	_ =	swait.ge [sflag:s1], $0x1000  }
0x36: {  	[sflag:s1] =	ssyncset.done $0x0  }
0x37: {  	s19 =	rddreg [dreg:$0x7];
	[sflag:s1] =	ssyncadd.s32 $0xFFFFF000  }
0x38: {  	[spmem:s19] =	stream.linear.scatter [tilespmem:s31], [sflag:$0x5], $0x1000, $0x38;
	[tilespmem:$0x1F980] =	vst v63  }
0x39: {  	_ =	swait.ge [sflag:s1], $0x1000  }
0x3a: {  	[sflag:s1] =	ssyncset.done $0x0  }
0x3b: {  	s24 =	rddreg [dreg:$0x8];
	[sflag:s1] =	ssyncadd.s32 $0xFFFFF000  }
0x3c: {  	[spmem:s24] =	stream.linear.scatter [tilespmem:s31], [sflag:$0x5], $0x1000, $0x38;
	[tilespmem:$0x1F980] =	vst v63  }
0x3d: {  	_ =	swait.ge [sflag:s1], $0x1000  }
0x3e: {  	[sflag:s1] =	ssyncset.done $0x0  }
0x3f: {  	s16 =	rddreg [dreg:$0x9];
	[sflag:s1] =	ssyncadd.s32 $0xFFFFF000  }
0x40: {  	[spmem:s16] =	stream.linear.scatter [tilespmem:s31], [sflag:$0x5], $0x1000, $0x38;
	[tilespmem:$0x1F980] =	vst v63  }
0x41: {  	_ =	swait.ge [sflag:s1], $0x1000  }
0x42: {  	[sflag:s1] =	ssyncset.done $0x0  }
0x43: {  	s18 =	rddreg [dreg:$0xa];
	[sflag:s1] =	ssyncadd.s32 $0xFFFFF000  }
0x44: {  	[spmem:s18] =	stream.linear.scatter [tilespmem:s31], [sflag:$0x5], $0x1000, $0x38;
	[tilespmem:$0x1F980] =	vst v63  }
0x45: {  	_ =	swait.ge [sflag:s1], $0x1000  }
0x46: {  	[sflag:s1] =	ssyncset.done $0x0  }
0x47: {  	s19 =	rddreg [dreg:$0xb];
	[sflag:s1] =	ssyncadd.s32 $0xFFFFF000  }
0x48: {  	[spmem:s19] =	stream.linear.scatter [tilespmem:s31], [sflag:$0x5], $0x1000, $0x38;
	[tilespmem:$0x1F980] =	vst v63  }
0x49: {  	_ =	swait.ge [sflag:s1], $0x1000  }
0x4a: {  	[sflag:s1] =	ssyncset.done $0x0  }
0x4b: {  	s24 =	rddreg [dreg:$0xc];
	[sflag:s1] =	ssyncadd.s32 $0xFFFFF000  }
0x4c: {  	[spmem:s24] =	stream.linear.scatter [tilespmem:s31], [sflag:$0x5], $0x1000, $0x38;
	[tilespmem:$0x1F980] =	vst v63  }
0x4d: {  	_ =	swait.ge [sflag:s1], $0x1000  }
0x4e: {  	[sflag:s1] =	ssyncset.done $0x0  }
0x4f: {  	s16 =	rddreg [dreg:$0xd];
	[sflag:s1] =	ssyncadd.s32 $0xFFFFF000  }
0x50: {  	[spmem:s16] =	stream.linear.scatter [tilespmem:s31], [sflag:$0x5], $0x1000, $0x38;
	[tilespmem:$0x1F980] =	vst v63  }
0x51: {  	_ =	swait.ge [sflag:s1], $0x1000  }
0x52: {  	[sflag:s1] =	ssyncset.done $0x0  }
0x53: {  	s18 =	rddreg [dreg:$0xe];
	[sflag:s1] =	ssyncadd.s32 $0xFFFFF000  }
0x54: {  	[spmem:s18] =	stream.linear.scatter [tilespmem:s31], [sflag:$0x5], $0x1000, $0x38;
	[tilespmem:$0x1F980] =	vst v63  }
0x55: {  	_ =	swait.ge [sflag:s1], $0x1000  }
0x56: {  	[sflag:s1] =	ssyncset.done $0x0  }
0x57: {  	s19 =	rddreg [dreg:$0xf];
	[sflag:s1] =	ssyncadd.s32 $0xFFFFF000  }
0x58: {  	[spmem:s19] =	stream.linear.scatter [tilespmem:s31], [sflag:$0x5], $0x1000, $0x38;
	[tilespmem:$0x1F980] =	vst v63  }
0x59: {  	_ =	swait.ge [sflag:s1], $0x1000  }
0x5a: {  	[sflag:s1] =	ssyncset.done $0x0  }
0x5b: {  	[sflag:s1] =	ssyncadd.s32 $0xFFFFF000  }
0x5c: {  	[spmem:s20] =	stream.linear.scatter [tilespmem:s31], [sflag:$0x5], $0x1000, $0x38;
	[tilespmem:$0x1F980] =	vst v63  }
0x5d: {  	_ =	swait.ge [sflag:s1], $0x1000  }
0x5e: {  	[sflag:s1] =	ssyncset.done $0x0  }
0x5f: {  	[sflag:s1] =	ssyncadd.s32 $0xFFFFF000  }
0x60: {  	[spmem:s21] =	stream.linear.scatter [tilespmem:s31], [sflag:$0x5], $0x1000, $0x38;
	[tilespmem:$0x1F980] =	vst v63  }
0x61: {  	_ =	swait.ge [sflag:s1], $0x1000  }
0x62: {  	[sflag:s1] =	ssyncset.done $0x0  }
0x63: {  	[sflag:s1] =	ssyncadd.s32 $0xFFFFF000  }
0x64: {  	[spmem:s22] =	stream.linear.scatter [tilespmem:s31], [sflag:$0x5], $0x1000, $0x38;
	[tilespmem:$0x1F980] =	vst v63  }
0x65: {  	_ =	swait.ge [sflag:s1], $0x1000  }
0x66: {  	[sflag:s1] =	ssyncset.done $0x0  }
0x67: {  	[sflag:s1] =	ssyncadd.s32 $0xFFFFF000  }
0x68: {  	[spmem:s23] =	stream.linear.scatter [tilespmem:s31], [sflag:$0x5], $0x1000, $0x38;
	[tilespmem:$0x1F980] =	vst v63  }
0x69: {  	_ =	swait.ge [sflag:s1], $0x1000  }
0x6a: {  	[sflag:s1] =	ssyncset.done $0x0  }
0x6b: {  	[sflag:s1] =	ssyncadd.s32 $0xFFFFF000  }
0x6c: {  	[spmem:s26] =	stream.linear.scatter [tilespmem:s31], [sflag:$0x5], $0x1000, $0x38;
	[tilespmem:$0x1F980] =	vst v63  }
0x6d: {  	_ =	swait.ge [sflag:s1], $0x1000  }
0x6e: {  	[sflag:s1] =	ssyncset.done $0x0  }
0x6f: {  	[sflag:s1] =	ssyncadd.s32 $0xFFFFF000  }
0x70: {  	[spmem:s28] =	stream.linear.scatter [tilespmem:s31], [sflag:$0x5], $0x1000, $0x38;
	[tilespmem:$0x1F980] =	vst v63  }
0x71: {  	_ =	swait.ge [sflag:s1], $0x1000  }
0x72: {  	[sflag:s1] =	ssyncset.done $0x0  }
0x73: {  	[sflag:s1] =	ssyncadd.s32 $0xFFFFF000  }
0x74: {  	[spmem:s29] =	stream.linear.scatter [tilespmem:s31], [sflag:$0x5], $0x1000, $0x38;
	[tilespmem:$0x1F980] =	vst v63  }
0x75: {  	_ =	swait.ge [sflag:s1], $0x1000  }
0x76: {  	[sflag:s1] =	ssyncset.done $0x0  }
0x77: {  	[sflag:s1] =	ssyncadd.s32 $0xFFFFF000  }
0x78: {  	[spmem:s30] =	stream.linear.scatter [tilespmem:s31], [sflag:$0x5], $0x1000, $0x38;
	[tilespmem:$0x1F980] =	vst v63  }
0x79: {  	_ =	swait.ge [sflag:s1], $0x1000  }
0x7a: {  	[sflag:s1] =	ssyncset.done $0x0  }
0x7b: {  	[sflag:s1] =	ssyncadd.s32 $0xFFFFF000  }
0x7c: {  	[bflag:$0x0] =	sbarrier.arrive $0xFFFF  }
0x7d: {  	s15 =	simm.s32 $0x0;
	s16 =	rddreg [dreg:$0x3]  }
0x7e: {  	[tilespmem:s15], [sflag:$0x5] =	stream.linear.gather [hbm4b:s16+s15], $0x2880, $0x38;
	[tilespmem:$0x1F980] =	vst v63  }
.Ltmp1:
0x7f: {  	_ =	swait.ge [sflag:s1], $0x2880;
	(pc) =	sbr.rel .LBB2_4-.Ltmp1, $4  }
0x80: {  	[sflag:s1] =	ssyncset.done $0x0  }
0x81: {  	s24 =	rddreg [dreg:$0x4];
	[sflag:s1] =	ssyncadd.s32 $0xFFFFD780  }
0x82: {  	[tilespmem:s0], [sflag:$0x1] =	stream.linear.gather [hbm4b:s24+s15], $0x4000, $0x38;
	[tilespmem:$0x1F980] =	vst v63  }
0x83: {  	s16 =	simm.s32 $0x40;
	s24 =	smov.u32 s17  }
.LBB2_6:
0x84: {  	_ =	swait.ge [sflag:s6], $0x4000  }
0x85: {  	[sflag:s6] =	ssyncset.done $0x0  }
0x86: {  	[sflag:s6] =	ssyncadd.s32 $0xFFFFC000  }
0x87: {  	_ =	swait.ge [sflag:s7], $0x4000  }
0x88: {  	s18 =	sshrl.u32 s24, $0x3;
	[sflag:s7] =	ssyncset.done $0x0  }
0x89: {  	s18 =	sadd.s32 s4, s18;
	[sflag:s7] =	ssyncadd.s32 $0xFFFFC000  }
0x8a: {  	[tilespmem:s0], [sflag:$0x1] =	stream.linear.gather [hbm4b:s18+s3], $0x4000, $0x38;
	[tilespmem:$0x1F980] =	vst v63  }
0x8b: {  	v1 =	vld [tilespmem:s16+$0xFFFFFFC0];
	_ =	sdelay $0x4  }
0x8c: {  	[tilespmem:$0x2900] =	vst v1  }
0x8d: {  	v1 =	vld [tilespmem:s16+$0xFFFFFFD0];
	_ =	sdelay $0x4  }
0x8e: {  	[tilespmem:$0x2910] =	vst v1  }
0x8f: {  	v1 =	vld [tilespmem:s16+$0xFFFFFFE0];
	_ =	sdelay $0x4  }
0x90: {  	[tilespmem:$0x2920] =	vst v1  }
0x91: {  	v1 =	vld [tilespmem:s16+$0xFFFFFFF0];
	_ =	sdelay $0x4  }
0x92: {  	[tilespmem:$0x2930] =	vst v1  }
0x93: {  	v1 =	vld [tilespmem:s16+$0x0];
	_ =	sdelay $0x4  }
0x94: {  	[tilespmem:$0x2940] =	vst v1  }
0x95: {  	v1 =	vld [tilespmem:s16+$0x10];
	_ =	sdelay $0x4  }
0x96: {  	[tilespmem:$0x2950] =	vst v1  }
0x97: {  	v1 =	vld [tilespmem:s16+$0x20];
	_ =	sdelay $0x4  }
0x98: {  	[tilespmem:$0x2960] =	vst v1  }
0x99: {  	v1 =	vld [tilespmem:s16+$0x30];
	_ =	sdelay $0x4  }
0x9a: {  	[tilespmem:$0x2970] =	vst v1  }
0x9b: {  	[spmem:s2] =	stream.indirect.scatter.add.f32 [tilespmem:s11], [sflag:$0x4], $0x80, s10, s8, $0xb8;
	[tilespmem:$0x1F980] =	vst v63  }
.LBB2_7:
0x9c: {  	s15 =	sadd.s32 $0x1, s15  }
0x9d: {  	p0 =	sne.s32 s15, $0x51  }
.Ltmp2:
0x9e: {  	_ = 	snop;
	(pc) =	sbr.rel @!p0 .LBB2_8-.Ltmp2, $2  }
0x9f: {  	_ =	sdelay $0x2  }
0xa0: {  	s24 =	sadd.s32 $0x4000, s24;
	s16 =	sadd.s32 $0x80, s16  }
.LBB2_4:
0xa1: {  	s18 =	sand.u32 $0x1, s15  }
0xa2: {  	p0 =	seq.s32 s18, $0x1  }
.Ltmp3:
0xa3: {  	_ = 	snop;
	(pc) =	sbr.rel @p0 .LBB2_6-.Ltmp3, $1  }
0xa4: {  	_ =	sdelay $0x3  }
0xa5: {  	_ =	swait.ge [sflag:s12], $0x4000  }
0xa6: {  	p0 =	seq.s32 s15, $0x0;
	[sflag:s12] =	ssyncset.done $0x0  }
0xa7: {  	s18 =	simm.s32 @!p0 $0x4;
	[sflag:s12] =	ssyncadd.s32 $0xFFFFC000  }
0xa8: {  	p1 =	seq.s32 @!p0 s15, $0x50;
	_ =	swait.ge @!p0 [sflag:s18], $0x4000  }
0xa9: {  	p1 =	por p0, !p1;
	[sflag:s18] =	ssyncset.done @!p0 $0x0  }
0xaa: {  	[sflag:s18] =	ssyncadd.s32 @!p0 $0xFFFFC000;
	s18 =	sshrl.u32 @p1 s24, $0x3  }
0xab: {  	s18 =	sadd.s32 @p1 s4, s18  }
0xac: {  	[tilespmem:s11], [sflag:$0x2] =	stream.linear.gather @p1 [hbm4b:s18+s3], $0x4000, $0x38;
	[tilespmem:$0x1F980] =	vst v63  }
0xad: {  	v1 =	vld [tilespmem:s16+$0xFFFFFFC0];
	_ =	sdelay $0x4  }
0xae: {  	[tilespmem:$0x2880] =	vst v1  }
0xaf: {  	v1 =	vld [tilespmem:s16+$0xFFFFFFD0];
	_ =	sdelay $0x4  }
0xb0: {  	[tilespmem:$0x2890] =	vst v1  }
0xb1: {  	v1 =	vld [tilespmem:s16+$0xFFFFFFE0];
	_ =	sdelay $0x4  }
0xb2: {  	[tilespmem:$0x28A0] =	vst v1  }
0xb3: {  	v1 =	vld [tilespmem:s16+$0xFFFFFFF0];
	_ =	sdelay $0x4  }
0xb4: {  	[tilespmem:$0x28B0] =	vst v1  }
0xb5: {  	v1 =	vld [tilespmem:s16+$0x0];
	_ =	sdelay $0x4  }
0xb6: {  	[tilespmem:$0x28C0] =	vst v1  }
0xb7: {  	v1 =	vld [tilespmem:s16+$0x10];
	_ =	sdelay $0x4  }
0xb8: {  	[tilespmem:$0x28D0] =	vst v1  }
0xb9: {  	v1 =	vld [tilespmem:s16+$0x20];
	_ =	sdelay $0x4  }
0xba: {  	[tilespmem:$0x28E0] =	vst v1  }
0xbb: {  	v1 =	vld [tilespmem:s16+$0x30];
	_ =	sdelay $0x1  }
.Ltmp4:
0xbc: {  	_ = 	snop;
	(pc) =	sbr.rel .LBB2_7-.Ltmp4, $3  }
0xbd: {  	_ =	sdelay $0x1  }
0xbe: {  	[tilespmem:$0x28F0] =	vst v1  }
0xbf: {  	[spmem:s2] =	stream.indirect.scatter.add.f32 [tilespmem:s0], [sflag:$0x3], $0x80, s13, s8, $0xb8;
	[tilespmem:$0x1F980] =	vst v63  }
.LBB2_8:
0xc0: {  	_ =	swait.ge [sflag:s7], $0x4000  }
0xc1: {  	s15 =	stileid.u32;
	[sflag:s7] =	ssyncset.done $0x0  }
0xc2: {  	s16 =	sadd.s32 $0x0, s25;
	s15 =	sshll.u32 s15, $0x6;
	[sflag:s7] =	ssyncadd.s32 $0xFFFFC000  }
0xc3: {  	s18 =	sshrl.u32 s5, $0x3;
	s15 =	sor.u32 $0x1C05, s15;
	[bflag:$0x0] =	sbarrier.arrive $0xFFFF  }
0xc4: {  	[hbm:s16], [sflag:s15] =	dma.local [spmem:s18], $0x200  }
0xc5: {  	s24 =	smov.u32 s9;
	s16 =	simm.s32 $0x200;
	_ =	swait.ge [sflag:s1], $0x200  }
.LBB2_9:
0xc6: {  	s18 =	sadd.s32 s16, s25;
	[sflag:s1] =	ssyncset.done $0x0;
	p0 =	sne.s32 s16, $0x2600  }
.Ltmp5:
0xc7: {  	s19 =	sshrl.u32 s24, $0x3;
	[sflag:s1] =	ssyncadd.s32 $0xFFFFFE00;
	(pc) =	sbr.rel @p0 .LBB2_9-.Ltmp5, $3  }
0xc8: {  	[hbm:s18], [sflag:s15] =	dma.local [spmem:s19], $0x200  }
0xc9: {  	s16 =	sadd.s32 $0x200, s16;
	_ =	sdelay $0x1  }
0xca: {  	s24 =	sadd.s32 $0x1000, s24;
	_ =	swait.ge [sflag:s1], $0x200  }
0xcb: {  	s14 =	sadd.s32 $0x1, s14;
	s15 =	rddreg [dreg:$0x5]  }
0xcc: {  	p0 =	sne.s32 s14, s15  }
.Ltmp6:
0xcd: {  	_ = 	snop;
	(pc) =	sbr.rel @p0 .LBB2_1-.Ltmp6, $3  }
0xce: {  	_ =	sdelay $0x1  }
0xcf: {  	[sflag:s1] =	ssyncset.done $0x0  }
0xd0: {  	[sflag:s1] =	ssyncadd.s32 $0xFFFFFE00  }
0xd1: {  	_ =	sfence.sel $0x180000  }
0xd2: {  	[bflag:$0x0] =	sbarrier.arrive $0xFFFF  }
0xd3: {  	_ =	strace $0x9000004A  }
0xd4: {  	s0 =	stileid.u32;
	[bflag:$0x2] =	sbarrier.arrive $0xFFFF  }
0xd5: {  	p0 =	sne.s32 s0, $0x0;
	s0 =	rddreg [dreg:$0x2]  }
0xd6: {  	s0 =	sadd.s32 @!p0 $0x100000, s0  }
0xd7: {  	[sflag:s0] =	ssyncadd.tile.s32 @!p0 $0x1;
	_ =	shalt  }
.Lfunc_end2:
_tile_overlayer_lowered:
.L_overlay_start_2:
0xd8: {  	(tag) =	ssettag $0x2  }
0xd9: {  	s0 =	rddreg [dreg:$0x0];
	s2 =	stileid.u32  }
0xda: {  	s1 =	rddreg [dreg:$0x1];
	p0 =	sne.s32 s2, $0x0  }
0xdb: {  	s3 =	rddreg [dreg:$0x2];
	[bflag:$0x3] =	sbarrier.arrive $0xFFFF;
	s2 =	simm.s32 @!p0 $0x1C05  }
0xdc: {  	[timem:s3], [sflag:s2] =	dma.local @!p0 [hbm:s0], s1  }
0xdd: {  	s0 =	simm.s32 @!p0 $0x5  }
0xde: {  	_ =	swait.ge @!p0 [sflag:s0], s1  }
0xdf: {  	s1 =	ssub.s32 @!p0 $0x0, s1;
	[sflag:s0] =	ssyncset.done @!p0 $0x0  }
0xe0: {  	[sflag:s0] =	ssyncadd.s32 @!p0 s1  }
0xe1: {  	[bflag:$0x3] =	sbarrier.arrive $0xFFFF  }
0xe2: {  	_ =	shalt  }

// kernel: kernel.16.cloned.1.call-start
scs
__scs_entry_jumppad:
0x0: {  	(pc) =	sbr.rel $0x88, $3  }
0x1: {  	(tag) =	ssettag $0x0;
	lr =	simm.s32 $0x1  }
0x2: {  	[smem:$0x3F91] =	sst lr;
	_ =	strace $0xD0000000  }
0x3: {  	_ = 	snop  }
0x4: {  	_ = 	snop  }
0x5: {  	_ = 	snop  }
0x6: {  	_ = 	snop  }
0x7: {  	_ = 	snop  }
__scs_overlays_trampoline_lowered:
0x8: {  	[smem:$0x3FA0] =	sst s0  }
0x9: {  	[smem:$0x3FA1] =	sst s1  }
0xa: {  	[smem:$0x3FA2] =	sst s2  }
0xb: {  	[smem:$0x3FA3] =	sst s3  }
0xc: {  	[smem:$0x3FA4] =	sst s4  }
0xd: {  	[smem:$0x3FA5] =	sst s5  }
0xe: {  	[smem:$0x3FA6] =	sst s6  }
0xf: {  	[smem:$0x3FA7] =	sst s7  }
0x10: {  	[smem:$0x3FA8] =	sst s8  }
0x11: {  	[smem:$0x3FA9] =	sst s9;
	s0 =	simm.s32 @!p0 $0x0  }
0x12: {  	s1 =	sld [smem:$0x3F8F];
	s0 =	simm.s32 @p0 $0x1  }
0x13: {  	[smem:$0x3FAA] =	sst s0;
	s0 =	simm.s32 @!p1 $0x0  }
0x14: {  	s2 =	sld [smem:$0x3F8E];
	s0 =	simm.s32 @p1 $0x1  }
0x15: {  	[smem:$0x3FAB] =	sst s0;
	s0 =	simm.s32 @!p2 $0x0  }
0x16: {  	s3 =	sld [smem:$0x3FDB];
	s0 =	simm.s32 @p2 $0x1  }
0x17: {  	s4 =	simm.s32 $0x1BF5;
	[smem:$0x3FAD] =	sst s0  }
0x18: {  	s0 =	sld [smem:$0x3F90];
	_ =	swait.ge [sflag:s4], $0x0  }
0x19: {  	s7 =	sld [smem:$0x3F91]  }
0x1a: {  	s8 =	sadd.s32 $0xFFFFE003, lr  }
0x1b: {  	s9 =	sadd.s32 $0xFFFFFEF7, lr;
	s5 =	simm.s32 $0xFFFFFFFF;
	p2 =	slt.u32 s8, $0xFFFFF086  }
0x1c: {  	p1 =	slt.u32 s9, $0xF7A;
	s5 =	simm.s32 @!p2 $0x0  }
0x1d: {  	s5 =	simm.s32 @p1 $0x1;
	p0 =	seq.s32 s7, s2  }
0x1e: {  	s7 =	smul.u32 @!p0 $0xF7A, s2;
	p2 =	seq.s32 @!p0 s5, $0x0  }
0x1f: {  	s9 =	smul.u32 $0xF7A, s1;
	s8 =	simm.s32 @!p0 $0x1BF5;
	p2 =	por !p2, p0  }
0x20: {  	[sflag:s8] =	ssyncset.s32 @!p0 $0xFFFFF086;
	s6 =	sadd.s32 @!p0 s3, s7;
	s7 =	simm.s32 @!p0 $0x108  }
0x21: {  	s3 =	sadd.s32 s3, s9;
	s6 =	sadd.s32 @!p0 $0x88, s6;
	s7 =	simm.s32 @p2 $0x1082  }
0x22: {  	[simem:s7], [sflag:s8] =	dma.local @!p0 [hbm:s6], $0xF7A  }
0x23: {  	s9 =	sor.u32 $0xD0000000, s2;
	s6 =	simm.s32 $0x108;
	_ =	swait.ge @!p0 [sflag:s8], $0x0  }
0x24: {  	s3 =	sadd.s32 $0x88, s3;
	s6 =	simm.s32 @!p1 $0x1082;
	[sflag:s4] =	ssyncset.s32 $0xFFFFF086  }
0x25: {  	[simem:s6], [sflag:s4] =	dma.local [hbm:s3], $0xF7A  }
0x26: {  	[smem:$0x3F91] =	sst s1;
	(tag) =	ssettag s2;
	_ =	strace s9  }
0x27: {  	s1 =	sld [smem:$0x3FA1]  }
0x28: {  	s2 =	sld [smem:$0x3FA2]  }
0x29: {  	s4 =	sld [smem:$0x3FA4]  }
0x2a: {  	p0 =	seq.s32 s5, $0x0;
	s5 =	sld [smem:$0x3FA5]  }
0x2b: {  	s6 =	sld [smem:$0x3FA6]  }
0x2c: {  	s7 =	sld [smem:$0x3FA7]  }
0x2d: {  	s3 =	simm.s32 $0x108;
	s8 =	sld [smem:$0x3FA8]  }
0x2e: {  	s3 =	simm.s32 @!p0 $0x1082;
	s9 =	sld [smem:$0x3FA9]  }
0x2f: {  	lr =	sadd.s32 s0, s3;
	s0 =	sld [smem:$0x3FA0]  }
0x30: {  	s3 =	sld [smem:$0x3FA3]  }
0x31: {  	[smem:$0x3FAC] =	sst s10  }
0x32: {  	s10 =	sld [smem:$0x3FAA];
	_ =	sdelay $0x3  }
0x33: {  	p0 =	seq.s32 s10, $0x1;
	s10 =	sld [smem:$0x3FAC];
	_ =	sdelay $0x3  }
0x34: {  	[smem:$0x3FAC] =	sst s10  }
0x35: {  	s10 =	sld [smem:$0x3FAB];
	_ =	sdelay $0x3  }
0x36: {  	p1 =	seq.s32 s10, $0x1;
	s10 =	sld [smem:$0x3FAC];
	_ =	sdelay $0x3  }
0x37: {  	[smem:$0x3FAC] =	sst s10  }
0x38: {  	s10 =	sld [smem:$0x3FAD]  }
0x39: {  	_ = 	snop;
	(pc) =	sbr.ind lr, $3  }
0x3a: {  	_ = 	snop  }
0x3b: {  	_ = 	snop  }
0x3c: {  	p2 =	seq.s32 s10, $0x1;
	s10 =	sld [smem:$0x3FAC]  }
0x3d: {  	_ =	shalt  }
0x3e: {  	_ =	shalt  }
0x3f: {  	_ =	shalt  }
0x40: {  	_ =	shalt  }
0x41: {  	_ =	shalt  }
0x42: {  	_ =	shalt  }
0x43: {  	_ =	shalt  }
0x44: {  	_ =	shalt  }
0x45: {  	_ =	shalt  }
0x46: {  	_ =	shalt  }
0x47: {  	_ =	shalt  }
0x48: {  	_ =	shalt  }
0x49: {  	_ =	shalt  }
0x4a: {  	_ =	shalt  }
0x4b: {  	_ =	shalt  }
0x4c: {  	_ =	shalt  }
0x4d: {  	_ =	shalt  }
0x4e: {  	_ =	shalt  }
0x4f: {  	_ =	shalt  }
0x50: {  	_ =	shalt  }
0x51: {  	_ =	shalt  }
0x52: {  	_ =	shalt  }
0x53: {  	_ =	shalt  }
0x54: {  	_ =	shalt  }
0x55: {  	_ =	shalt  }
0x56: {  	_ =	shalt  }
0x57: {  	_ =	shalt  }
0x58: {  	_ =	shalt  }
0x59: {  	_ =	shalt  }
0x5a: {  	_ =	shalt  }
0x5b: {  	_ =	shalt  }
0x5c: {  	_ =	shalt  }
0x5d: {  	_ =	shalt  }
0x5e: {  	_ =	shalt  }
0x5f: {  	_ =	shalt  }
0x60: {  	_ =	shalt  }
0x61: {  	_ =	shalt  }
0x62: {  	_ =	shalt  }
0x63: {  	_ =	shalt  }
0x64: {  	_ =	shalt  }
0x65: {  	_ =	shalt  }
0x66: {  	_ =	shalt  }
0x67: {  	_ =	shalt  }
0x68: {  	_ =	shalt  }
0x69: {  	_ =	shalt  }
0x6a: {  	_ =	shalt  }
0x6b: {  	_ =	shalt  }
0x6c: {  	_ =	shalt  }
0x6d: {  	_ =	shalt  }
0x6e: {  	_ =	shalt  }
0x6f: {  	_ =	shalt  }
0x70: {  	_ =	shalt  }
0x71: {  	_ =	shalt  }
0x72: {  	_ =	shalt  }
0x73: {  	_ =	shalt  }
0x74: {  	_ =	shalt  }
0x75: {  	_ =	shalt  }
0x76: {  	_ =	shalt  }
0x77: {  	_ =	shalt  }
0x78: {  	_ =	shalt  }
0x79: {  	_ =	shalt  }
0x7a: {  	_ =	shalt  }
0x7b: {  	_ =	shalt  }
0x7c: {  	_ =	shalt  }
0x7d: {  	_ =	shalt  }
0x7e: {  	_ =	shalt  }
0x7f: {  	_ =	shalt  }
0x80: {  	_ =	shalt  }
0x81: {  	_ =	shalt  }
0x82: {  	_ =	shalt  }
0x83: {  	_ =	shalt  }
0x84: {  	_ =	shalt  }
0x85: {  	_ =	shalt  }
0x86: {  	_ =	shalt  }
0x87: {  	_ =	shalt  }
.Lfunc_end0:
.L_simem_size_0:
called_computation.2_lowered:
.L_overlay_start_0:
0x88: {  	s2 =	sld [smem:$0x3FD9]  }
0x89: {  	s3 =	sld [smem:$0x3FFE];
	_ =	sdelay $0x1  }
0x8a: {  	s1 =	srdreg.scid  }
0x8b: {  	s0 =	sand.u32 $0x1, s1  }
0x8c: {  	s17 =	sshll.u32 s0, $0xA;
	s2 =	sadd.s32 s3, s2  }
0x8d: {  	s2 =	sadd.s32 s2, s17  }
0x8e: {  	[smem:$0x3FB8] =	sst s2  }
0x8f: {  	_ = 	snop  }
0x90: {  	s2 =	sld [smem:$0x3FD0];
	(tm) =	ssettm $0x1  }
0x91: {  	s18 =	sld [smem:$0x3FFB];
	_ =	sdelay $0x3  }
0x92: {  	_ =	strace s18  }
0x93: {  	s3 =	sld [smem:$0x3FFC];
	_ =	sdelay $0x3  }
0x94: {  	_ =	strace s3  }
0x95: {  	s3 =	sld [smem:$0x3FFD];
	_ =	sdelay $0x3  }
0x96: {  	_ =	strace s3  }
0x97: {  	_ =	strace $0x8FFFFFFF  }
0x98: {  	s19 =	sld [smem:$0x3FDB];
	_ =	sdelay $0x1  }
0x99: {  	s4 =	simm.s32 $_scs_section_size  }
0x9a: {  	s5 =	simm.s32 $_size__tile_overlayer_lowered;
	s6 =	simm.s32 $_tile_overlayer_lowered  }
0x9b: {  	s22 =	simm.s32 $0x1BFF;
	s21 =	sshll.u32 s6, $0x1;
	s3 =	sadd.s32 s4, s19  }
0x9c: {  	s7 =	simm.s32 $0x0;
	s20 =	sshll.u32 s5, $0x1;
	s5 =	sadd.s32 s21, s3  }
0x9d: {  	[timem:s7], [sflag:s22] =	dma.local [hbm:s5], s20  }
0x9e: {  	_ =	swait.ge [sflag:s22], s20  }
0x9f: {  	s4 =	ssub.s32 $0x0, s20;
	[sflag:s22] =	ssyncset.done $0x0  }
0xa0: {  	[sflag:s22] =	ssyncadd.s32 s4;
	_ =	sdelay $0x1  }
0xa1: {  	s23 =	simm.s32 $0x1B8B  }
0xa2: {  	_ =	swait.ge [sflag:s23], $0x1  }
0xa3: {  	[sflag:s23] =	ssyncset.done $0x0  }
0xa4: {  	s25 =	simm.s32 $0x1B8E;
	s24 =	sld [smem:$0x3FFE];
	[sflag:s23] =	ssyncadd.s32 $0xFFFFFFFF  }
0xa5: {  	s26 =	simm.s32 $execute0_lowered;
	[smem:$0x3FD2] =	sst s25  }
0xa6: {  	s5 =	sshll.u32 s26, $0x1;
	_ =	strace $0x8000004C;
	[dreg:$0x1] =	wrdreg $0xFFFFFFFF  }
0xa7: {  	s28 =	simm.s32 $_size_execute0_lowered;
	s3 =	sadd.s32 s3, s5;
	[dreg:$0x0] =	wrdreg $0x0  }
0xa8: {  	s5 =	sshll.u32 s28, $0x1;
	[dreg:$0x2] =	wrdreg s3  }
0xa9: {  	[dreg:$0x3] =	wrdreg s5  }
0xaa: {  	[dreg:$0x4] =	wrdreg $0xC0  }
0xab: {  	_ =	task [dreg:s7], $0x5FFFF  }
0xac: {  	[dreg:$0x1] =	wrdreg $0xFFFFFFFF  }
0xad: {  	[dreg:$0x0] =	wrdreg $0x60  }
0xae: {  	[dreg:$0x2] =	wrdreg s24  }
0xaf: {  	[dreg:$0x3] =	wrdreg s2  }
0xb0: {  	[dreg:$0x4] =	wrdreg $0x9A800  }
0xb1: {  	[dreg:$0x5] =	wrdreg $0x9  }
0xb2: {  	_ =	task.clear_ibuf [dreg:s7], $0x6FFFF;
	_ =	strace $0x9000004C  }
0xb3: {  	s29 =	simm.s32 $0x9;
	_ =	strace $0x8000004E  }
0xb4: {  	_ =	swait.ge [sflag:s29], $0x1  }
0xb5: {  	[sflag:s29] =	ssyncadd.s32 $0xFFFFFFFF  }
0xb6: {  	_ =	strace $0x9000004E  }
0xb7: {  	_ =	sfence  }
0xb8: {  	s30 =	sld [smem:$0x0];
	_ =	sdelay $0x2  }
0xb9: {  	s31 =	sshll.u32 s1, $0xD;
	s1 =	sshrl.u32 s1, $0x2  }
0xba: {  	s3 =	sand.u32 $0x4000, s31;
	s1 =	sadd.s32 s1, s30  }
0xbb: {  	s0 =	sor.u32 s3, s0;
	s1 =	sshll.u32 s1, $0x11  }
0xbc: {  	s0 =	sor.u32 s1, s0  }
0xbd: {  	s0 =	sadd.s32 $0x8F2B, s0  }
0xbe: {  	[sflag:s0] =	ssyncadd.remote.s32 $0x1  }
0xbf: {  	_ =	sfence.sel $0xFFFF  }
0xc0: {  	[dreg:$0x0] =	wrdreg $0xFFFFFFFF;
	(pc) =	sbr.abs _section_cstart, $3  }
0xc1: {  	[dreg:$0x1] =	wrdreg $0xFFFFFFFF  }
0xc2: {  	_ =	task.clear_ibuf [dreg:s7], $0x2FFFF;
	_ =	strace $0x9FFFFFFF  }
0xc3: {  	(tm) =	ssettm $0x7FFFFFFF  }
tec
execute0_lowered:
.L_overlay_start_1:
0x0: {  	(tag) =	ssettag $0x1  }
0x1: {  	s1 =	rddreg [dreg:$0x0]  }
0x2: {  	s0 =	srdreg.scid;
	s2 =	rddreg [dreg:$0x1]  }
0x3: {  	s13 =	stileid.u32;
	s3 =	rddreg [dreg:$0x2]  }
0x4: {  	s0 =	sand.u32 $0x1, s0;
	s11 =	smul.u32 $0x14000, s13;
	s6 =	sadd.s32 $0x5E6200, s1  }
0x5: {  	s7 =	sadd.s32 $0x4000, s1;
	s8 =	sadd.s32 $0x86200, s1;
	s4 =	sshll.u32 s0, $0x4  }
0x6: {  	s10 =	smul.u32 $0x140000, s0;
	s0 =	ssub.s32 $0x2, s0;
	s9 =	sor.u32 s13, s4  }
0x7: {  	s4 =	simm.s32 $0x0;
	s19 =	sshrl.u32 s0, $0x1;
	s13 =	smul.u32 $0x50000, s13  }
0x8: {  	s5 =	smul.u32 $0x2880, s9;
	[smem:$0x7FF] =	sst s4;
	s10 =	sadd.s32 s11, s10  }
0x9: {  	s0 =	ssub.s32 s0, s19;
	s9 =	smul.u32 $0x28800, s9;
	_ =	strace $0x8000004D  }
0xa: {  	s10 =	sshrl.u32 s10, $0x3;
	s20 =	sshrl.u32 s13, $0x2;
	s0 =	smax.u32 s0, $0x1  }
0xb: {  	s12 =	sshrl.u32 s5, $0x3;
	s9 =	sadd.s32 s6, s9;
	[dreg:$0xa] =	wrdreg s0  }
0xc: {  	s14 =	sadd.s32 s12, s1;
	s21 =	sadd.s32 s2, s12;
	[dreg:$0x9] =	wrdreg s9  }
0xd: {  	s1 =	sadd.s32 s10, s1;
	s10 =	sadd.s32 s20, s3;
	[dreg:$0x5] =	wrdreg s21  }
0xe: {  	s22 =	sadd.s32 $0x54000, s14;
	[dreg:$0x6] =	wrdreg s10  }
0xf: {  	s11 =	sadd.s32 $0x4, s21;
	[dreg:$0x7] =	wrdreg s22  }
0x10: {  	s23 =	sadd.s32 $0x1000, s10;
	[dreg:$0x8] =	wrdreg s11  }
0x11: {  	s24 =	sadd.s32 $0x2000, s10;
	[dreg:$0xb] =	wrdreg s23  }
0x12: {  	s25 =	sadd.s32 $0x3000, s10;
	[dreg:$0xc] =	wrdreg s24  }
0x13: {  	s26 =	sadd.s32 $0x4000, s10;
	[dreg:$0xd] =	wrdreg s25  }
0x14: {  	s9 =	sadd.s32 $0x5000, s10;
	[dreg:$0xe] =	wrdreg s26  }
0x15: {  	s12 =	sadd.s32 $0x7000, s10;
	[dreg:$0xf] =	wrdreg s9  }
0x16: {  	s13 =	sadd.s32 $0x8000, s10;
	[dreg:$0x11] =	wrdreg s12  }
0x17: {  	s28 =	simm.s32 $0x3A80;
	s15 =	sadd.s32 $0x9000, s10;
	[dreg:$0x12] =	wrdreg s13  }
0x18: {  	s29 =	simm.s32 $0xA;
	s16 =	sadd.s32 $0xA000, s10;
	[dreg:$0x13] =	wrdreg s15  }
0x19: {  	s30 =	simm.s32 $0x1;
	s17 =	sadd.s32 $0xB000, s10;
	[dreg:$0x14] =	wrdreg s16  }
0x1a: {  	s31 =	simm.s32 $0x5;
	s18 =	sadd.s32 $0xC000, s10;
	[dreg:$0x15] =	wrdreg s17  }
0x1b: {  	s0 =	simm.s32 $0x5A80;
	s19 =	sadd.s32 $0xD000, s10;
	[dreg:$0x16] =	wrdreg s18  }
0x1c: {  	s14 =	sor.u32 $0x40, s5;
	s20 =	sadd.s32 $0xE000, s10;
	[dreg:$0x17] =	wrdreg s19  }
0x1d: {  	s21 =	sadd.s32 $0xF000, s10;
	s11 =	sadd.s32 $0x6000, s10;
	[dreg:$0x18] =	wrdreg s20  }
0x1e: {  	s25 =	sadd.s32 $0xD6200, s1;
	[dreg:$0x19] =	wrdreg s21;
	s22 =	sadd.s32 $0x10000, s10  }
0x1f: {  	s23 =	sadd.s32 $0x11000, s10;
	s24 =	sadd.s32 $0x12000, s10;
	s26 =	sadd.s32 $0x13000, s10  }
0x20: {  	s15 =	simm.s32 $0x8A80;
	s17 =	simm.s32 $0xB;
	[dreg:$0x10] =	wrdreg s11  }
0x21: {  	s19 =	simm.s32 $0x2A00;
	s20 =	simm.s32 $0x20;
	[dreg:$0x1a] =	wrdreg s22  }
0x22: {  	s21 =	simm.s32 $0x2A80;
	s9 =	simm.s32 $0x9;
	[dreg:$0x1b] =	wrdreg s23  }
0x23: {  	s18 =	simm.s32 $0x3;
	s1 =	simm.s32 $0x8;
	[dreg:$0x1c] =	wrdreg s24  }
0x24: {  	s12 =	simm.s32 $0x2880;
	[dreg:$0x1d] =	wrdreg s26;
	s22 =	simm.s32 $0x2  }
0x25: {  	v0 =	vimm.f32 $0.0e+00;
	s23 =	simm.s32 $0x4;
	s24 =	simm.s32 $0x6;
	s11 =	simm.s32 $0x7A80  }
.LBB2_1:
0x26: {  	s10 =	simm.s32 $0x0;
	s13 =	simm.s32 $0x200  }
.LBB2_2:
0x27: {  	p0 =	sne.s32 s13, $0x3E00;
	[tilespmem:s10+$0x8AF0] =	vst v0  }
0x28: {  	[tilespmem:s10+$0x8A80] =	vst v0  }
0x29: {  	[tilespmem:s10+$0x8A90] =	vst v0  }
.Ltmp0:
0x2a: {  	[tilespmem:s10+$0x8AA0] =	vst v0;
	(pc) =	sbr.rel @p0 .LBB2_2-.Ltmp0, $4  }
0x2b: {  	[tilespmem:s10+$0x8AB0] =	vst v0  }
0x2c: {  	[tilespmem:s10+$0x8AC0] =	vst v0  }
0x2d: {  	[tilespmem:s10+$0x8AD0] =	vst v0  }
0x2e: {  	[tilespmem:s10+$0x8AE0] =	vst v0;
	s10 =	sshra.s32 s13, $0x2;
	s13 =	sadd.s32 $0x200, s13  }
0x2f: {  	[tilespmem:s10+$0x8AF0] =	vst v0  }
0x30: {  	[tilespmem:s10+$0x8A80] =	vst v0  }
0x31: {  	[tilespmem:s10+$0x8A90] =	vst v0  }
0x32: {  	[tilespmem:s10+$0x8AA0] =	vst v0  }
0x33: {  	[tilespmem:s10+$0x8AB0] =	vst v0  }
0x34: {  	[tilespmem:s10+$0x8AC0] =	vst v0  }
0x35: {  	[dreg:$0x4] =	wrdreg s4;
	[tilespmem:s10+$0x8AD0] =	vst v0  }
0x36: {  	[tilespmem:s10+$0x8AE0] =	vst v0;
	s16 =	rddreg [dreg:$0x6]  }
0x37: {  	[spmem:s16] =	stream.linear.scatter [tilespmem:s15], [sflag:$0xB], $0x1000, $0x38;
	[tilespmem:$0x1DA80] =	vst v63  }
0x38: {  	_ =	swait.ge [sflag:s17], $0x1000  }
0x39: {  	[sflag:s17] =	ssyncset.done $0x0  }
0x3a: {  	s26 =	rddreg [dreg:$0xb];
	[sflag:s17] =	ssyncadd.s32 $0xFFFFF000  }
0x3b: {  	[spmem:s26] =	stream.linear.scatter [tilespmem:s15], [sflag:$0xB], $0x1000, $0x38;
	[tilespmem:$0x1DA80] =	vst v63  }
0x3c: {  	_ =	swait.ge [sflag:s17], $0x1000  }
0x3d: {  	[sflag:s17] =	ssyncset.done $0x0  }
0x3e: {  	s10 =	rddreg [dreg:$0xc];
	[sflag:s17] =	ssyncadd.s32 $0xFFFFF000  }
0x3f: {  	[spmem:s10] =	stream.linear.scatter [tilespmem:s15], [sflag:$0xB], $0x1000, $0x38;
	[tilespmem:$0x1DA80] =	vst v63  }
0x40: {  	_ =	swait.ge [sflag:s17], $0x1000  }
0x41: {  	[sflag:s17] =	ssyncset.done $0x0  }
0x42: {  	s13 =	rddreg [dreg:$0xd];
	[sflag:s17] =	ssyncadd.s32 $0xFFFFF000  }
0x43: {  	[spmem:s13] =	stream.linear.scatter [tilespmem:s15], [sflag:$0xB], $0x1000, $0x38;
	[tilespmem:$0x1DA80] =	vst v63  }
0x44: {  	_ =	swait.ge [sflag:s17], $0x1000  }
0x45: {  	[sflag:s17] =	ssyncset.done $0x0  }
0x46: {  	s16 =	rddreg [dreg:$0xe];
	[sflag:s17] =	ssyncadd.s32 $0xFFFFF000  }
0x47: {  	[spmem:s16] =	stream.linear.scatter [tilespmem:s15], [sflag:$0xB], $0x1000, $0x38;
	[tilespmem:$0x1DA80] =	vst v63  }
0x48: {  	_ =	swait.ge [sflag:s17], $0x1000  }
0x49: {  	[sflag:s17] =	ssyncset.done $0x0  }
0x4a: {  	s26 =	rddreg [dreg:$0xf];
	[sflag:s17] =	ssyncadd.s32 $0xFFFFF000  }
0x4b: {  	[spmem:s26] =	stream.linear.scatter [tilespmem:s15], [sflag:$0xB], $0x1000, $0x38;
	[tilespmem:$0x1DA80] =	vst v63  }
0x4c: {  	_ =	swait.ge [sflag:s17], $0x1000  }
0x4d: {  	[sflag:s17] =	ssyncset.done $0x0  }
0x4e: {  	s10 =	rddreg [dreg:$0x10];
	[sflag:s17] =	ssyncadd.s32 $0xFFFFF000  }
0x4f: {  	[spmem:s10] =	stream.linear.scatter [tilespmem:s15], [sflag:$0xB], $0x1000, $0x38;
	[tilespmem:$0x1DA80] =	vst v63  }
0x50: {  	_ =	swait.ge [sflag:s17], $0x1000  }
0x51: {  	[sflag:s17] =	ssyncset.done $0x0  }
0x52: {  	s13 =	rddreg [dreg:$0x11];
	[sflag:s17] =	ssyncadd.s32 $0xFFFFF000  }
0x53: {  	[spmem:s13] =	stream.linear.scatter [tilespmem:s15], [sflag:$0xB], $0x1000, $0x38;
	[tilespmem:$0x1DA80] =	vst v63  }
0x54: {  	_ =	swait.ge [sflag:s17], $0x1000  }
0x55: {  	[sflag:s17] =	ssyncset.done $0x0  }
0x56: {  	s16 =	rddreg [dreg:$0x12];
	[sflag:s17] =	ssyncadd.s32 $0xFFFFF000  }
0x57: {  	[spmem:s16] =	stream.linear.scatter [tilespmem:s15], [sflag:$0xB], $0x1000, $0x38;
	[tilespmem:$0x1DA80] =	vst v63  }
0x58: {  	_ =	swait.ge [sflag:s17], $0x1000  }
0x59: {  	[sflag:s17] =	ssyncset.done $0x0  }
0x5a: {  	s26 =	rddreg [dreg:$0x13];
	[sflag:s17] =	ssyncadd.s32 $0xFFFFF000  }
0x5b: {  	[spmem:s26] =	stream.linear.scatter [tilespmem:s15], [sflag:$0xB], $0x1000, $0x38;
	[tilespmem:$0x1DA80] =	vst v63  }
0x5c: {  	_ =	swait.ge [sflag:s17], $0x1000  }
0x5d: {  	[sflag:s17] =	ssyncset.done $0x0  }
0x5e: {  	s10 =	rddreg [dreg:$0x14];
	[sflag:s17] =	ssyncadd.s32 $0xFFFFF000  }
0x5f: {  	[spmem:s10] =	stream.linear.scatter [tilespmem:s15], [sflag:$0xB], $0x1000, $0x38;
	[tilespmem:$0x1DA80] =	vst v63  }
0x60: {  	_ =	swait.ge [sflag:s17], $0x1000  }
0x61: {  	[sflag:s17] =	ssyncset.done $0x0  }
0x62: {  	s13 =	rddreg [dreg:$0x15];
	[sflag:s17] =	ssyncadd.s32 $0xFFFFF000  }
0x63: {  	[spmem:s13] =	stream.linear.scatter [tilespmem:s15], [sflag:$0xB], $0x1000, $0x38;
	[tilespmem:$0x1DA80] =	vst v63  }
0x64: {  	_ =	swait.ge [sflag:s17], $0x1000  }
0x65: {  	[sflag:s17] =	ssyncset.done $0x0  }
0x66: {  	s16 =	rddreg [dreg:$0x16];
	[sflag:s17] =	ssyncadd.s32 $0xFFFFF000  }
0x67: {  	[spmem:s16] =	stream.linear.scatter [tilespmem:s15], [sflag:$0xB], $0x1000, $0x38;
	[tilespmem:$0x1DA80] =	vst v63  }
0x68: {  	_ =	swait.ge [sflag:s17], $0x1000  }
0x69: {  	[sflag:s17] =	ssyncset.done $0x0  }
0x6a: {  	s26 =	rddreg [dreg:$0x17];
	[sflag:s17] =	ssyncadd.s32 $0xFFFFF000  }
0x6b: {  	[spmem:s26] =	stream.linear.scatter [tilespmem:s15], [sflag:$0xB], $0x1000, $0x38;
	[tilespmem:$0x1DA80] =	vst v63  }
0x6c: {  	_ =	swait.ge [sflag:s17], $0x1000  }
0x6d: {  	[sflag:s17] =	ssyncset.done $0x0  }
0x6e: {  	s10 =	rddreg [dreg:$0x18];
	[sflag:s17] =	ssyncadd.s32 $0xFFFFF000  }
0x6f: {  	[spmem:s10] =	stream.linear.scatter [tilespmem:s15], [sflag:$0xB], $0x1000, $0x38;
	[tilespmem:$0x1DA80] =	vst v63  }
0x70: {  	_ =	swait.ge [sflag:s17], $0x1000  }
0x71: {  	[sflag:s17] =	ssyncset.done $0x0  }
0x72: {  	s13 =	rddreg [dreg:$0x19];
	[sflag:s17] =	ssyncadd.s32 $0xFFFFF000  }
0x73: {  	[spmem:s13] =	stream.linear.scatter [tilespmem:s15], [sflag:$0xB], $0x1000, $0x38;
	[tilespmem:$0x1DA80] =	vst v63  }
0x74: {  	_ =	swait.ge [sflag:s17], $0x1000  }
0x75: {  	[sflag:s17] =	ssyncset.done $0x0  }
0x76: {  	s16 =	rddreg [dreg:$0x1a];
	[sflag:s17] =	ssyncadd.s32 $0xFFFFF000  }
0x77: {  	[spmem:s16] =	stream.linear.scatter [tilespmem:s15], [sflag:$0xB], $0x1000, $0x38;
	[tilespmem:$0x1DA80] =	vst v63  }
0x78: {  	_ =	swait.ge [sflag:s17], $0x1000  }
0x79: {  	[sflag:s17] =	ssyncset.done $0x0  }
0x7a: {  	s26 =	rddreg [dreg:$0x1b];
	[sflag:s17] =	ssyncadd.s32 $0xFFFFF000  }
0x7b: {  	[spmem:s26] =	stream.linear.scatter [tilespmem:s15], [sflag:$0xB], $0x1000, $0x38;
	[tilespmem:$0x1DA80] =	vst v63  }
0x7c: {  	_ =	swait.ge [sflag:s17], $0x1000  }
0x7d: {  	[sflag:s17] =	ssyncset.done $0x0  }
0x7e: {  	s10 =	rddreg [dreg:$0x1c];
	[sflag:s17] =	ssyncadd.s32 $0xFFFFF000  }
0x7f: {  	[spmem:s10] =	stream.linear.scatter [tilespmem:s15], [sflag:$0xB], $0x1000, $0x38;
	[tilespmem:$0x1DA80] =	vst v63  }
0x80: {  	_ =	swait.ge [sflag:s17], $0x1000  }
0x81: {  	[sflag:s17] =	ssyncset.done $0x0  }
0x82: {  	s13 =	rddreg [dreg:$0x1d];
	[sflag:s17] =	ssyncadd.s32 $0xFFFFF000  }
0x83: {  	[spmem:s13] =	stream.linear.scatter [tilespmem:s15], [sflag:$0xB], $0x1000, $0x38;
	[tilespmem:$0x1DA80] =	vst v63  }
0x84: {  	_ =	swait.ge [sflag:s17], $0x1000  }
0x85: {  	[sflag:s17] =	ssyncset.done $0x0  }
0x86: {  	[sflag:s17] =	ssyncadd.s32 $0xFFFFF000  }
0x87: {  	[bflag:$0x0] =	sbarrier.arrive $0xFFFF  }
0x88: {  	s13 =	simm.s32 $0x0;
	s16 =	rddreg [dreg:$0x7]  }
0x89: {  	[tilespmem:s13], [sflag:$0xB] =	stream.linear.gather [hbm4b:s16+s13], $0x2880, $0x38;
	[tilespmem:$0x1DA80] =	vst v63  }
0x8a: {  	_ =	swait.ge [sflag:s17], $0x2880  }
0x8b: {  	[sflag:s17] =	ssyncset.done $0x0  }
0x8c: {  	s10 =	simm.s32 $0x2980;
	s26 =	rddreg [dreg:$0x5];
	[sflag:s17] =	ssyncadd.s32 $0xFFFFD780  }
0x8d: {  	[tilespmem:s10], [sflag:$0xB] =	stream.linear.gather [hbm4b:s26+s13], $0x20, $0x38;
	[tilespmem:$0x1DA80] =	vst v63  }
0x8e: {  	_ =	swait.ge [sflag:s17], $0x20  }
0x8f: {  	[sflag:s17] =	ssyncset.done $0x0  }
0x90: {  	s16 =	rddreg [dreg:$0x8];
	[sflag:s17] =	ssyncadd.s32 $0xFFFFFFE0  }
0x91: {  	[tilespmem:s19], [sflag:$0x8] =	stream.linear.gather [hbm4b:s16+s13], $0x20, $0x38;
	[tilespmem:$0x1DA80] =	vst v63  }
0x92: {  	s26 =	simm.s32 $0x4A80  }
0x93: {  	[tilespmem:s26], [sflag:$0x3] =	stream.indirect.gather [hbm4b:s7+s20], $0x80, s13, s20, $0xb8;
	[tilespmem:$0x1DA80] =	vst v63  }
.Ltmp1:
0x94: {  	_ = 	snop;
	(pc) =	sbr.rel .LBB2_4-.Ltmp1, $4  }
0x95: {  	s16 =	simm.s32 $0x6A80  }
0x96: {  	[tilespmem:s16], [sflag:$0x5] =	stream.indirect.gather [hbm4b:s8+s20], $0x80, s10, s20, $0xb8;
	[tilespmem:$0x1DA80] =	vst v63  }
0x97: {  	s26 =	rddreg [dreg:$0x9]  }
0x98: {  	[tilespmem:s21], [sflag:$0x1] =	stream.linear.gather [hbm4b:s26+s13], $0x1000, $0x38;
	[tilespmem:$0x1DA80] =	vst v63  }
.LBB2_10:
0x99: {  	v6 =	vmul.f32 v6, v19;
	v58 =	vld [tilespmem:s16+$0x2AF0];
	v12 =	vmul.f32 v12, v17  }
0x9a: {  	v59 =	vld [tilespmem:s16+$0x6AE0];
	v5 =	vmul.f32 v5, v18;
	v11 =	vmul.f32 v11, v16  }
0x9b: {  	v60 =	vmul.f32 v10, v15;
	v61 =	vld [tilespmem:s16+$0x6AF0];
	[tilespmem:s16+$0x2A80] =	vst v6;
	v4 =	vmul.f32 v4, v12  }
0x9c: {  	v62 =	vmul.f32 v9, v14;
	[tilespmem:s16+$0x2A90] =	vst v5;
	v3 =	vmul.f32 v3, v11  }
0x9d: {  	v63 =	vmul.f32 v8, v13;
	v2 =	vmul.f32 v2, v60;
	[tilespmem:s16+$0x2AA0] =	vst v4  }
0x9e: {  	v1 =	vmul.f32 v1, v62;
	[tilespmem:s16+$0x2AB0] =	vst v3;
	v3 =	vmul.f32 v7, v58  }
0x9f: {  	[tilespmem:s16+$0x2AC0] =	vst v2;
	v2 =	vmul.f32 v59, v63  }
0xa0: {  	[tilespmem:s16+$0x2AD0] =	vst v1;
	v1 =	vmul.f32 v61, v3  }
0xa1: {  	[tilespmem:s16+$0x2AE0] =	vst v2  }
0xa2: {  	[tilespmem:s16+$0x2AF0] =	vst v1  }
0xa3: {  	[spmem:s3] =	stream.indirect.scatter.add.f32 [tilespmem:s21], [sflag:$0x9], $0x80, s12, s20, $0xb8;
	[tilespmem:$0x1DA80] =	vst v63  }
.LBB2_14:
0xa4: {  	s13 =	sadd.s32 $0x1, s13  }
0xa5: {  	p0 =	sne.s32 s13, $0x144  }
.Ltmp2:
0xa6: {  	_ = 	snop;
	(pc) =	sbr.rel @!p0 .LBB2_15-.Ltmp2, $1  }
0xa7: {  	_ =	sdelay $0x3  }
.LBB2_4:
0xa8: {  	s10 =	sand.u32 $0x1, s13  }
0xa9: {  	p1 =	seq.s32 s10, $0x1  }
.Ltmp3:
0xaa: {  	_ = 	snop;
	(pc) =	sbr.rel @!p1 .LBB2_5-.Ltmp3, $2  }
0xab: {  	_ =	sdelay $0x2  }
0xac: {  	p0 =	sgt.u32 s13, $0x141  }
0xad: {  	_ =	swait.ge [sflag:s22], $0x1000  }
0xae: {  	[sflag:s22] =	ssyncset.done $0x0  }
0xaf: {  	[sflag:s22] =	ssyncadd.s32 $0xFFFFF000  }
0xb0: {  	_ =	swait.ge [sflag:s23], $0x1000  }
0xb1: {  	[sflag:s23] =	ssyncset.done $0x0  }
0xb2: {  	s4 =	sshll.u32 @!p0 s13, $0x5;
	[sflag:s23] =	ssyncadd.s32 $0xFFFFF000  }
0xb3: {  	s4 =	sadd.s32 @!p0 s4, s14;
	_ =	swait.ge [sflag:s24], $0x1000  }
0xb4: {  	s10 =	simm.s32 @!p0 $0x0;
	s4 =	sshrl.u32 @!p0 s4, $0x3;
	[sflag:s24] =	ssyncset.done $0x0  }
0xb5: {  	s16 =	simm.s32 @!p0 $0x2A00;
	s4 =	sadd.s32 @!p0 s2, s4;
	[sflag:s24] =	ssyncadd.s32 $0xFFFFF000  }
0xb6: {  	[tilespmem:s16], [sflag:$0x8] =	stream.linear.gather @!p0 [hbm4b:s4+s10], $0x20, $0x38;
	[tilespmem:$0x1DA80] =	vst v63  }
0xb7: {  	_ =	swait.ge [sflag:s9], $0x1000  }
0xb8: {  	p0 =	seq.s32 s13, $0x143;
	[sflag:s9] =	ssyncset.done $0x0  }
0xb9: {  	s4 =	simm.s32 @!p0 $0x7;
	[sflag:s9] =	ssyncadd.s32 $0xFFFFF000  }
0xba: {  	_ =	swait.ge @!p0 [sflag:s4], $0x20  }
0xbb: {  	[sflag:s4] =	ssyncset.done @!p0 $0x0  }
0xbc: {  	[sflag:s4] =	ssyncadd.s32 @!p0 $0xFFFFFFE0;
	s4 =	sshll.u32 @!p0 s13, $0x5  }
0xbd: {  	s10 =	simm.s32 @!p0 $0x20;
	s16 =	simm.s32 @!p0 $0x4A80;
	s4 =	sadd.s32 @!p0 $0x20, s4  }
0xbe: {  	[tilespmem:s16], [sflag:$0x3] =	stream.indirect.gather @!p0 [hbm4b:s7+s10], $0x80, s4, s10, $0xb8;
	[tilespmem:$0x1DA80] =	vst v63  }
0xbf: {  	s4 =	sadd.s32 @!p0 s5, s4  }
0xc0: {  	s26 =	simm.s32 @!p0 $0x6A80;
	s16 =	simm.s32 @!p0 $0x2980;
	s4 =	sshll.u32 @!p0 s4, $0x4  }
0xc1: {  	[tilespmem:s26], [sflag:$0x5] =	stream.indirect.gather @!p0 [hbm4b:s8+s10], $0x80, s16, s10, $0xb8;
	[tilespmem:$0x1DA80] =	vst v63  }
0xc2: {  	s4 =	sadd.s32 @!p0 s6, s4  }
0xc3: {  	s10 =	simm.s32 @!p0 $0x0;
	s16 =	simm.s32 @!p0 $0x2A80;
	s26 =	sshll.u32 s13, $0x5  }
0xc4: {  	[tilespmem:s16], [sflag:$0x1] =	stream.linear.gather @!p0 [hbm4b:s4+s10], $0x1000, $0x38;
	[tilespmem:$0x1DA80] =	vst v63  }
0xc5: {  	s4 =	sand.u32 $0x3FFFFFE0, s26  }
0xc6: {  	v1 =	vld [tilespmem:s4+$0x0];
	_ =	sdelay $0x4  }
0xc7: {  	[tilespmem:$0x2900] =	vst v1  }
0xc8: {  	v1 =	vld [tilespmem:s4+$0x10];
	_ =	sdelay $0x4  }
0xc9: {  	s16 =	simm.s32 $0x0;
	[tilespmem:$0x2910] =	vst v1  }
0xca: {  	v6 =	vld [tilespmem:s16+$0x7A80]  }
0xcb: {  	v5 =	vld [tilespmem:s16+$0x7A90]  }
0xcc: {  	v4 =	vld [tilespmem:s16+$0x7AA0]  }
0xcd: {  	v3 =	vld [tilespmem:s16+$0x7AB0]  }
0xce: {  	v2 =	vld [tilespmem:s16+$0x7AC0]  }
0xcf: {  	v1 =	vld [tilespmem:s16+$0x7AD0]  }
0xd0: {  	v13 =	vld [tilespmem:s16+$0x5A80]  }
0xd1: {  	v18 =	vld [tilespmem:s16+$0x5A90]  }
0xd2: {  	v12 =	vld [tilespmem:s16+$0x5AA0]  }
0xd3: {  	v11 =	vld [tilespmem:s16+$0x5AB0]  }
0xd4: {  	v10 =	vld [tilespmem:s16+$0x5AC0]  }
0xd5: {  	v9 =	vld [tilespmem:s16+$0x5AD0]  }
0xd6: {  	v8 =	vld [tilespmem:s16+$0x5AE0]  }
0xd7: {  	v7 =	vld [tilespmem:s16+$0x5AF0]  }
0xd8: {  	v19 =	vld [tilespmem:s16+$0x3A80]  }
0xd9: {  	v20 =	vld [tilespmem:s16+$0x3A90]  }
0xda: {  	v17 =	vld [tilespmem:s16+$0x3AA0]  }
0xdb: {  	v16 =	vld [tilespmem:s16+$0x3AB0]  }
0xdc: {  	v15 =	vld [tilespmem:s16+$0x3AC0]  }
0xdd: {  	v14 =	vld [tilespmem:s16+$0x3AD0];
	v19 =	vmul.f32 v13, v19  }
0xde: {  	s10 =	simm.s32 $0x200;
	v18 =	vmul.f32 v18, v20;
	v13 =	vld [tilespmem:s16+$0x3AE0]  }
.LBB2_12:
0xdf: {  	p0 =	sne.s32 s10, $0x3E00;
	v6 =	vmul.f32 v6, v19;
	v12 =	vmul.f32 v12, v17;
	v17 =	vld [tilespmem:s16+$0x3AF0]  }
0xe0: {  	v5 =	vmul.f32 v5, v18;
	v11 =	vmul.f32 v11, v16;
	v16 =	vld [tilespmem:s16+$0x7AE0]  }
0xe1: {  	s4 =	sshra.s32 s10, $0x2;
	[tilespmem:s16+$0x3A80] =	vst v6;
	v4 =	vmul.f32 v4, v12;
	v10 =	vmul.f32 v10, v15;
	v12 =	vld [tilespmem:s16+$0x7AF0]  }
0xe2: {  	v6 =	vld [tilespmem:s4+$0x7A80];
	[tilespmem:s16+$0x3A90] =	vst v5;
	v3 =	vmul.f32 v3, v11;
	v9 =	vmul.f32 v9, v14  }
0xe3: {  	v5 =	vld [tilespmem:s4+$0x7A90];
	[tilespmem:s16+$0x3AA0] =	vst v4;
	v2 =	vmul.f32 v2, v10;
	v8 =	vmul.f32 v8, v13  }
0xe4: {  	v4 =	vld [tilespmem:s4+$0x7AA0];
	[tilespmem:s16+$0x3AB0] =	vst v3;
	v1 =	vmul.f32 v1, v9;
	v7 =	vmul.f32 v7, v17  }
0xe5: {  	v3 =	vld [tilespmem:s4+$0x7AB0];
	[tilespmem:s16+$0x3AC0] =	vst v2;
	v8 =	vmul.f32 v16, v8  }
0xe6: {  	v2 =	vld [tilespmem:s4+$0x7AC0];
	[tilespmem:s16+$0x3AD0] =	vst v1;
	v7 =	vmul.f32 v12, v7  }
0xe7: {  	v1 =	vld [tilespmem:s4+$0x7AD0];
	[tilespmem:s16+$0x3AE0] =	vst v8  }
0xe8: {  	v13 =	vld [tilespmem:s4+$0x5A80];
	[tilespmem:s16+$0x3AF0] =	vst v7;
	s16 =	smov.u32 s4  }
0xe9: {  	v18 =	vld [tilespmem:s16+$0x5A90]  }
0xea: {  	v12 =	vld [tilespmem:s16+$0x5AA0]  }
0xeb: {  	v11 =	vld [tilespmem:s16+$0x5AB0]  }
0xec: {  	v10 =	vld [tilespmem:s16+$0x5AC0]  }
0xed: {  	v9 =	vld [tilespmem:s16+$0x5AD0]  }
0xee: {  	v8 =	vld [tilespmem:s16+$0x5AE0]  }
0xef: {  	v7 =	vld [tilespmem:s16+$0x5AF0]  }
0xf0: {  	v14 =	vld [tilespmem:s16+$0x3A80]  }
0xf1: {  	v20 =	vld [tilespmem:s16+$0x3A90]  }
.Ltmp4:
0xf2: {  	v17 =	vld [tilespmem:s16+$0x3AA0];
	(pc) =	sbr.rel @p0 .LBB2_12-.Ltmp4, $4  }
0xf3: {  	v16 =	vld [tilespmem:s16+$0x3AB0]  }
0xf4: {  	v15 =	vld [tilespmem:s16+$0x3AC0]  }
0xf5: {  	v19 =	vmul.f32 v13, v14;
	v14 =	vld [tilespmem:s16+$0x3AD0]  }
0xf6: {  	s10 =	sadd.s32 $0x200, s10;
	v18 =	vmul.f32 v18, v20;
	v13 =	vld [tilespmem:s16+$0x3AE0]  }
0xf7: {  	v6 =	vmul.f32 v6, v19;
	v58 =	vld [tilespmem:s16+$0x3AF0];
	v12 =	vmul.f32 v12, v17  }
0xf8: {  	v59 =	vld [tilespmem:s16+$0x7AE0];
	v5 =	vmul.f32 v5, v18;
	v11 =	vmul.f32 v11, v16  }
0xf9: {  	v61 =	vld [tilespmem:s16+$0x7AF0];
	[tilespmem:s16+$0x3A80] =	vst v6;
	v4 =	vmul.f32 v4, v12;
	v60 =	vmul.f32 v10, v15  }
0xfa: {  	[tilespmem:s16+$0x3A90] =	vst v5;
	v3 =	vmul.f32 v3, v11;
	v62 =	vmul.f32 v9, v14  }
0xfb: {  	[tilespmem:s16+$0x3AA0] =	vst v4;
	v2 =	vmul.f32 v2, v60;
	v63 =	vmul.f32 v8, v13  }
0xfc: {  	[tilespmem:s16+$0x3AB0] =	vst v3;
	v1 =	vmul.f32 v1, v62;
	v3 =	vmul.f32 v7, v58  }
.Ltmp5:
0xfd: {  	[tilespmem:s16+$0x3AC0] =	vst v2;
	v2 =	vmul.f32 v59, v63;
	(pc) =	sbr.rel .LBB2_14-.Ltmp5, $4  }
0xfe: {  	[tilespmem:s16+$0x3AD0] =	vst v1;
	v1 =	vmul.f32 v61, v3  }
0xff: {  	[tilespmem:s16+$0x3AE0] =	vst v2  }
0x100: {  	s4 =	simm.s32 $0x2900;
	[tilespmem:s16+$0x3AF0] =	vst v1  }
0x101: {  	[spmem:s3] =	stream.indirect.scatter.add.f32 [tilespmem:s28], [sflag:$0xA], $0x80, s4, s20, $0xb8;
	[tilespmem:$0x1DA80] =	vst v63  }
.LBB2_5:
0x102: {  	_ =	swait.ge [sflag:s30], $0x1000  }
0x103: {  	[sflag:s30] =	ssyncset.done $0x0  }
0x104: {  	[sflag:s30] =	ssyncadd.s32 $0xFFFFF000  }
0x105: {  	p1 =	seq.s32 @!p0 s13, $0x0;
	_ =	swait.ge [sflag:s18], $0x1000  }
0x106: {  	p1 =	por p0, !p1;
	[sflag:s18] =	ssyncset.done $0x0  }
.Ltmp6:
0x107: {  	s10 =	sshll.u32 s13, $0x5;
	[sflag:s18] =	ssyncadd.s32 $0xFFFFF000;
	(pc) =	sbr.rel @!p1 .LBB2_6-.Ltmp6, $4  }
0x108: {  	s16 =	sadd.s32 @!p0 s10, s14;
	_ =	swait.ge [sflag:s31], $0x1000  }
0x109: {  	s4 =	simm.s32 @!p0 $0x0;
	s16 =	sshrl.u32 @!p0 s16, $0x3;
	[sflag:s31] =	ssyncset.done $0x0  }
0x10a: {  	s26 =	simm.s32 @!p0 $0x2980;
	s16 =	sadd.s32 @!p0 s2, s16;
	[sflag:s31] =	ssyncadd.s32 $0xFFFFF000  }
0x10b: {  	[tilespmem:s26], [sflag:$0x7] =	stream.linear.gather @!p0 [hbm4b:s16+s4], $0x20, $0x38;
	[tilespmem:$0x1DA80] =	vst v63  }
.Ltmp7:
0x10c: {  	(pc) =	sbr.rel .LBB2_8-.Ltmp7, $4  }
0x10d: {  	_ = 	snop  }
0x10e: {  	_ =	swait.ge [sflag:s29], $0x1000  }
0x10f: {  	[sflag:s29] =	ssyncset.done $0x0  }
0x110: {  	s16 =	sor.u32 $0x20, s10;
	[sflag:s29] =	ssyncadd.s32 $0xFFFFF000  }
.LBB2_6:
0x111: {  	s16 =	simm.s32 @!p0 $0x20  }
.LBB2_8:
0x112: {  	_ =	swait.ge [sflag:s1], $0x20  }
0x113: {  	[sflag:s1] =	ssyncset.done $0x0  }
0x114: {  	s4 =	sadd.s32 s5, s16;
	[sflag:s1] =	ssyncadd.s32 $0xFFFFFFE0  }
0x115: {  	[tilespmem:s0], [sflag:$0x4] =	stream.indirect.gather [hbm4b:s7+s20], $0x80, s16, s20, $0xb8;
	[tilespmem:$0x1DA80] =	vst v63  }
0x116: {  	s4 =	sshll.u32 s4, $0x4  }
0x117: {  	[tilespmem:s11], [sflag:$0x6] =	stream.indirect.gather [hbm4b:s8+s20], $0x80, s19, s20, $0xb8;
	[tilespmem:$0x1DA80] =	vst v63  }
0x118: {  	s26 =	simm.s32 $0x0;
	s4 =	sadd.s32 s6, s4  }
0x119: {  	[tilespmem:s28], [sflag:$0x2] =	stream.linear.gather [hbm4b:s4+s26], $0x1000, $0x38;
	[tilespmem:$0x1DA80] =	vst v63  }
0x11a: {  	s26 =	sand.u32 $0x3FFFFFE0, s10  }
0x11b: {  	v1 =	vld [tilespmem:s26+$0x0];
	_ =	sdelay $0x4  }
0x11c: {  	[tilespmem:$0x2880] =	vst v1  }
0x11d: {  	v1 =	vld [tilespmem:s26+$0x10];
	_ =	sdelay $0x4  }
0x11e: {  	s16 =	simm.s32 $0x0;
	[tilespmem:$0x2890] =	vst v1  }
0x11f: {  	v6 =	vld [tilespmem:s16+$0x6A80]  }
0x120: {  	v5 =	vld [tilespmem:s16+$0x6A90]  }
0x121: {  	v4 =	vld [tilespmem:s16+$0x6AA0]  }
0x122: {  	v3 =	vld [tilespmem:s16+$0x6AB0]  }
0x123: {  	v2 =	vld [tilespmem:s16+$0x6AC0]  }
0x124: {  	v1 =	vld [tilespmem:s16+$0x6AD0]  }
0x125: {  	v13 =	vld [tilespmem:s16+$0x4A80]  }
0x126: {  	v18 =	vld [tilespmem:s16+$0x4A90]  }
0x127: {  	v12 =	vld [tilespmem:s16+$0x4AA0]  }
0x128: {  	v11 =	vld [tilespmem:s16+$0x4AB0]  }
0x129: {  	v10 =	vld [tilespmem:s16+$0x4AC0]  }
0x12a: {  	v9 =	vld [tilespmem:s16+$0x4AD0]  }
0x12b: {  	v8 =	vld [tilespmem:s16+$0x4AE0]  }
0x12c: {  	v7 =	vld [tilespmem:s16+$0x4AF0]  }
0x12d: {  	v19 =	vld [tilespmem:s16+$0x2A80]  }
0x12e: {  	v20 =	vld [tilespmem:s16+$0x2A90]  }
0x12f: {  	v17 =	vld [tilespmem:s16+$0x2AA0]  }
0x130: {  	v16 =	vld [tilespmem:s16+$0x2AB0]  }
0x131: {  	v15 =	vld [tilespmem:s16+$0x2AC0]  }
0x132: {  	v14 =	vld [tilespmem:s16+$0x2AD0];
	v19 =	vmul.f32 v13, v19  }
0x133: {  	s10 =	simm.s32 $0x200;
	v18 =	vmul.f32 v18, v20;
	v13 =	vld [tilespmem:s16+$0x2AE0]  }
.LBB2_9:
0x134: {  	p0 =	sne.s32 s10, $0x3E00;
	v6 =	vmul.f32 v6, v19;
	v12 =	vmul.f32 v12, v17;
	v17 =	vld [tilespmem:s16+$0x2AF0]  }
0x135: {  	v5 =	vmul.f32 v5, v18;
	v11 =	vmul.f32 v11, v16;
	v16 =	vld [tilespmem:s16+$0x6AE0]  }
0x136: {  	s4 =	sshra.s32 s10, $0x2;
	v10 =	vmul.f32 v10, v15;
	[tilespmem:s16+$0x2A80] =	vst v6;
	v4 =	vmul.f32 v4, v12;
	v12 =	vld [tilespmem:s16+$0x6AF0]  }
0x137: {  	v9 =	vmul.f32 v9, v14;
	v3 =	vmul.f32 v3, v11;
	v6 =	vld [tilespmem:s4+$0x6A80];
	[tilespmem:s16+$0x2A90] =	vst v5  }
0x138: {  	v8 =	vmul.f32 v8, v13;
	v2 =	vmul.f32 v2, v10;
	v5 =	vld [tilespmem:s4+$0x6A90];
	[tilespmem:s16+$0x2AA0] =	vst v4  }
0x139: {  	v1 =	vmul.f32 v1, v9;
	v4 =	vld [tilespmem:s4+$0x6AA0];
	[tilespmem:s16+$0x2AB0] =	vst v3;
	v7 =	vmul.f32 v7, v17  }
0x13a: {  	v3 =	vld [tilespmem:s4+$0x6AB0];
	[tilespmem:s16+$0x2AC0] =	vst v2;
	v8 =	vmul.f32 v16, v8  }
0x13b: {  	v2 =	vld [tilespmem:s4+$0x6AC0];
	[tilespmem:s16+$0x2AD0] =	vst v1;
	v7 =	vmul.f32 v12, v7  }
0x13c: {  	v1 =	vld [tilespmem:s4+$0x6AD0];
	[tilespmem:s16+$0x2AE0] =	vst v8  }
0x13d: {  	v13 =	vld [tilespmem:s4+$0x4A80];
	[tilespmem:s16+$0x2AF0] =	vst v7;
	s16 =	smov.u32 s4  }
0x13e: {  	v18 =	vld [tilespmem:s16+$0x4A90]  }
0x13f: {  	v12 =	vld [tilespmem:s16+$0x4AA0]  }
0x140: {  	v11 =	vld [tilespmem:s16+$0x4AB0]  }
0x141: {  	v10 =	vld [tilespmem:s16+$0x4AC0]  }
0x142: {  	v9 =	vld [tilespmem:s16+$0x4AD0]  }
0x143: {  	v8 =	vld [tilespmem:s16+$0x4AE0]  }
0x144: {  	v7 =	vld [tilespmem:s16+$0x4AF0]  }
0x145: {  	v14 =	vld [tilespmem:s16+$0x2A80]  }
0x146: {  	v20 =	vld [tilespmem:s16+$0x2A90]  }
.Ltmp8:
0x147: {  	v17 =	vld [tilespmem:s16+$0x2AA0];
	(pc) =	sbr.rel @p0 .LBB2_9-.Ltmp8, $4  }
0x148: {  	v16 =	vld [tilespmem:s16+$0x2AB0]  }
0x149: {  	v15 =	vld [tilespmem:s16+$0x2AC0]  }
0x14a: {  	v19 =	vmul.f32 v13, v14;
	v14 =	vld [tilespmem:s16+$0x2AD0]  }
0x14b: {  	s10 =	sadd.s32 $0x200, s10;
	v18 =	vmul.f32 v18, v20;
	v13 =	vld [tilespmem:s16+$0x2AE0]  }
.Ltmp9:
0x14c: {  	_ = 	snop;
	(pc) =	sbr.rel .LBB2_10-.Ltmp9, $1  }
0x14d: {  	_ =	sdelay $0x3  }
.LBB2_15:
0x14e: {  	_ =	swait.ge [sflag:s29], $0x1000  }
0x14f: {  	[sflag:s29] =	ssyncset.done $0x0  }
0x150: {  	[sflag:s29] =	ssyncadd.s32 $0xFFFFF000  }
0x151: {  	s4 =	stileid.u32;
	[bflag:$0x0] =	sbarrier.arrive $0xFFFF  }
0x152: {  	s4 =	sshll.u32 s4, $0x6;
	s26 =	rddreg [dreg:$0x6]  }
0x153: {  	s13 =	sadd.s32 $0x0, s25;
	s10 =	sor.u32 $0x1C0B, s4;
	s4 =	sshrl.u32 s26, $0x3  }
0x154: {  	[hbm:s13], [sflag:s10] =	dma.local [spmem:s4], $0x200  }
0x155: {  	_ =	swait.ge [sflag:s17], $0x200  }
0x156: {  	s13 =	simm.s32 $0x200;
	s16 =	rddreg [dreg:$0xb]  }
.LBB2_16:
0x157: {  	s4 =	sadd.s32 s13, s25;
	[sflag:s17] =	ssyncset.done $0x0;
	p0 =	sne.s32 s13, $0x2600  }
.Ltmp10:
0x158: {  	s26 =	sshrl.u32 s16, $0x3;
	[sflag:s17] =	ssyncadd.s32 $0xFFFFFE00;
	(pc) =	sbr.rel @p0 .LBB2_16-.Ltmp10, $3  }
0x159: {  	[hbm:s4], [sflag:s10] =	dma.local [spmem:s26], $0x200  }
0x15a: {  	s13 =	sadd.s32 $0x200, s13;
	_ =	sdelay $0x1  }
0x15b: {  	s16 =	sadd.s32 $0x1000, s16;
	_ =	swait.ge [sflag:s17], $0x200  }
0x15c: {  	s4 =	rddreg [dreg:$0x4]  }
0x15d: {  	s10 =	rddreg [dreg:$0xa];
	s4 =	sadd.s32 $0x1, s4  }
0x15e: {  	p0 =	sne.s32 s4, s10  }
.Ltmp11:
0x15f: {  	_ = 	snop;
	(pc) =	sbr.rel @p0 .LBB2_1-.Ltmp11, $3  }
0x160: {  	_ =	sdelay $0x1  }
0x161: {  	[sflag:s17] =	ssyncset.done $0x0  }
0x162: {  	[sflag:s17] =	ssyncadd.s32 $0xFFFFFE00  }
0x163: {  	_ =	sfence.sel $0x180000  }
0x164: {  	[bflag:$0x0] =	sbarrier.arrive $0xFFFF  }
0x165: {  	_ =	strace $0x9000004D  }
0x166: {  	s0 =	stileid.u32;
	[bflag:$0x2] =	sbarrier.arrive $0xFFFF  }
0x167: {  	p0 =	sne.s32 s0, $0x0;
	s0 =	rddreg [dreg:$0x3]  }
0x168: {  	s0 =	sadd.s32 @!p0 $0x100000, s0  }
0x169: {  	[sflag:s0] =	ssyncadd.tile.s32 @!p0 $0x1;
	_ =	shalt  }
.Lfunc_end2:
_tile_overlayer_lowered:
.L_overlay_start_2:
0x16a: {  	(tag) =	ssettag $0x2  }
0x16b: {  	s0 =	rddreg [dreg:$0x0];
	s2 =	stileid.u32  }
0x16c: {  	s1 =	rddreg [dreg:$0x1];
	p0 =	sne.s32 s2, $0x0  }
0x16d: {  	s3 =	rddreg [dreg:$0x2];
	[bflag:$0x3] =	sbarrier.arrive $0xFFFF;
	s2 =	simm.s32 @!p0 $0x1C0B  }
0x16e: {  	[timem:s3], [sflag:s2] =	dma.local @!p0 [hbm:s0], s1  }
0x16f: {  	s0 =	simm.s32 @!p0 $0xB  }
0x170: {  	_ =	swait.ge @!p0 [sflag:s0], s1  }
0x171: {  	s1 =	ssub.s32 @!p0 $0x0, s1;
	[sflag:s0] =	ssyncset.done @!p0 $0x0  }
0x172: {  	[sflag:s0] =	ssyncadd.s32 @!p0 s1  }
0x173: {  	[bflag:$0x3] =	sbarrier.arrive $0xFFFF  }
0x174: {  	_ =	shalt  }

</sc_bundles>
